<compile_context>
chip_gen: v7x
topology: tpu7x:2x2x1
jax: 0.10.2.dev20260603
libtpu: 0.0.44.dev20260713+nightly
codegen_flags: <defaults>
</compile_context>

<pallas_src>
import jax
import jax.numpy as jnp
from jax import lax
from jax.experimental import pallas as pl
from jax.experimental.pallas import tpu as pltpu
from jax.experimental.pallas import tpu_sc as plsc

N = 576
H = 384
BW = 32
K_ZERO = int(N * N * 30 / 100)
NPAD = 1024
NVREG = NPAD // 16
NJ = N // 16
INT_MIN32 = -2147483648
KEYSH = 9
KEYLOW = (1 << KEYSH) - 1
KEY_INF = 2139095040 >> KEYSH
N_ITERS = 23

_DOTDIM_T = (((1,), (1,)), ((), ()))


def _stage_a_body(x_ref, gm_ref):
    xb = x_ref[0]
    gc = jnp.mean(xb, axis=1, keepdims=True)
    mc = jnp.max(xb, axis=1, keepdims=True)
    c2 = jnp.concatenate([gc, mc], axis=1)
    cpad = jnp.pad(c2, ((0, 0), (0, 126)))
    r = jnp.transpose(cpad)
    gm_ref[0] = jnp.concatenate([r[0:1], r[1:2]], axis=1)


def _stage_b_body(gm_ref, w_ref, out_ref):
    row = gm_ref[0]
    g_row = row[:, :N]
    m_row = row[:, N:]
    gpad = jnp.pad(g_row, ((0, 7), (0, 0)))
    g_col = jnp.transpose(gpad)[:, 0:1]
    adj = g_col * m_row
    w = w_ref[0, 0, 0]
    out_ref[0] = jnp.where(adj >= w, jax.nn.sigmoid(adj), 0.0)


def _sorted16(y):
    out = plsc.sort_key_val(y, y)
    return out[0] if isinstance(out, (tuple, list)) else out


def _keys_v(f):
    b = plsc.bitcast(f, jnp.int32)
    key = jnp.where(b >= 0, b, jnp.full((16,), INT_MIN32, jnp.int32) - b)
    return lax.shift_right_arithmetic(key, KEYSH)


def _decode_hi(midv, int_min16, pinf16):
    bp = lax.shift_left(midv, KEYSH) | KEYLOW
    bits = jnp.where(bp >= 0, bp, int_min16 - bp)
    v = plsc.bitcast(bits, jnp.float32)
    return jnp.where(midv >= KEY_INF, pinf16, v)


def _sc_body(gm_hbm, thr_hbm, gs_v, gm_v, out_v):
    wid = lax.axis_index("s") * 2 + lax.axis_index("c")
    pltpu.sync_copy(gm_hbm.at[wid], gm_v)

    inf16 = jnp.full((16,), jnp.inf, jnp.float32)

    def gcopy_body(i, c):
        gs_v[pl.ds(i * 16, 16)] = gm_v[pl.ds(i * 16, 16)]
        return c

    lax.fori_loop(0, N // 16, gcopy_body, 0)

    def pad_body(i, c):
        gs_v[pl.ds(N + i * 16, 16)] = inf16
        return c

    lax.fori_loop(0, (NPAD - N) // 16, pad_body, 0)

    one16 = jnp.full((16,), 1.0, jnp.float32)
    neg16 = jnp.full((16,), -1.0, jnp.float32)

    def vsort_pass(kv):
        def body(v, c):
            vec = gs_v[pl.ds(v * 16, 16)]
            asc = (v & kv) == 0
            s = jnp.where(asc, one16, neg16)
            gs_v[pl.ds(v * 16, 16)] = _sorted16(vec * s) * s
            return c

        lax.fori_loop(0, NVREG, body, 0)

    vsort_pass(1)
    for t in range(6):
        kv = 2 << t
        for u in range(t, -1, -1):
            jv = 1 << u

            def cross_body(p, c, u=u, jv=jv, kv=kv):
                a = ((p >> u) << (u + 1)) | (p & (jv - 1))
                b = a + jv
                asc = (a & kv) == 0
                va = gs_v[pl.ds(a * 16, 16)]
                vb = gs_v[pl.ds(b * 16, 16)]
                lo = jnp.minimum(va, vb)
                hi = jnp.maximum(va, vb)
                gs_v[pl.ds(a * 16, 16)] = jnp.where(asc, lo, hi)
                gs_v[pl.ds(b * 16, 16)] = jnp.where(asc, hi, lo)
                return c

            lax.fori_loop(0, NVREG // 2, cross_body, 0)
        vsort_pass(kv)

    def mmx_body(j, carry):
        mn, mx = carry
        mvec = gm_v[pl.ds(N + j * 16, 16)]
        return jnp.minimum(mn, mvec), jnp.maximum(mx, mvec)

    m_mn, m_mx = lax.fori_loop(0, NJ, mmx_body, (inf16, -inf16))
    m_mn = jnp.full((16,), jnp.min(m_mn), jnp.float32)
    m_mx = jnp.full((16,), jnp.max(m_mx), jnp.float32)
    g_mn = jnp.full((16,), jnp.min(gs_v[pl.ds(0, 16)]), jnp.float32)
    g_mx = jnp.full((16,), jnp.max(gs_v[pl.ds((N // 16 - 1) * 16, 16)]),
                    jnp.float32)
    p1, p2 = g_mn * m_mn, g_mn * m_mx
    p3, p4 = g_mx * m_mn, g_mx * m_mx
    pmin = jnp.minimum(jnp.minimum(p1, p2), jnp.minimum(p3, p4))
    pmax = jnp.maximum(jnp.maximum(p1, p2), jnp.maximum(p3, p4))
    lo_init = jnp.min(_keys_v(pmin)) - 1
    hi_init = jnp.max(_keys_v(pmax))

    zero16 = jnp.zeros((16,), jnp.int32)
    n16 = jnp.full((16,), N, jnp.int32)
    int_min16 = jnp.full((16,), INT_MIN32, jnp.int32)

    def count_quad(j4, tot, v):
        cnt = zero16
        for q in range(4):
            mvec = gm_v[pl.ds(N + (j4 * 4 + q) * 16, 16)]
            neg = mvec < 0.0
            loi = zero16
            hii = n16
            for _ in range(10):
                midi = lax.shift_right_arithmetic(loi + hii, 1)
                gv = plsc.load_gather(gs_v, [midi])
                le = (gv * mvec) <= v
                pr = le != neg
                loi = jnp.where(pr, midi + 1, loi)
                hii = jnp.where(pr, hii, midi)
            cnt = cnt + jnp.where(neg, n16 - loi, loi)
        return tot + jnp.sum(cnt)

    def titer(_, carry):
        lo_k, hi_k = carry
        mid = lax.shift_right_arithmetic(lo_k + hi_k, 1)
        midv = jnp.full((16,), mid, jnp.int32)
        v = _decode_hi(midv, int_min16, jnp.full((16,), jnp.inf,
                                                 jnp.float32))
        c = lax.fori_loop(0, NJ // 4, lambda j4, tot: count_quad(j4, tot, v),
                          jnp.int32(0))
        pred = c >= K_ZERO + 1
        return (jnp.where(pred, lo_k, mid), jnp.where(pred, mid, hi_k))

    _, thr = lax.fori_loop(0, N_ITERS, titer, (lo_init, hi_init))

    thrv = jnp.full((16,), thr, jnp.int32)
    c0 = lax.shift_left(thrv, KEYSH)
    c1 = c0 | KEYLOW
    f0 = plsc.bitcast(jnp.where(c0 >= 0, c0, int_min16 - c0), jnp.float32)
    f1 = plsc.bitcast(jnp.where(c1 >= 0, c1, int_min16 - c1), jnp.float32)
    out_v[...] = jnp.minimum(f0, f1)
    pltpu.sync_copy(out_v, thr_hbm.at[wid])


def _thresholds_sc(gm2):
    mesh = plsc.VectorSubcoreMesh(
        core_axis_name="c", subcore_axis_name="s", num_cores=2,
        num_subcores=16)
    return pl.kernel(
        _sc_body,
        out_type=jax.ShapeDtypeStruct((BW, 16), jnp.float32),
        mesh=mesh,
        scratch_types=[
            pltpu.VMEM((NPAD,), jnp.float32),
            pltpu.VMEM((2 * N,), jnp.float32),
            pltpu.VMEM((16,), jnp.float32),
        ],
        compiler_params=pltpu.CompilerParams(
            needs_layout_passes=False, use_tc_tiling_on_sc=False),
    )(gm2)


def kernel(x):
    b, w, n, h = x.shape
    xr = x.reshape(b * w, n, h)
    gm3 = pl.pallas_call(
        _stage_a_body,
        grid=(BW,),
        in_specs=[pl.BlockSpec((1, N, H), lambda i: (i, 0, 0))],
        out_specs=pl.BlockSpec((1, 1, 2 * N), lambda i: (i, 0, 0)),
        out_shape=jax.ShapeDtypeStruct((BW, 1, 2 * N), jnp.float32),
    )(xr)
    wthr = _thresholds_sc(gm3.reshape(BW, 2 * N))
    dmap = pl.pallas_call(
        _stage_b_body,
        grid=(BW,),
        in_specs=[
            pl.BlockSpec((1, 1, 2 * N), lambda i: (i, 0, 0)),
            pl.BlockSpec((1, 1, 16), lambda i: (i, 0, 0),
                         memory_space=pltpu.SMEM),
        ],
        out_specs=pl.BlockSpec((1, N, N), lambda i: (i, 0, 0)),
        out_shape=jax.ShapeDtypeStruct((BW, N, N), jnp.float32),
    )(gm3, wthr.reshape(BW, 1, 16))
    return xr, dmap

# --- scband reference (transcript-rebuilt; emitter-appended) ---
"""Pipeline reference for scband-dynamic-graph-construction-89318139887967 (READ-ONLY COPY).

The authoritative reference and input builder live on the scoring server;
editing this copy changes nothing except your own understanding.
"""

import jax, jax.numpy as jnp
import numpy as np


def setup_inputs(seed: int = 0) -> dict:
    key = jax.random.key(seed)
    x = jax.random.normal(key, (8, 4, 576, 384), dtype=jnp.float32)
    return {"x": x}


def reference(x):
    b, w, n, h = x.shape
    bw = b * w
    xr = x.reshape(bw, n, h)
    # AdaptiveAvgPool1d(1) over last dim -> mean over h
    x_glb = jnp.mean(xr, axis=-1)  # (bw, n)
    # AdaptiveMaxPool1d(1) over last dim -> max over h
    x_max = jnp.max(xr, axis=-1)   # (bw, n)
    # bmm of (bw, n, 1) @ (bw, 1, n) -> outer product
    adj = jnp.einsum('bi,bj->bij', x_glb, x_max)  # (bw, n, n)
    dmap = jax.nn.sigmoid(adj)
    # dropedge: zero out smallest 30% elements (by abs) per batch element
    total = n * n
    num_to_zero = int(total * 30 / 100)
    flat = dmap.reshape(bw, total)
    order = jnp.argsort(jnp.abs(flat), axis=-1)
    idx_to_zero = order[:, :num_to_zero]
    rows = jnp.arange(bw)[:, None]
    flat = flat.at[rows, idx_to_zero].set(0.0)
    dmap = flat.reshape(bw, n, n)
    return xr, dmap

if __name__ == "__main__":
    import jax
    _d = setup_inputs()
    print(jax.jit(kernel)(*tuple(_d.values())))

</pallas_src>

<mosaic_0001>
#map = affine_map<(d0, d1) -> (0, 0)>
module attributes {stable_mosaic.version = 14 : i64} {
  func.func @_sc_body(%arg0: i32, %arg1: i32, %arg2: memref<32x1152xf32, #tpu.memory_space<hbm>>, %arg3: memref<32x16xf32, #tpu.memory_space<hbm>>, %arg4: memref<1024xf32, #tpu.memory_space<vmem>>, %arg5: memref<1152xf32, #tpu.memory_space<vmem>>, %arg6: memref<16xf32, #tpu.memory_space<vmem>>) attributes {dimension_semantics = [#tpu.dimension_semantics<core_parallel>, #tpu.dimension_semantics<subcore_parallel>], iteration_bounds = array<i64: 2, 16>, scalar_prefetch = 0 : i64, scratch_operands = 3 : i64, tpu.core_type = #tpu.core_type<sc_vector_subcore>, window_params = [{transform_indices = #map}, {transform_indices = #map}]} {
    %mul3A = arith.constant 2 : i32
    %mul3A_0 = arith.muli %arg1, %mul3A : i32
    %add3A = arith.addi %mul3A_0, %arg0 : i32
    "tpu.region"() ({
      %run_scoped3A = tpu.sem_alloc : memref<!tpu.dma_semaphore, #tpu.memory_space<semaphore_mem>>
      %dma_start3A = arith.constant 0 : i32
      %dma_start3A_288 = tpu.memref_slice %arg2[%add3A, %dma_start3A] : memref<32x1152xf32, #tpu.memory_space<hbm>> -> memref<1x1152xf32, #tpu.memory_space<hbm>>
      %dma_start3A_289 = tpu.memref_squeeze %dma_start3A_288 : memref<1x1152xf32, #tpu.memory_space<hbm>> -> memref<1152xf32, #tpu.memory_space<hbm>>
      %dma_start3A_290 = arith.constant 0 : i32
      %dma_start3A_291 = tpu.memref_slice %arg2[%add3A, %dma_start3A_290] : memref<32x1152xf32, #tpu.memory_space<hbm>> -> memref<1x1152xf32, #tpu.memory_space<hbm>>
      %dma_start3A_292 = tpu.memref_squeeze %dma_start3A_291 : memref<1x1152xf32, #tpu.memory_space<hbm>> -> memref<1152xf32, #tpu.memory_space<hbm>>
      tpu.enqueue_dma source(%dma_start3A_292 : memref<1152xf32, #tpu.memory_space<hbm>>) target(%arg5 : memref<1152xf32, #tpu.memory_space<vmem>>) target_semaphore(%run_scoped3A : memref<!tpu.dma_semaphore, #tpu.memory_space<semaphore_mem>>)
      %dma_wait3A = arith.constant 0 : i32
      %dma_wait3A_293 = tpu.memref_slice %arg2[%add3A, %dma_wait3A] : memref<32x1152xf32, #tpu.memory_space<hbm>> -> memref<1x1152xf32, #tpu.memory_space<hbm>>
      %dma_wait3A_294 = tpu.memref_squeeze %dma_wait3A_293 : memref<1x1152xf32, #tpu.memory_space<hbm>> -> memref<1152xf32, #tpu.memory_space<hbm>>
      %dma_wait3A_295 = arith.constant 0 : i32
      %dma_wait3A_296 = tpu.memref_slice %arg2[%add3A, %dma_wait3A_295] : memref<32x1152xf32, #tpu.memory_space<hbm>> -> memref<1x1152xf32, #tpu.memory_space<hbm>>
      %dma_wait3A_297 = tpu.memref_squeeze %dma_wait3A_296 : memref<1x1152xf32, #tpu.memory_space<hbm>> -> memref<1152xf32, #tpu.memory_space<hbm>>
      tpu.wait_dma2 semaphore(%run_scoped3A : memref<!tpu.dma_semaphore, #tpu.memory_space<semaphore_mem>>) src(%dma_wait3A_297 : memref<1152xf32, #tpu.memory_space<hbm>>) dst(%arg5 : memref<1152xf32, #tpu.memory_space<vmem>>)
      tpu.yield
    }) : () -> ()
    %broadcast_in_dim3A = arith.constant 0x7F800000 : f32
    %broadcast_in_dim3A_1 = vector.broadcast %broadcast_in_dim3A : f32 to vector<16xf32>
    %scan3A = arith.constant 0 : i32
    %scan3A_2 = arith.constant 0 : i32
    %scan3A_3 = arith.constant 36 : i32
    %scan3A_4 = arith.addi %scan3A_2, %scan3A_3 : i32
    %scan3A_5 = arith.constant 1 : i32
    scf.for %scan3A_288 = %scan3A_2 to %scan3A_4 step %scan3A_5  : i32 {
      %mul3A_289 = arith.constant 16 : i32
      %mul3A_290 = arith.muli %scan3A_288, %mul3A_289 : i32
      %get3A_291 = arith.index_cast %mul3A_290 : i32 to index
      %get3A_292 = tpu.vector_load %arg5[%get3A_291] {strides = array<i32>} : memref<1152xf32, #tpu.memory_space<vmem>>, vector<16xf32>,
      %mul3A_293 = arith.constant 16 : i32
      %mul3A_294 = arith.muli %scan3A_288, %mul3A_293 : i32
      %swap3A_295 = arith.index_cast %mul3A_294 : i32 to index
      %swap3A_296 = tpu.vector_load %arg4[%swap3A_295] {strides = array<i32>} : memref<1024xf32, #tpu.memory_space<vmem>>, vector<16xf32>,
      tpu.vector_store %arg4[%swap3A_295], %get3A_292 {strides = array<i32>} : memref<1024xf32, #tpu.memory_space<vmem>>, vector<16xf32>,
    }
    %scan3A_6 = arith.constant 36 : i32
    %scan3A_7 = arith.constant 0 : i32
    %scan3A_8 = arith.constant 0 : i32
    %scan3A_9 = arith.constant 28 : i32
    %scan3A_10 = arith.addi %scan3A_8, %scan3A_9 : i32
    %scan3A_11 = arith.constant 1 : i32
    scf.for %scan3A_288 = %scan3A_8 to %scan3A_10 step %scan3A_11  : i32 {
      %mul3A_289 = arith.constant 16 : i32
      %mul3A_290 = arith.muli %scan3A_288, %mul3A_289 : i32
      %add3A_291 = arith.constant 576 : i32
      %add3A_292 = arith.addi %add3A_291, %mul3A_290 : i32
      %swap3A_293 = arith.index_cast %add3A_292 : i32 to index
      %swap3A_294 = tpu.vector_load %arg4[%swap3A_293] {strides = array<i32>} : memref<1024xf32, #tpu.memory_space<vmem>>, vector<16xf32>,
      tpu.vector_store %arg4[%swap3A_293], %broadcast_in_dim3A_1 {strides = array<i32>} : memref<1024xf32, #tpu.memory_space<vmem>>, vector<16xf32>,
    }
    %scan3A_12 = arith.constant 28 : i32
    %broadcast_in_dim3A_13 = arith.constant 1.000000e+00 : f32
    %broadcast_in_dim3A_14 = vector.broadcast %broadcast_in_dim3A_13 : f32 to vector<16xf32>
    %broadcast_in_dim3A_15 = arith.constant -1.000000e+00 : f32
    %broadcast_in_dim3A_16 = vector.broadcast %broadcast_in_dim3A_15 : f32 to vector<16xf32>
    %scan3A_17 = arith.constant 0 : i32
    %scan3A_18 = arith.constant 0 : i32
    %scan3A_19 = arith.constant 64 : i32
    %scan3A_20 = arith.addi %scan3A_18, %scan3A_19 : i32
    %scan3A_21 = arith.constant 1 : i32
    scf.for %scan3A_288 = %scan3A_18 to %scan3A_20 step %scan3A_21  : i32 {
      %mul3A_289 = arith.constant 16 : i32
      %mul3A_290 = arith.muli %scan3A_288, %mul3A_289 : i32
      %get3A_291 = arith.index_cast %mul3A_290 : i32 to index
      %get3A_292 = tpu.vector_load %arg4[%get3A_291] {strides = array<i32>} : memref<1024xf32, #tpu.memory_space<vmem>>, vector<16xf32>,
      %and3A = arith.constant 1 : i32
      %and3A_293 = arith.andi %scan3A_288, %and3A : i32
      %eq3A = arith.constant 0 : i32
      %eq3A_294 = arith.cmpi eq, %and3A_293, %eq3A : i32
      %select_n3A_295 = arith.select %eq3A_294, %broadcast_in_dim3A_14, %broadcast_in_dim3A_16 : vector<16xf32>
      %mul3A_296 = arith.mulf %get3A_292, %select_n3A_295 : vector<16xf32>
      %masked_sort3A = arith.constant dense<true> : vector<16xi1>
      %masked_sort3A_297, %masked_sort3A_298, %masked_sort3A_299 = tpu.sort %mul3A_296, %mul3A_296 masked %masked_sort3A : (vector<16xf32>, vector<16xf32>, vector<16xi1>) -> (vector<16xi1>, vector<16xf32>, vector<16xf32>)
      %mul3A_300 = arith.mulf %masked_sort3A_298, %select_n3A_295 : vector<16xf32>
      %mul3A_301 = arith.constant 16 : i32
      %mul3A_302 = arith.muli %scan3A_288, %mul3A_301 : i32
      %swap3A_303 = arith.index_cast %mul3A_302 : i32 to index
      %swap3A_304 = tpu.vector_load %arg4[%swap3A_303] {strides = array<i32>} : memref<1024xf32, #tpu.memory_space<vmem>>, vector<16xf32>,
      tpu.vector_store %arg4[%swap3A_303], %mul3A_300 {strides = array<i32>} : memref<1024xf32, #tpu.memory_space<vmem>>, vector<16xf32>,
    }
    %scan3A_22 = arith.constant 64 : i32
    %scan3A_23 = arith.constant 0 : i32
    %scan3A_24 = arith.constant 0 : i32
    %scan3A_25 = arith.constant 32 : i32
    %scan3A_26 = arith.addi %scan3A_24, %scan3A_25 : i32
    %scan3A_27 = arith.constant 1 : i32
    scf.for %scan3A_288 = %scan3A_24 to %scan3A_26 step %scan3A_27  : i32 {
      %shift_right_arithmetic3A_289 = arith.constant 0 : i32
      %shift_right_arithmetic3A_290 = arith.shrsi %scan3A_288, %shift_right_arithmetic3A_289 : i32
      %shift_left3A_291 = arith.constant 1 : i32
      %shift_left3A_292 = arith.shli %shift_right_arithmetic3A_290, %shift_left3A_291 : i32
      %and3A = arith.constant 0 : i32
      %and3A_293 = arith.andi %scan3A_288, %and3A : i32
      %or3A_294 = arith.ori %shift_left3A_292, %and3A_293 : i32
      %add3A_295 = arith.constant 1 : i32
      %add3A_296 = arith.addi %or3A_294, %add3A_295 : i32
      %and3A_297 = arith.constant 2 : i32
      %and3A_298 = arith.andi %or3A_294, %and3A_297 : i32
      %eq3A = arith.constant 0 : i32
      %eq3A_299 = arith.cmpi eq, %and3A_298, %eq3A : i32
      %mul3A_300 = arith.constant 16 : i32
      %mul3A_301 = arith.muli %or3A_294, %mul3A_300 : i32
      %get3A_302 = arith.index_cast %mul3A_301 : i32 to index
      %get3A_303 = tpu.vector_load %arg4[%get3A_302] {strides = array<i32>} : memref<1024xf32, #tpu.memory_space<vmem>>, vector<16xf32>,
      %mul3A_304 = arith.constant 16 : i32
      %mul3A_305 = arith.muli %add3A_296, %mul3A_304 : i32
      %get3A_306 = arith.index_cast %mul3A_305 : i32 to index
      %get3A_307 = tpu.vector_load %arg4[%get3A_306] {strides = array<i32>} : memref<1024xf32, #tpu.memory_space<vmem>>, vector<16xf32>,
      %min3A_308 = arith.minimumf %get3A_303, %get3A_307 : vector<16xf32>
      %max3A_309 = arith.maximumf %get3A_303, %get3A_307 : vector<16xf32>
      %select_n3A_310 = arith.select %eq3A_299, %min3A_308, %max3A_309 : vector<16xf32>
      %mul3A_311 = arith.constant 16 : i32
      %mul3A_312 = arith.muli %or3A_294, %mul3A_311 : i32
      %swap3A_313 = arith.index_cast %mul3A_312 : i32 to index
      %swap3A_314 = tpu.vector_load %arg4[%swap3A_313] {strides = array<i32>} : memref<1024xf32, #tpu.memory_space<vmem>>, vector<16xf32>,
      tpu.vector_store %arg4[%swap3A_313], %select_n3A_310 {strides = array<i32>} : memref<1024xf32, #tpu.memory_space<vmem>>, vector<16xf32>,
      %select_n3A_315 = arith.select %eq3A_299, %max3A_309, %min3A_308 : vector<16xf32>
      %mul3A_316 = arith.constant 16 : i32
      %mul3A_317 = arith.muli %add3A_296, %mul3A_316 : i32
      %swap3A_318 = arith.index_cast %mul3A_317 : i32 to index
      %swap3A_319 = tpu.vector_load %arg4[%swap3A_318] {strides = array<i32>} : memref<1024xf32, #tpu.memory_space<vmem>>, vector<16xf32>,
      tpu.vector_store %arg4[%swap3A_318], %select_n3A_315 {strides = array<i32>} : memref<1024xf32, #tpu.memory_space<vmem>>, vector<16xf32>,
    }
    %scan3A_28 = arith.constant 32 : i32
    %scan3A_29 = arith.constant 0 : i32
    %scan3A_30 = arith.constant 0 : i32
    %scan3A_31 = arith.constant 64 : i32
    %scan3A_32 = arith.addi %scan3A_30, %scan3A_31 : i32
    %scan3A_33 = arith.constant 1 : i32
    scf.for %scan3A_288 = %scan3A_30 to %scan3A_32 step %scan3A_33  : i32 {
      %mul3A_289 = arith.constant 16 : i32
      %mul3A_290 = arith.muli %scan3A_288, %mul3A_289 : i32
      %get3A_291 = arith.index_cast %mul3A_290 : i32 to index
      %get3A_292 = tpu.vector_load %arg4[%get3A_291] {strides = array<i32>} : memref<1024xf32, #tpu.memory_space<vmem>>, vector<16xf32>,
      %and3A = arith.constant 2 : i32
      %and3A_293 = arith.andi %scan3A_288, %and3A : i32
      %eq3A = arith.constant 0 : i32
      %eq3A_294 = arith.cmpi eq, %and3A_293, %eq3A : i32
      %select_n3A_295 = arith.select %eq3A_294, %broadcast_in_dim3A_14, %broadcast_in_dim3A_16 : vector<16xf32>
      %mul3A_296 = arith.mulf %get3A_292, %select_n3A_295 : vector<16xf32>
      %masked_sort3A = arith.constant dense<true> : vector<16xi1>
      %masked_sort3A_297, %masked_sort3A_298, %masked_sort3A_299 = tpu.sort %mul3A_296, %mul3A_296 masked %masked_sort3A : (vector<16xf32>, vector<16xf32>, vector<16xi1>) -> (vector<16xi1>, vector<16xf32>, vector<16xf32>)
      %mul3A_300 = arith.mulf %masked_sort3A_298, %select_n3A_295 : vector<16xf32>
      %mul3A_301 = arith.constant 16 : i32
      %mul3A_302 = arith.muli %scan3A_288, %mul3A_301 : i32
      %swap3A_303 = arith.index_cast %mul3A_302 : i32 to index
      %swap3A_304 = tpu.vector_load %arg4[%swap3A_303] {strides = array<i32>} : memref<1024xf32, #tpu.memory_space<vmem>>, vector<16xf32>,
      tpu.vector_store %arg4[%swap3A_303], %mul3A_300 {strides = array<i32>} : memref<1024xf32, #tpu.memory_space<vmem>>, vector<16xf32>,
    }
    %scan3A_34 = arith.constant 64 : i32
    %scan3A_35 = arith.constant 0 : i32
    %scan3A_36 = arith.constant 0 : i32
    %scan3A_37 = arith.constant 32 : i32
    %scan3A_38 = arith.addi %scan3A_36, %scan3A_37 : i32
    %scan3A_39 = arith.constant 1 : i32
    scf.for %scan3A_288 = %scan3A_36 to %scan3A_38 step %scan3A_39  : i32 {
      %shift_right_arithmetic3A_289 = arith.constant 1 : i32
      %shift_right_arithmetic3A_290 = arith.shrsi %scan3A_288, %shift_right_arithmetic3A_289 : i32
      %shift_left3A_291 = arith.constant 2 : i32
      %shift_left3A_292 = arith.shli %shift_right_arithmetic3A_290, %shift_left3A_291 : i32
      %and3A = arith.constant 1 : i32
      %and3A_293 = arith.andi %scan3A_288, %and3A : i32
      %or3A_294 = arith.ori %shift_left3A_292, %and3A_293 : i32
      %add3A_295 = arith.constant 2 : i32
      %add3A_296 = arith.addi %or3A_294, %add3A_295 : i32
      %and3A_297 = arith.constant 4 : i32
      %and3A_298 = arith.andi %or3A_294, %and3A_297 : i32
      %eq3A = arith.constant 0 : i32
      %eq3A_299 = arith.cmpi eq, %and3A_298, %eq3A : i32
      %mul3A_300 = arith.constant 16 : i32
      %mul3A_301 = arith.muli %or3A_294, %mul3A_300 : i32
      %get3A_302 = arith.index_cast %mul3A_301 : i32 to index
      %get3A_303 = tpu.vector_load %arg4[%get3A_302] {strides = array<i32>} : memref<1024xf32, #tpu.memory_space<vmem>>, vector<16xf32>,
      %mul3A_304 = arith.constant 16 : i32
      %mul3A_305 = arith.muli %add3A_296, %mul3A_304 : i32
      %get3A_306 = arith.index_cast %mul3A_305 : i32 to index
      %get3A_307 = tpu.vector_load %arg4[%get3A_306] {strides = array<i32>} : memref<1024xf32, #tpu.memory_space<vmem>>, vector<16xf32>,
      %min3A_308 = arith.minimumf %get3A_303, %get3A_307 : vector<16xf32>
      %max3A_309 = arith.maximumf %get3A_303, %get3A_307 : vector<16xf32>
      %select_n3A_310 = arith.select %eq3A_299, %min3A_308, %max3A_309 : vector<16xf32>
      %mul3A_311 = arith.constant 16 : i32
      %mul3A_312 = arith.muli %or3A_294, %mul3A_311 : i32
      %swap3A_313 = arith.index_cast %mul3A_312 : i32 to index
      %swap3A_314 = tpu.vector_load %arg4[%swap3A_313] {strides = array<i32>} : memref<1024xf32, #tpu.memory_space<vmem>>, vector<16xf32>,
      tpu.vector_store %arg4[%swap3A_313], %select_n3A_310 {strides = array<i32>} : memref<1024xf32, #tpu.memory_space<vmem>>, vector<16xf32>,
      %select_n3A_315 = arith.select %eq3A_299, %max3A_309, %min3A_308 : vector<16xf32>
      %mul3A_316 = arith.constant 16 : i32
      %mul3A_317 = arith.muli %add3A_296, %mul3A_316 : i32
      %swap3A_318 = arith.index_cast %mul3A_317 : i32 to index
      %swap3A_319 = tpu.vector_load %arg4[%swap3A_318] {strides = array<i32>} : memref<1024xf32, #tpu.memory_space<vmem>>, vector<16xf32>,
      tpu.vector_store %arg4[%swap3A_318], %select_n3A_315 {strides = array<i32>} : memref<1024xf32, #tpu.memory_space<vmem>>, vector<16xf32>,
    }
    %scan3A_40 = arith.constant 32 : i32
    %scan3A_41 = arith.constant 0 : i32
    %scan3A_42 = arith.constant 0 : i32
    %scan3A_43 = arith.constant 32 : i32
    %scan3A_44 = arith.addi %scan3A_42, %scan3A_43 : i32
    %scan3A_45 = arith.constant 1 : i32
    scf.for %scan3A_288 = %scan3A_42 to %scan3A_44 step %scan3A_45  : i32 {
      %shift_right_arithmetic3A_289 = arith.constant 0 : i32
      %shift_right_arithmetic3A_290 = arith.shrsi %scan3A_288, %shift_right_arithmetic3A_289 : i32
      %shift_left3A_291 = arith.constant 1 : i32
      %shift_left3A_292 = arith.shli %shift_right_arithmetic3A_290, %shift_left3A_291 : i32
      %and3A = arith.constant 0 : i32
      %and3A_293 = arith.andi %scan3A_288, %and3A : i32
      %or3A_294 = arith.ori %shift_left3A_292, %and3A_293 : i32
      %add3A_295 = arith.constant 1 : i32
      %add3A_296 = arith.addi %or3A_294, %add3A_295 : i32
      %and3A_297 = arith.constant 4 : i32
      %and3A_298 = arith.andi %or3A_294, %and3A_297 : i32
      %eq3A = arith.constant 0 : i32
      %eq3A_299 = arith.cmpi eq, %and3A_298, %eq3A : i32
      %mul3A_300 = arith.constant 16 : i32
      %mul3A_301 = arith.muli %or3A_294, %mul3A_300 : i32
      %get3A_302 = arith.index_cast %mul3A_301 : i32 to index
      %get3A_303 = tpu.vector_load %arg4[%get3A_302] {strides = array<i32>} : memref<1024xf32, #tpu.memory_space<vmem>>, vector<16xf32>,
      %mul3A_304 = arith.constant 16 : i32
      %mul3A_305 = arith.muli %add3A_296, %mul3A_304 : i32
      %get3A_306 = arith.index_cast %mul3A_305 : i32 to index
      %get3A_307 = tpu.vector_load %arg4[%get3A_306] {strides = array<i32>} : memref<1024xf32, #tpu.memory_space<vmem>>, vector<16xf32>,
      %min3A_308 = arith.minimumf %get3A_303, %get3A_307 : vector<16xf32>
      %max3A_309 = arith.maximumf %get3A_303, %get3A_307 : vector<16xf32>
      %select_n3A_310 = arith.select %eq3A_299, %min3A_308, %max3A_309 : vector<16xf32>
      %mul3A_311 = arith.constant 16 : i32
      %mul3A_312 = arith.muli %or3A_294, %mul3A_311 : i32
      %swap3A_313 = arith.index_cast %mul3A_312 : i32 to index
      %swap3A_314 = tpu.vector_load %arg4[%swap3A_313] {strides = array<i32>} : memref<1024xf32, #tpu.memory_space<vmem>>, vector<16xf32>,
      tpu.vector_store %arg4[%swap3A_313], %select_n3A_310 {strides = array<i32>} : memref<1024xf32, #tpu.memory_space<vmem>>, vector<16xf32>,
      %select_n3A_315 = arith.select %eq3A_299, %max3A_309, %min3A_308 : vector<16xf32>
      %mul3A_316 = arith.constant 16 : i32
      %mul3A_317 = arith.muli %add3A_296, %mul3A_316 : i32
      %swap3A_318 = arith.index_cast %mul3A_317 : i32 to index
      %swap3A_319 = tpu.vector_load %arg4[%swap3A_318] {strides = array<i32>} : memref<1024xf32, #tpu.memory_space<vmem>>, vector<16xf32>,
      tpu.vector_store %arg4[%swap3A_318], %select_n3A_315 {strides = array<i32>} : memref<1024xf32, #tpu.memory_space<vmem>>, vector<16xf32>,
    }
    %scan3A_46 = arith.constant 32 : i32
    %scan3A_47 = arith.constant 0 : i32
    %scan3A_48 = arith.constant 0 : i32
    %scan3A_49 = arith.constant 64 : i32
    %scan3A_50 = arith.addi %scan3A_48, %scan3A_49 : i32
    %scan3A_51 = arith.constant 1 : i32
    scf.for %scan3A_288 = %scan3A_48 to %scan3A_50 step %scan3A_51  : i32 {
      %mul3A_289 = arith.constant 16 : i32
      %mul3A_290 = arith.muli %scan3A_288, %mul3A_289 : i32
      %get3A_291 = arith.index_cast %mul3A_290 : i32 to index
      %get3A_292 = tpu.vector_load %arg4[%get3A_291] {strides = array<i32>} : memref<1024xf32, #tpu.memory_space<vmem>>, vector<16xf32>,
      %and3A = arith.constant 4 : i32
      %and3A_293 = arith.andi %scan3A_288, %and3A : i32
      %eq3A = arith.constant 0 : i32
      %eq3A_294 = arith.cmpi eq, %and3A_293, %eq3A : i32
      %select_n3A_295 = arith.select %eq3A_294, %broadcast_in_dim3A_14, %broadcast_in_dim3A_16 : vector<16xf32>
      %mul3A_296 = arith.mulf %get3A_292, %select_n3A_295 : vector<16xf32>
      %masked_sort3A = arith.constant dense<true> : vector<16xi1>
      %masked_sort3A_297, %masked_sort3A_298, %masked_sort3A_299 = tpu.sort %mul3A_296, %mul3A_296 masked %masked_sort3A : (vector<16xf32>, vector<16xf32>, vector<16xi1>) -> (vector<16xi1>, vector<16xf32>, vector<16xf32>)
      %mul3A_300 = arith.mulf %masked_sort3A_298, %select_n3A_295 : vector<16xf32>
      %mul3A_301 = arith.constant 16 : i32
      %mul3A_302 = arith.muli %scan3A_288, %mul3A_301 : i32
      %swap3A_303 = arith.index_cast %mul3A_302 : i32 to index
      %swap3A_304 = tpu.vector_load %arg4[%swap3A_303] {strides = array<i32>} : memref<1024xf32, #tpu.memory_space<vmem>>, vector<16xf32>,
      tpu.vector_store %arg4[%swap3A_303], %mul3A_300 {strides = array<i32>} : memref<1024xf32, #tpu.memory_space<vmem>>, vector<16xf32>,
    }
    %scan3A_52 = arith.constant 64 : i32
    %scan3A_53 = arith.constant 0 : i32
    %scan3A_54 = arith.constant 0 : i32
    %scan3A_55 = arith.constant 32 : i32
    %scan3A_56 = arith.addi %scan3A_54, %scan3A_55 : i32
    %scan3A_57 = arith.constant 1 : i32
    scf.for %scan3A_288 = %scan3A_54 to %scan3A_56 step %scan3A_57  : i32 {
      %shift_right_arithmetic3A_289 = arith.constant 2 : i32
      %shift_right_arithmetic3A_290 = arith.shrsi %scan3A_288, %shift_right_arithmetic3A_289 : i32
      %shift_left3A_291 = arith.constant 3 : i32
      %shift_left3A_292 = arith.shli %shift_right_arithmetic3A_290, %shift_left3A_291 : i32
      %and3A = arith.constant 3 : i32
      %and3A_293 = arith.andi %scan3A_288, %and3A : i32
      %or3A_294 = arith.ori %shift_left3A_292, %and3A_293 : i32
      %add3A_295 = arith.constant 4 : i32
      %add3A_296 = arith.addi %or3A_294, %add3A_295 : i32
      %and3A_297 = arith.constant 8 : i32
      %and3A_298 = arith.andi %or3A_294, %and3A_297 : i32
      %eq3A = arith.constant 0 : i32
      %eq3A_299 = arith.cmpi eq, %and3A_298, %eq3A : i32
      %mul3A_300 = arith.constant 16 : i32
      %mul3A_301 = arith.muli %or3A_294, %mul3A_300 : i32
      %get3A_302 = arith.index_cast %mul3A_301 : i32 to index
      %get3A_303 = tpu.vector_load %arg4[%get3A_302] {strides = array<i32>} : memref<1024xf32, #tpu.memory_space<vmem>>, vector<16xf32>,
      %mul3A_304 = arith.constant 16 : i32
      %mul3A_305 = arith.muli %add3A_296, %mul3A_304 : i32
      %get3A_306 = arith.index_cast %mul3A_305 : i32 to index
      %get3A_307 = tpu.vector_load %arg4[%get3A_306] {strides = array<i32>} : memref<1024xf32, #tpu.memory_space<vmem>>, vector<16xf32>,
      %min3A_308 = arith.minimumf %get3A_303, %get3A_307 : vector<16xf32>
      %max3A_309 = arith.maximumf %get3A_303, %get3A_307 : vector<16xf32>
      %select_n3A_310 = arith.select %eq3A_299, %min3A_308, %max3A_309 : vector<16xf32>
      %mul3A_311 = arith.constant 16 : i32
      %mul3A_312 = arith.muli %or3A_294, %mul3A_311 : i32
      %swap3A_313 = arith.index_cast %mul3A_312 : i32 to index
      %swap3A_314 = tpu.vector_load %arg4[%swap3A_313] {strides = array<i32>} : memref<1024xf32, #tpu.memory_space<vmem>>, vector<16xf32>,
      tpu.vector_store %arg4[%swap3A_313], %select_n3A_310 {strides = array<i32>} : memref<1024xf32, #tpu.memory_space<vmem>>, vector<16xf32>,
      %select_n3A_315 = arith.select %eq3A_299, %max3A_309, %min3A_308 : vector<16xf32>
      %mul3A_316 = arith.constant 16 : i32
      %mul3A_317 = arith.muli %add3A_296, %mul3A_316 : i32
      %swap3A_318 = arith.index_cast %mul3A_317 : i32 to index
      %swap3A_319 = tpu.vector_load %arg4[%swap3A_318] {strides = array<i32>} : memref<1024xf32, #tpu.memory_space<vmem>>, vector<16xf32>,
      tpu.vector_store %arg4[%swap3A_318], %select_n3A_315 {strides = array<i32>} : memref<1024xf32, #tpu.memory_space<vmem>>, vector<16xf32>,
    }
    %scan3A_58 = arith.constant 32 : i32
    %scan3A_59 = arith.constant 0 : i32
    %scan3A_60 = arith.constant 0 : i32
    %scan3A_61 = arith.constant 32 : i32
    %scan3A_62 = arith.addi %scan3A_60, %scan3A_61 : i32
    %scan3A_63 = arith.constant 1 : i32
    scf.for %scan3A_288 = %scan3A_60 to %scan3A_62 step %scan3A_63  : i32 {
      %shift_right_arithmetic3A_289 = arith.constant 1 : i32
      %shift_right_arithmetic3A_290 = arith.shrsi %scan3A_288, %shift_right_arithmetic3A_289 : i32
      %shift_left3A_291 = arith.constant 2 : i32
      %shift_left3A_292 = arith.shli %shift_right_arithmetic3A_290, %shift_left3A_291 : i32
      %and3A = arith.constant 1 : i32
      %and3A_293 = arith.andi %scan3A_288, %and3A : i32
      %or3A_294 = arith.ori %shift_left3A_292, %and3A_293 : i32
      %add3A_295 = arith.constant 2 : i32
      %add3A_296 = arith.addi %or3A_294, %add3A_295 : i32
      %and3A_297 = arith.constant 8 : i32
      %and3A_298 = arith.andi %or3A_294, %and3A_297 : i32
      %eq3A = arith.constant 0 : i32
      %eq3A_299 = arith.cmpi eq, %and3A_298, %eq3A : i32
      %mul3A_300 = arith.constant 16 : i32
      %mul3A_301 = arith.muli %or3A_294, %mul3A_300 : i32
      %get3A_302 = arith.index_cast %mul3A_301 : i32 to index
      %get3A_303 = tpu.vector_load %arg4[%get3A_302] {strides = array<i32>} : memref<1024xf32, #tpu.memory_space<vmem>>, vector<16xf32>,
      %mul3A_304 = arith.constant 16 : i32
      %mul3A_305 = arith.muli %add3A_296, %mul3A_304 : i32
      %get3A_306 = arith.index_cast %mul3A_305 : i32 to index
      %get3A_307 = tpu.vector_load %arg4[%get3A_306] {strides = array<i32>} : memref<1024xf32, #tpu.memory_space<vmem>>, vector<16xf32>,
      %min3A_308 = arith.minimumf %get3A_303, %get3A_307 : vector<16xf32>
      %max3A_309 = arith.maximumf %get3A_303, %get3A_307 : vector<16xf32>
      %select_n3A_310 = arith.select %eq3A_299, %min3A_308, %max3A_309 : vector<16xf32>
      %mul3A_311 = arith.constant 16 : i32
      %mul3A_312 = arith.muli %or3A_294, %mul3A_311 : i32
      %swap3A_313 = arith.index_cast %mul3A_312 : i32 to index
      %swap3A_314 = tpu.vector_load %arg4[%swap3A_313] {strides = array<i32>} : memref<1024xf32, #tpu.memory_space<vmem>>, vector<16xf32>,
      tpu.vector_store %arg4[%swap3A_313], %select_n3A_310 {strides = array<i32>} : memref<1024xf32, #tpu.memory_space<vmem>>, vector<16xf32>,
      %select_n3A_315 = arith.select %eq3A_299, %max3A_309, %min3A_308 : vector<16xf32>
      %mul3A_316 = arith.constant 16 : i32
      %mul3A_317 = arith.muli %add3A_296, %mul3A_316 : i32
      %swap3A_318 = arith.index_cast %mul3A_317 : i32 to index
      %swap3A_319 = tpu.vector_load %arg4[%swap3A_318] {strides = array<i32>} : memref<1024xf32, #tpu.memory_space<vmem>>, vector<16xf32>,
      tpu.vector_store %arg4[%swap3A_318], %select_n3A_315 {strides = array<i32>} : memref<1024xf32, #tpu.memory_space<vmem>>, vector<16xf32>,
    }
    %scan3A_64 = arith.constant 32 : i32
    %scan3A_65 = arith.constant 0 : i32
    %scan3A_66 = arith.constant 0 : i32
    %scan3A_67 = arith.constant 32 : i32
    %scan3A_68 = arith.addi %scan3A_66, %scan3A_67 : i32
    %scan3A_69 = arith.constant 1 : i32
    scf.for %scan3A_288 = %scan3A_66 to %scan3A_68 step %scan3A_69  : i32 {
      %shift_right_arithmetic3A_289 = arith.constant 0 : i32
      %shift_right_arithmetic3A_290 = arith.shrsi %scan3A_288, %shift_right_arithmetic3A_289 : i32
      %shift_left3A_291 = arith.constant 1 : i32
      %shift_left3A_292 = arith.shli %shift_right_arithmetic3A_290, %shift_left3A_291 : i32
      %and3A = arith.constant 0 : i32
      %and3A_293 = arith.andi %scan3A_288, %and3A : i32
      %or3A_294 = arith.ori %shift_left3A_292, %and3A_293 : i32
      %add3A_295 = arith.constant 1 : i32
      %add3A_296 = arith.addi %or3A_294, %add3A_295 : i32
      %and3A_297 = arith.constant 8 : i32
      %and3A_298 = arith.andi %or3A_294, %and3A_297 : i32
      %eq3A = arith.constant 0 : i32
      %eq3A_299 = arith.cmpi eq, %and3A_298, %eq3A : i32
      %mul3A_300 = arith.constant 16 : i32
      %mul3A_301 = arith.muli %or3A_294, %mul3A_300 : i32
      %get3A_302 = arith.index_cast %mul3A_301 : i32 to index
      %get3A_303 = tpu.vector_load %arg4[%get3A_302] {strides = array<i32>} : memref<1024xf32, #tpu.memory_space<vmem>>, vector<16xf32>,
      %mul3A_304 = arith.constant 16 : i32
      %mul3A_305 = arith.muli %add3A_296, %mul3A_304 : i32
      %get3A_306 = arith.index_cast %mul3A_305 : i32 to index
      %get3A_307 = tpu.vector_load %arg4[%get3A_306] {strides = array<i32>} : memref<1024xf32, #tpu.memory_space<vmem>>, vector<16xf32>,
      %min3A_308 = arith.minimumf %get3A_303, %get3A_307 : vector<16xf32>
      %max3A_309 = arith.maximumf %get3A_303, %get3A_307 : vector<16xf32>
      %select_n3A_310 = arith.select %eq3A_299, %min3A_308, %max3A_309 : vector<16xf32>
      %mul3A_311 = arith.constant 16 : i32
      %mul3A_312 = arith.muli %or3A_294, %mul3A_311 : i32
      %swap3A_313 = arith.index_cast %mul3A_312 : i32 to index
      %swap3A_314 = tpu.vector_load %arg4[%swap3A_313] {strides = array<i32>} : memref<1024xf32, #tpu.memory_space<vmem>>, vector<16xf32>,
      tpu.vector_store %arg4[%swap3A_313], %select_n3A_310 {strides = array<i32>} : memref<1024xf32, #tpu.memory_space<vmem>>, vector<16xf32>,
      %select_n3A_315 = arith.select %eq3A_299, %max3A_309, %min3A_308 : vector<16xf32>
      %mul3A_316 = arith.constant 16 : i32
      %mul3A_317 = arith.muli %add3A_296, %mul3A_316 : i32
      %swap3A_318 = arith.index_cast %mul3A_317 : i32 to index
      %swap3A_319 = tpu.vector_load %arg4[%swap3A_318] {strides = array<i32>} : memref<1024xf32, #tpu.memory_space<vmem>>, vector<16xf32>,
      tpu.vector_store %arg4[%swap3A_318], %select_n3A_315 {strides = array<i32>} : memref<1024xf32, #tpu.memory_space<vmem>>, vector<16xf32>,
    }
    %scan3A_70 = arith.constant 32 : i32
    %scan3A_71 = arith.constant 0 : i32
    %scan3A_72 = arith.constant 0 : i32
    %scan3A_73 = arith.constant 64 : i32
    %scan3A_74 = arith.addi %scan3A_72, %scan3A_73 : i32
    %scan3A_75 = arith.constant 1 : i32
    scf.for %scan3A_288 = %scan3A_72 to %scan3A_74 step %scan3A_75  : i32 {
      %mul3A_289 = arith.constant 16 : i32
      %mul3A_290 = arith.muli %scan3A_288, %mul3A_289 : i32
      %get3A_291 = arith.index_cast %mul3A_290 : i32 to index
      %get3A_292 = tpu.vector_load %arg4[%get3A_291] {strides = array<i32>} : memref<1024xf32, #tpu.memory_space<vmem>>, vector<16xf32>,
      %and3A = arith.constant 8 : i32
      %and3A_293 = arith.andi %scan3A_288, %and3A : i32
      %eq3A = arith.constant 0 : i32
      %eq3A_294 = arith.cmpi eq, %and3A_293, %eq3A : i32
      %select_n3A_295 = arith.select %eq3A_294, %broadcast_in_dim3A_14, %broadcast_in_dim3A_16 : vector<16xf32>
      %mul3A_296 = arith.mulf %get3A_292, %select_n3A_295 : vector<16xf32>
      %masked_sort3A = arith.constant dense<true> : vector<16xi1>
      %masked_sort3A_297, %masked_sort3A_298, %masked_sort3A_299 = tpu.sort %mul3A_296, %mul3A_296 masked %masked_sort3A : (vector<16xf32>, vector<16xf32>, vector<16xi1>) -> (vector<16xi1>, vector<16xf32>, vector<16xf32>)
      %mul3A_300 = arith.mulf %masked_sort3A_298, %select_n3A_295 : vector<16xf32>
      %mul3A_301 = arith.constant 16 : i32
      %mul3A_302 = arith.muli %scan3A_288, %mul3A_301 : i32
      %swap3A_303 = arith.index_cast %mul3A_302 : i32 to index
      %swap3A_304 = tpu.vector_load %arg4[%swap3A_303] {strides = array<i32>} : memref<1024xf32, #tpu.memory_space<vmem>>, vector<16xf32>,
      tpu.vector_store %arg4[%swap3A_303], %mul3A_300 {strides = array<i32>} : memref<1024xf32, #tpu.memory_space<vmem>>, vector<16xf32>,
    }
    %scan3A_76 = arith.constant 64 : i32
    %scan3A_77 = arith.constant 0 : i32
    %scan3A_78 = arith.constant 0 : i32
    %scan3A_79 = arith.constant 32 : i32
    %scan3A_80 = arith.addi %scan3A_78, %scan3A_79 : i32
    %scan3A_81 = arith.constant 1 : i32
    scf.for %scan3A_288 = %scan3A_78 to %scan3A_80 step %scan3A_81  : i32 {
      %shift_right_arithmetic3A_289 = arith.constant 3 : i32
      %shift_right_arithmetic3A_290 = arith.shrsi %scan3A_288, %shift_right_arithmetic3A_289 : i32
      %shift_left3A_291 = arith.constant 4 : i32
      %shift_left3A_292 = arith.shli %shift_right_arithmetic3A_290, %shift_left3A_291 : i32
      %and3A = arith.constant 7 : i32
      %and3A_293 = arith.andi %scan3A_288, %and3A : i32
      %or3A_294 = arith.ori %shift_left3A_292, %and3A_293 : i32
      %add3A_295 = arith.constant 8 : i32
      %add3A_296 = arith.addi %or3A_294, %add3A_295 : i32
      %and3A_297 = arith.constant 16 : i32
      %and3A_298 = arith.andi %or3A_294, %and3A_297 : i32
      %eq3A = arith.constant 0 : i32
      %eq3A_299 = arith.cmpi eq, %and3A_298, %eq3A : i32
      %mul3A_300 = arith.constant 16 : i32
      %mul3A_301 = arith.muli %or3A_294, %mul3A_300 : i32
      %get3A_302 = arith.index_cast %mul3A_301 : i32 to index
      %get3A_303 = tpu.vector_load %arg4[%get3A_302] {strides = array<i32>} : memref<1024xf32, #tpu.memory_space<vmem>>, vector<16xf32>,
      %mul3A_304 = arith.constant 16 : i32
      %mul3A_305 = arith.muli %add3A_296, %mul3A_304 : i32
      %get3A_306 = arith.index_cast %mul3A_305 : i32 to index
      %get3A_307 = tpu.vector_load %arg4[%get3A_306] {strides = array<i32>} : memref<1024xf32, #tpu.memory_space<vmem>>, vector<16xf32>,
      %min3A_308 = arith.minimumf %get3A_303, %get3A_307 : vector<16xf32>
      %max3A_309 = arith.maximumf %get3A_303, %get3A_307 : vector<16xf32>
      %select_n3A_310 = arith.select %eq3A_299, %min3A_308, %max3A_309 : vector<16xf32>
      %mul3A_311 = arith.constant 16 : i32
      %mul3A_312 = arith.muli %or3A_294, %mul3A_311 : i32
      %swap3A_313 = arith.index_cast %mul3A_312 : i32 to index
      %swap3A_314 = tpu.vector_load %arg4[%swap3A_313] {strides = array<i32>} : memref<1024xf32, #tpu.memory_space<vmem>>, vector<16xf32>,
      tpu.vector_store %arg4[%swap3A_313], %select_n3A_310 {strides = array<i32>} : memref<1024xf32, #tpu.memory_space<vmem>>, vector<16xf32>,
      %select_n3A_315 = arith.select %eq3A_299, %max3A_309, %min3A_308 : vector<16xf32>
      %mul3A_316 = arith.constant 16 : i32
      %mul3A_317 = arith.muli %add3A_296, %mul3A_316 : i32
      %swap3A_318 = arith.index_cast %mul3A_317 : i32 to index
      %swap3A_319 = tpu.vector_load %arg4[%swap3A_318] {strides = array<i32>} : memref<1024xf32, #tpu.memory_space<vmem>>, vector<16xf32>,
      tpu.vector_store %arg4[%swap3A_318], %select_n3A_315 {strides = array<i32>} : memref<1024xf32, #tpu.memory_space<vmem>>, vector<16xf32>,
    }
    %scan3A_82 = arith.constant 32 : i32
    %scan3A_83 = arith.constant 0 : i32
    %scan3A_84 = arith.constant 0 : i32
    %scan3A_85 = arith.constant 32 : i32
    %scan3A_86 = arith.addi %scan3A_84, %scan3A_85 : i32
    %scan3A_87 = arith.constant 1 : i32
    scf.for %scan3A_288 = %scan3A_84 to %scan3A_86 step %scan3A_87  : i32 {
      %shift_right_arithmetic3A_289 = arith.constant 2 : i32
      %shift_right_arithmetic3A_290 = arith.shrsi %scan3A_288, %shift_right_arithmetic3A_289 : i32
      %shift_left3A_291 = arith.constant 3 : i32
      %shift_left3A_292 = arith.shli %shift_right_arithmetic3A_290, %shift_left3A_291 : i32
      %and3A = arith.constant 3 : i32
      %and3A_293 = arith.andi %scan3A_288, %and3A : i32
      %or3A_294 = arith.ori %shift_left3A_292, %and3A_293 : i32
      %add3A_295 = arith.constant 4 : i32
      %add3A_296 = arith.addi %or3A_294, %add3A_295 : i32
      %and3A_297 = arith.constant 16 : i32
      %and3A_298 = arith.andi %or3A_294, %and3A_297 : i32
      %eq3A = arith.constant 0 : i32
      %eq3A_299 = arith.cmpi eq, %and3A_298, %eq3A : i32
      %mul3A_300 = arith.constant 16 : i32
      %mul3A_301 = arith.muli %or3A_294, %mul3A_300 : i32
      %get3A_302 = arith.index_cast %mul3A_301 : i32 to index
      %get3A_303 = tpu.vector_load %arg4[%get3A_302] {strides = array<i32>} : memref<1024xf32, #tpu.memory_space<vmem>>, vector<16xf32>,
      %mul3A_304 = arith.constant 16 : i32
      %mul3A_305 = arith.muli %add3A_296, %mul3A_304 : i32
      %get3A_306 = arith.index_cast %mul3A_305 : i32 to index
      %get3A_307 = tpu.vector_load %arg4[%get3A_306] {strides = array<i32>} : memref<1024xf32, #tpu.memory_space<vmem>>, vector<16xf32>,
      %min3A_308 = arith.minimumf %get3A_303, %get3A_307 : vector<16xf32>
      %max3A_309 = arith.maximumf %get3A_303, %get3A_307 : vector<16xf32>
      %select_n3A_310 = arith.select %eq3A_299, %min3A_308, %max3A_309 : vector<16xf32>
      %mul3A_311 = arith.constant 16 : i32
      %mul3A_312 = arith.muli %or3A_294, %mul3A_311 : i32
      %swap3A_313 = arith.index_cast %mul3A_312 : i32 to index
      %swap3A_314 = tpu.vector_load %arg4[%swap3A_313] {strides = array<i32>} : memref<1024xf32, #tpu.memory_space<vmem>>, vector<16xf32>,
      tpu.vector_store %arg4[%swap3A_313], %select_n3A_310 {strides = array<i32>} : memref<1024xf32, #tpu.memory_space<vmem>>, vector<16xf32>,
      %select_n3A_315 = arith.select %eq3A_299, %max3A_309, %min3A_308 : vector<16xf32>
      %mul3A_316 = arith.constant 16 : i32
      %mul3A_317 = arith.muli %add3A_296, %mul3A_316 : i32
      %swap3A_318 = arith.index_cast %mul3A_317 : i32 to index
      %swap3A_319 = tpu.vector_load %arg4[%swap3A_318] {strides = array<i32>} : memref<1024xf32, #tpu.memory_space<vmem>>, vector<16xf32>,
      tpu.vector_store %arg4[%swap3A_318], %select_n3A_315 {strides = array<i32>} : memref<1024xf32, #tpu.memory_space<vmem>>, vector<16xf32>,
    }
    %scan3A_88 = arith.constant 32 : i32
    %scan3A_89 = arith.constant 0 : i32
    %scan3A_90 = arith.constant 0 : i32
    %scan3A_91 = arith.constant 32 : i32
    %scan3A_92 = arith.addi %scan3A_90, %scan3A_91 : i32
    %scan3A_93 = arith.constant 1 : i32
    scf.for %scan3A_288 = %scan3A_90 to %scan3A_92 step %scan3A_93  : i32 {
      %shift_right_arithmetic3A_289 = arith.constant 1 : i32
      %shift_right_arithmetic3A_290 = arith.shrsi %scan3A_288, %shift_right_arithmetic3A_289 : i32
      %shift_left3A_291 = arith.constant 2 : i32
      %shift_left3A_292 = arith.shli %shift_right_arithmetic3A_290, %shift_left3A_291 : i32
      %and3A = arith.constant 1 : i32
      %and3A_293 = arith.andi %scan3A_288, %and3A : i32
      %or3A_294 = arith.ori %shift_left3A_292, %and3A_293 : i32
      %add3A_295 = arith.constant 2 : i32
      %add3A_296 = arith.addi %or3A_294, %add3A_295 : i32
      %and3A_297 = arith.constant 16 : i32
      %and3A_298 = arith.andi %or3A_294, %and3A_297 : i32
      %eq3A = arith.constant 0 : i32
      %eq3A_299 = arith.cmpi eq, %and3A_298, %eq3A : i32
      %mul3A_300 = arith.constant 16 : i32
      %mul3A_301 = arith.muli %or3A_294, %mul3A_300 : i32
      %get3A_302 = arith.index_cast %mul3A_301 : i32 to index
      %get3A_303 = tpu.vector_load %arg4[%get3A_302] {strides = array<i32>} : memref<1024xf32, #tpu.memory_space<vmem>>, vector<16xf32>,
      %mul3A_304 = arith.constant 16 : i32
      %mul3A_305 = arith.muli %add3A_296, %mul3A_304 : i32
      %get3A_306 = arith.index_cast %mul3A_305 : i32 to index
      %get3A_307 = tpu.vector_load %arg4[%get3A_306] {strides = array<i32>} : memref<1024xf32, #tpu.memory_space<vmem>>, vector<16xf32>,
      %min3A_308 = arith.minimumf %get3A_303, %get3A_307 : vector<16xf32>
      %max3A_309 = arith.maximumf %get3A_303, %get3A_307 : vector<16xf32>
      %select_n3A_310 = arith.select %eq3A_299, %min3A_308, %max3A_309 : vector<16xf32>
      %mul3A_311 = arith.constant 16 : i32
      %mul3A_312 = arith.muli %or3A_294, %mul3A_311 : i32
      %swap3A_313 = arith.index_cast %mul3A_312 : i32 to index
      %swap3A_314 = tpu.vector_load %arg4[%swap3A_313] {strides = array<i32>} : memref<1024xf32, #tpu.memory_space<vmem>>, vector<16xf32>,
      tpu.vector_store %arg4[%swap3A_313], %select_n3A_310 {strides = array<i32>} : memref<1024xf32, #tpu.memory_space<vmem>>, vector<16xf32>,
      %select_n3A_315 = arith.select %eq3A_299, %max3A_309, %min3A_308 : vector<16xf32>
      %mul3A_316 = arith.constant 16 : i32
      %mul3A_317 = arith.muli %add3A_296, %mul3A_316 : i32
      %swap3A_318 = arith.index_cast %mul3A_317 : i32 to index
      %swap3A_319 = tpu.vector_load %arg4[%swap3A_318] {strides = array<i32>} : memref<1024xf32, #tpu.memory_space<vmem>>, vector<16xf32>,
      tpu.vector_store %arg4[%swap3A_318], %select_n3A_315 {strides = array<i32>} : memref<1024xf32, #tpu.memory_space<vmem>>, vector<16xf32>,
    }
    %scan3A_94 = arith.constant 32 : i32
    %scan3A_95 = arith.constant 0 : i32
    %scan3A_96 = arith.constant 0 : i32
    %scan3A_97 = arith.constant 32 : i32
    %scan3A_98 = arith.addi %scan3A_96, %scan3A_97 : i32
    %scan3A_99 = arith.constant 1 : i32
    scf.for %scan3A_288 = %scan3A_96 to %scan3A_98 step %scan3A_99  : i32 {
      %shift_right_arithmetic3A_289 = arith.constant 0 : i32
      %shift_right_arithmetic3A_290 = arith.shrsi %scan3A_288, %shift_right_arithmetic3A_289 : i32
      %shift_left3A_291 = arith.constant 1 : i32
      %shift_left3A_292 = arith.shli %shift_right_arithmetic3A_290, %shift_left3A_291 : i32
      %and3A = arith.constant 0 : i32
      %and3A_293 = arith.andi %scan3A_288, %and3A : i32
      %or3A_294 = arith.ori %shift_left3A_292, %and3A_293 : i32
      %add3A_295 = arith.constant 1 : i32
      %add3A_296 = arith.addi %or3A_294, %add3A_295 : i32
      %and3A_297 = arith.constant 16 : i32
      %and3A_298 = arith.andi %or3A_294, %and3A_297 : i32
      %eq3A = arith.constant 0 : i32
      %eq3A_299 = arith.cmpi eq, %and3A_298, %eq3A : i32
      %mul3A_300 = arith.constant 16 : i32
      %mul3A_301 = arith.muli %or3A_294, %mul3A_300 : i32
      %get3A_302 = arith.index_cast %mul3A_301 : i32 to index
      %get3A_303 = tpu.vector_load %arg4[%get3A_302] {strides = array<i32>} : memref<1024xf32, #tpu.memory_space<vmem>>, vector<16xf32>,
      %mul3A_304 = arith.constant 16 : i32
      %mul3A_305 = arith.muli %add3A_296, %mul3A_304 : i32
      %get3A_306 = arith.index_cast %mul3A_305 : i32 to index
      %get3A_307 = tpu.vector_load %arg4[%get3A_306] {strides = array<i32>} : memref<1024xf32, #tpu.memory_space<vmem>>, vector<16xf32>,
      %min3A_308 = arith.minimumf %get3A_303, %get3A_307 : vector<16xf32>
      %max3A_309 = arith.maximumf %get3A_303, %get3A_307 : vector<16xf32>
      %select_n3A_310 = arith.select %eq3A_299, %min3A_308, %max3A_309 : vector<16xf32>
      %mul3A_311 = arith.constant 16 : i32
      %mul3A_312 = arith.muli %or3A_294, %mul3A_311 : i32
      %swap3A_313 = arith.index_cast %mul3A_312 : i32 to index
      %swap3A_314 = tpu.vector_load %arg4[%swap3A_313] {strides = array<i32>} : memref<1024xf32, #tpu.memory_space<vmem>>, vector<16xf32>,
      tpu.vector_store %arg4[%swap3A_313], %select_n3A_310 {strides = array<i32>} : memref<1024xf32, #tpu.memory_space<vmem>>, vector<16xf32>,
      %select_n3A_315 = arith.select %eq3A_299, %max3A_309, %min3A_308 : vector<16xf32>
      %mul3A_316 = arith.constant 16 : i32
      %mul3A_317 = arith.muli %add3A_296, %mul3A_316 : i32
      %swap3A_318 = arith.index_cast %mul3A_317 : i32 to index
      %swap3A_319 = tpu.vector_load %arg4[%swap3A_318] {strides = array<i32>} : memref<1024xf32, #tpu.memory_space<vmem>>, vector<16xf32>,
      tpu.vector_store %arg4[%swap3A_318], %select_n3A_315 {strides = array<i32>} : memref<1024xf32, #tpu.memory_space<vmem>>, vector<16xf32>,
    }
    %scan3A_100 = arith.constant 32 : i32
    %scan3A_101 = arith.constant 0 : i32
    %scan3A_102 = arith.constant 0 : i32
    %scan3A_103 = arith.constant 64 : i32
    %scan3A_104 = arith.addi %scan3A_102, %scan3A_103 : i32
    %scan3A_105 = arith.constant 1 : i32
    scf.for %scan3A_288 = %scan3A_102 to %scan3A_104 step %scan3A_105  : i32 {
      %mul3A_289 = arith.constant 16 : i32
      %mul3A_290 = arith.muli %scan3A_288, %mul3A_289 : i32
      %get3A_291 = arith.index_cast %mul3A_290 : i32 to index
      %get3A_292 = tpu.vector_load %arg4[%get3A_291] {strides = array<i32>} : memref<1024xf32, #tpu.memory_space<vmem>>, vector<16xf32>,
      %and3A = arith.constant 16 : i32
      %and3A_293 = arith.andi %scan3A_288, %and3A : i32
      %eq3A = arith.constant 0 : i32
      %eq3A_294 = arith.cmpi eq, %and3A_293, %eq3A : i32
      %select_n3A_295 = arith.select %eq3A_294, %broadcast_in_dim3A_14, %broadcast_in_dim3A_16 : vector<16xf32>
      %mul3A_296 = arith.mulf %get3A_292, %select_n3A_295 : vector<16xf32>
      %masked_sort3A = arith.constant dense<true> : vector<16xi1>
      %masked_sort3A_297, %masked_sort3A_298, %masked_sort3A_299 = tpu.sort %mul3A_296, %mul3A_296 masked %masked_sort3A : (vector<16xf32>, vector<16xf32>, vector<16xi1>) -> (vector<16xi1>, vector<16xf32>, vector<16xf32>)
      %mul3A_300 = arith.mulf %masked_sort3A_298, %select_n3A_295 : vector<16xf32>
      %mul3A_301 = arith.constant 16 : i32
      %mul3A_302 = arith.muli %scan3A_288, %mul3A_301 : i32
      %swap3A_303 = arith.index_cast %mul3A_302 : i32 to index
      %swap3A_304 = tpu.vector_load %arg4[%swap3A_303] {strides = array<i32>} : memref<1024xf32, #tpu.memory_space<vmem>>, vector<16xf32>,
      tpu.vector_store %arg4[%swap3A_303], %mul3A_300 {strides = array<i32>} : memref<1024xf32, #tpu.memory_space<vmem>>, vector<16xf32>,
    }
    %scan3A_106 = arith.constant 64 : i32
    %scan3A_107 = arith.constant 0 : i32
    %scan3A_108 = arith.constant 0 : i32
    %scan3A_109 = arith.constant 32 : i32
    %scan3A_110 = arith.addi %scan3A_108, %scan3A_109 : i32
    %scan3A_111 = arith.constant 1 : i32
    scf.for %scan3A_288 = %scan3A_108 to %scan3A_110 step %scan3A_111  : i32 {
      %shift_right_arithmetic3A_289 = arith.constant 4 : i32
      %shift_right_arithmetic3A_290 = arith.shrsi %scan3A_288, %shift_right_arithmetic3A_289 : i32
      %shift_left3A_291 = arith.constant 5 : i32
      %shift_left3A_292 = arith.shli %shift_right_arithmetic3A_290, %shift_left3A_291 : i32
      %and3A = arith.constant 15 : i32
      %and3A_293 = arith.andi %scan3A_288, %and3A : i32
      %or3A_294 = arith.ori %shift_left3A_292, %and3A_293 : i32
      %add3A_295 = arith.constant 16 : i32
      %add3A_296 = arith.addi %or3A_294, %add3A_295 : i32
      %and3A_297 = arith.constant 32 : i32
      %and3A_298 = arith.andi %or3A_294, %and3A_297 : i32
      %eq3A = arith.constant 0 : i32
      %eq3A_299 = arith.cmpi eq, %and3A_298, %eq3A : i32
      %mul3A_300 = arith.constant 16 : i32
      %mul3A_301 = arith.muli %or3A_294, %mul3A_300 : i32
      %get3A_302 = arith.index_cast %mul3A_301 : i32 to index
      %get3A_303 = tpu.vector_load %arg4[%get3A_302] {strides = array<i32>} : memref<1024xf32, #tpu.memory_space<vmem>>, vector<16xf32>,
      %mul3A_304 = arith.constant 16 : i32
      %mul3A_305 = arith.muli %add3A_296, %mul3A_304 : i32
      %get3A_306 = arith.index_cast %mul3A_305 : i32 to index
      %get3A_307 = tpu.vector_load %arg4[%get3A_306] {strides = array<i32>} : memref<1024xf32, #tpu.memory_space<vmem>>, vector<16xf32>,
      %min3A_308 = arith.minimumf %get3A_303, %get3A_307 : vector<16xf32>
      %max3A_309 = arith.maximumf %get3A_303, %get3A_307 : vector<16xf32>
      %select_n3A_310 = arith.select %eq3A_299, %min3A_308, %max3A_309 : vector<16xf32>
      %mul3A_311 = arith.constant 16 : i32
      %mul3A_312 = arith.muli %or3A_294, %mul3A_311 : i32
      %swap3A_313 = arith.index_cast %mul3A_312 : i32 to index
      %swap3A_314 = tpu.vector_load %arg4[%swap3A_313] {strides = array<i32>} : memref<1024xf32, #tpu.memory_space<vmem>>, vector<16xf32>,
      tpu.vector_store %arg4[%swap3A_313], %select_n3A_310 {strides = array<i32>} : memref<1024xf32, #tpu.memory_space<vmem>>, vector<16xf32>,
      %select_n3A_315 = arith.select %eq3A_299, %max3A_309, %min3A_308 : vector<16xf32>
      %mul3A_316 = arith.constant 16 : i32
      %mul3A_317 = arith.muli %add3A_296, %mul3A_316 : i32
      %swap3A_318 = arith.index_cast %mul3A_317 : i32 to index
      %swap3A_319 = tpu.vector_load %arg4[%swap3A_318] {strides = array<i32>} : memref<1024xf32, #tpu.memory_space<vmem>>, vector<16xf32>,
      tpu.vector_store %arg4[%swap3A_318], %select_n3A_315 {strides = array<i32>} : memref<1024xf32, #tpu.memory_space<vmem>>, vector<16xf32>,
    }
    %scan3A_112 = arith.constant 32 : i32
    %scan3A_113 = arith.constant 0 : i32
    %scan3A_114 = arith.constant 0 : i32
    %scan3A_115 = arith.constant 32 : i32
    %scan3A_116 = arith.addi %scan3A_114, %scan3A_115 : i32
    %scan3A_117 = arith.constant 1 : i32
    scf.for %scan3A_288 = %scan3A_114 to %scan3A_116 step %scan3A_117  : i32 {
      %shift_right_arithmetic3A_289 = arith.constant 3 : i32
      %shift_right_arithmetic3A_290 = arith.shrsi %scan3A_288, %shift_right_arithmetic3A_289 : i32
      %shift_left3A_291 = arith.constant 4 : i32
      %shift_left3A_292 = arith.shli %shift_right_arithmetic3A_290, %shift_left3A_291 : i32
      %and3A = arith.constant 7 : i32
      %and3A_293 = arith.andi %scan3A_288, %and3A : i32
      %or3A_294 = arith.ori %shift_left3A_292, %and3A_293 : i32
      %add3A_295 = arith.constant 8 : i32
      %add3A_296 = arith.addi %or3A_294, %add3A_295 : i32
      %and3A_297 = arith.constant 32 : i32
      %and3A_298 = arith.andi %or3A_294, %and3A_297 : i32
      %eq3A = arith.constant 0 : i32
      %eq3A_299 = arith.cmpi eq, %and3A_298, %eq3A : i32
      %mul3A_300 = arith.constant 16 : i32
      %mul3A_301 = arith.muli %or3A_294, %mul3A_300 : i32
      %get3A_302 = arith.index_cast %mul3A_301 : i32 to index
      %get3A_303 = tpu.vector_load %arg4[%get3A_302] {strides = array<i32>} : memref<1024xf32, #tpu.memory_space<vmem>>, vector<16xf32>,
      %mul3A_304 = arith.constant 16 : i32
      %mul3A_305 = arith.muli %add3A_296, %mul3A_304 : i32
      %get3A_306 = arith.index_cast %mul3A_305 : i32 to index
      %get3A_307 = tpu.vector_load %arg4[%get3A_306] {strides = array<i32>} : memref<1024xf32, #tpu.memory_space<vmem>>, vector<16xf32>,
      %min3A_308 = arith.minimumf %get3A_303, %get3A_307 : vector<16xf32>
      %max3A_309 = arith.maximumf %get3A_303, %get3A_307 : vector<16xf32>
      %select_n3A_310 = arith.select %eq3A_299, %min3A_308, %max3A_309 : vector<16xf32>
      %mul3A_311 = arith.constant 16 : i32
      %mul3A_312 = arith.muli %or3A_294, %mul3A_311 : i32
      %swap3A_313 = arith.index_cast %mul3A_312 : i32 to index
      %swap3A_314 = tpu.vector_load %arg4[%swap3A_313] {strides = array<i32>} : memref<1024xf32, #tpu.memory_space<vmem>>, vector<16xf32>,
      tpu.vector_store %arg4[%swap3A_313], %select_n3A_310 {strides = array<i32>} : memref<1024xf32, #tpu.memory_space<vmem>>, vector<16xf32>,
      %select_n3A_315 = arith.select %eq3A_299, %max3A_309, %min3A_308 : vector<16xf32>
      %mul3A_316 = arith.constant 16 : i32
      %mul3A_317 = arith.muli %add3A_296, %mul3A_316 : i32
      %swap3A_318 = arith.index_cast %mul3A_317 : i32 to index
      %swap3A_319 = tpu.vector_load %arg4[%swap3A_318] {strides = array<i32>} : memref<1024xf32, #tpu.memory_space<vmem>>, vector<16xf32>,
      tpu.vector_store %arg4[%swap3A_318], %select_n3A_315 {strides = array<i32>} : memref<1024xf32, #tpu.memory_space<vmem>>, vector<16xf32>,
    }
    %scan3A_118 = arith.constant 32 : i32
    %scan3A_119 = arith.constant 0 : i32
    %scan3A_120 = arith.constant 0 : i32
    %scan3A_121 = arith.constant 32 : i32
    %scan3A_122 = arith.addi %scan3A_120, %scan3A_121 : i32
    %scan3A_123 = arith.constant 1 : i32
    scf.for %scan3A_288 = %scan3A_120 to %scan3A_122 step %scan3A_123  : i32 {
      %shift_right_arithmetic3A_289 = arith.constant 2 : i32
      %shift_right_arithmetic3A_290 = arith.shrsi %scan3A_288, %shift_right_arithmetic3A_289 : i32
      %shift_left3A_291 = arith.constant 3 : i32
      %shift_left3A_292 = arith.shli %shift_right_arithmetic3A_290, %shift_left3A_291 : i32
      %and3A = arith.constant 3 : i32
      %and3A_293 = arith.andi %scan3A_288, %and3A : i32
      %or3A_294 = arith.ori %shift_left3A_292, %and3A_293 : i32
      %add3A_295 = arith.constant 4 : i32
      %add3A_296 = arith.addi %or3A_294, %add3A_295 : i32
      %and3A_297 = arith.constant 32 : i32
      %and3A_298 = arith.andi %or3A_294, %and3A_297 : i32
      %eq3A = arith.constant 0 : i32
      %eq3A_299 = arith.cmpi eq, %and3A_298, %eq3A : i32
      %mul3A_300 = arith.constant 16 : i32
      %mul3A_301 = arith.muli %or3A_294, %mul3A_300 : i32
      %get3A_302 = arith.index_cast %mul3A_301 : i32 to index
      %get3A_303 = tpu.vector_load %arg4[%get3A_302] {strides = array<i32>} : memref<1024xf32, #tpu.memory_space<vmem>>, vector<16xf32>,
      %mul3A_304 = arith.constant 16 : i32
      %mul3A_305 = arith.muli %add3A_296, %mul3A_304 : i32
      %get3A_306 = arith.index_cast %mul3A_305 : i32 to index
      %get3A_307 = tpu.vector_load %arg4[%get3A_306] {strides = array<i32>} : memref<1024xf32, #tpu.memory_space<vmem>>, vector<16xf32>,
      %min3A_308 = arith.minimumf %get3A_303, %get3A_307 : vector<16xf32>
      %max3A_309 = arith.maximumf %get3A_303, %get3A_307 : vector<16xf32>
      %select_n3A_310 = arith.select %eq3A_299, %min3A_308, %max3A_309 : vector<16xf32>
      %mul3A_311 = arith.constant 16 : i32
      %mul3A_312 = arith.muli %or3A_294, %mul3A_311 : i32
      %swap3A_313 = arith.index_cast %mul3A_312 : i32 to index
      %swap3A_314 = tpu.vector_load %arg4[%swap3A_313] {strides = array<i32>} : memref<1024xf32, #tpu.memory_space<vmem>>, vector<16xf32>,
      tpu.vector_store %arg4[%swap3A_313], %select_n3A_310 {strides = array<i32>} : memref<1024xf32, #tpu.memory_space<vmem>>, vector<16xf32>,
      %select_n3A_315 = arith.select %eq3A_299, %max3A_309, %min3A_308 : vector<16xf32>
      %mul3A_316 = arith.constant 16 : i32
      %mul3A_317 = arith.muli %add3A_296, %mul3A_316 : i32
      %swap3A_318 = arith.index_cast %mul3A_317 : i32 to index
      %swap3A_319 = tpu.vector_load %arg4[%swap3A_318] {strides = array<i32>} : memref<1024xf32, #tpu.memory_space<vmem>>, vector<16xf32>,
      tpu.vector_store %arg4[%swap3A_318], %select_n3A_315 {strides = array<i32>} : memref<1024xf32, #tpu.memory_space<vmem>>, vector<16xf32>,
    }
    %scan3A_124 = arith.constant 32 : i32
    %scan3A_125 = arith.constant 0 : i32
    %scan3A_126 = arith.constant 0 : i32
    %scan3A_127 = arith.constant 32 : i32
    %scan3A_128 = arith.addi %scan3A_126, %scan3A_127 : i32
    %scan3A_129 = arith.constant 1 : i32
    scf.for %scan3A_288 = %scan3A_126 to %scan3A_128 step %scan3A_129  : i32 {
      %shift_right_arithmetic3A_289 = arith.constant 1 : i32
      %shift_right_arithmetic3A_290 = arith.shrsi %scan3A_288, %shift_right_arithmetic3A_289 : i32
      %shift_left3A_291 = arith.constant 2 : i32
      %shift_left3A_292 = arith.shli %shift_right_arithmetic3A_290, %shift_left3A_291 : i32
      %and3A = arith.constant 1 : i32
      %and3A_293 = arith.andi %scan3A_288, %and3A : i32
      %or3A_294 = arith.ori %shift_left3A_292, %and3A_293 : i32
      %add3A_295 = arith.constant 2 : i32
      %add3A_296 = arith.addi %or3A_294, %add3A_295 : i32
      %and3A_297 = arith.constant 32 : i32
      %and3A_298 = arith.andi %or3A_294, %and3A_297 : i32
      %eq3A = arith.constant 0 : i32
      %eq3A_299 = arith.cmpi eq, %and3A_298, %eq3A : i32
      %mul3A_300 = arith.constant 16 : i32
      %mul3A_301 = arith.muli %or3A_294, %mul3A_300 : i32
      %get3A_302 = arith.index_cast %mul3A_301 : i32 to index
      %get3A_303 = tpu.vector_load %arg4[%get3A_302] {strides = array<i32>} : memref<1024xf32, #tpu.memory_space<vmem>>, vector<16xf32>,
      %mul3A_304 = arith.constant 16 : i32
      %mul3A_305 = arith.muli %add3A_296, %mul3A_304 : i32
      %get3A_306 = arith.index_cast %mul3A_305 : i32 to index
      %get3A_307 = tpu.vector_load %arg4[%get3A_306] {strides = array<i32>} : memref<1024xf32, #tpu.memory_space<vmem>>, vector<16xf32>,
      %min3A_308 = arith.minimumf %get3A_303, %get3A_307 : vector<16xf32>
      %max3A_309 = arith.maximumf %get3A_303, %get3A_307 : vector<16xf32>
      %select_n3A_310 = arith.select %eq3A_299, %min3A_308, %max3A_309 : vector<16xf32>
      %mul3A_311 = arith.constant 16 : i32
      %mul3A_312 = arith.muli %or3A_294, %mul3A_311 : i32
      %swap3A_313 = arith.index_cast %mul3A_312 : i32 to index
      %swap3A_314 = tpu.vector_load %arg4[%swap3A_313] {strides = array<i32>} : memref<1024xf32, #tpu.memory_space<vmem>>, vector<16xf32>,
      tpu.vector_store %arg4[%swap3A_313], %select_n3A_310 {strides = array<i32>} : memref<1024xf32, #tpu.memory_space<vmem>>, vector<16xf32>,
      %select_n3A_315 = arith.select %eq3A_299, %max3A_309, %min3A_308 : vector<16xf32>
      %mul3A_316 = arith.constant 16 : i32
      %mul3A_317 = arith.muli %add3A_296, %mul3A_316 : i32
      %swap3A_318 = arith.index_cast %mul3A_317 : i32 to index
      %swap3A_319 = tpu.vector_load %arg4[%swap3A_318] {strides = array<i32>} : memref<1024xf32, #tpu.memory_space<vmem>>, vector<16xf32>,
      tpu.vector_store %arg4[%swap3A_318], %select_n3A_315 {strides = array<i32>} : memref<1024xf32, #tpu.memory_space<vmem>>, vector<16xf32>,
    }
    %scan3A_130 = arith.constant 32 : i32
    %scan3A_131 = arith.constant 0 : i32
    %scan3A_132 = arith.constant 0 : i32
    %scan3A_133 = arith.constant 32 : i32
    %scan3A_134 = arith.addi %scan3A_132, %scan3A_133 : i32
    %scan3A_135 = arith.constant 1 : i32
    scf.for %scan3A_288 = %scan3A_132 to %scan3A_134 step %scan3A_135  : i32 {
      %shift_right_arithmetic3A_289 = arith.constant 0 : i32
      %shift_right_arithmetic3A_290 = arith.shrsi %scan3A_288, %shift_right_arithmetic3A_289 : i32
      %shift_left3A_291 = arith.constant 1 : i32
      %shift_left3A_292 = arith.shli %shift_right_arithmetic3A_290, %shift_left3A_291 : i32
      %and3A = arith.constant 0 : i32
      %and3A_293 = arith.andi %scan3A_288, %and3A : i32
      %or3A_294 = arith.ori %shift_left3A_292, %and3A_293 : i32
      %add3A_295 = arith.constant 1 : i32
      %add3A_296 = arith.addi %or3A_294, %add3A_295 : i32
      %and3A_297 = arith.constant 32 : i32
      %and3A_298 = arith.andi %or3A_294, %and3A_297 : i32
      %eq3A = arith.constant 0 : i32
      %eq3A_299 = arith.cmpi eq, %and3A_298, %eq3A : i32
      %mul3A_300 = arith.constant 16 : i32
      %mul3A_301 = arith.muli %or3A_294, %mul3A_300 : i32
      %get3A_302 = arith.index_cast %mul3A_301 : i32 to index
      %get3A_303 = tpu.vector_load %arg4[%get3A_302] {strides = array<i32>} : memref<1024xf32, #tpu.memory_space<vmem>>, vector<16xf32>,
      %mul3A_304 = arith.constant 16 : i32
      %mul3A_305 = arith.muli %add3A_296, %mul3A_304 : i32
      %get3A_306 = arith.index_cast %mul3A_305 : i32 to index
      %get3A_307 = tpu.vector_load %arg4[%get3A_306] {strides = array<i32>} : memref<1024xf32, #tpu.memory_space<vmem>>, vector<16xf32>,
      %min3A_308 = arith.minimumf %get3A_303, %get3A_307 : vector<16xf32>
      %max3A_309 = arith.maximumf %get3A_303, %get3A_307 : vector<16xf32>
      %select_n3A_310 = arith.select %eq3A_299, %min3A_308, %max3A_309 : vector<16xf32>
      %mul3A_311 = arith.constant 16 : i32
      %mul3A_312 = arith.muli %or3A_294, %mul3A_311 : i32
      %swap3A_313 = arith.index_cast %mul3A_312 : i32 to index
      %swap3A_314 = tpu.vector_load %arg4[%swap3A_313] {strides = array<i32>} : memref<1024xf32, #tpu.memory_space<vmem>>, vector<16xf32>,
      tpu.vector_store %arg4[%swap3A_313], %select_n3A_310 {strides = array<i32>} : memref<1024xf32, #tpu.memory_space<vmem>>, vector<16xf32>,
      %select_n3A_315 = arith.select %eq3A_299, %max3A_309, %min3A_308 : vector<16xf32>
      %mul3A_316 = arith.constant 16 : i32
      %mul3A_317 = arith.muli %add3A_296, %mul3A_316 : i32
      %swap3A_318 = arith.index_cast %mul3A_317 : i32 to index
      %swap3A_319 = tpu.vector_load %arg4[%swap3A_318] {strides = array<i32>} : memref<1024xf32, #tpu.memory_space<vmem>>, vector<16xf32>,
      tpu.vector_store %arg4[%swap3A_318], %select_n3A_315 {strides = array<i32>} : memref<1024xf32, #tpu.memory_space<vmem>>, vector<16xf32>,
    }
    %scan3A_136 = arith.constant 32 : i32
    %scan3A_137 = arith.constant 0 : i32
    %scan3A_138 = arith.constant 0 : i32
    %scan3A_139 = arith.constant 64 : i32
    %scan3A_140 = arith.addi %scan3A_138, %scan3A_139 : i32
    %scan3A_141 = arith.constant 1 : i32
    scf.for %scan3A_288 = %scan3A_138 to %scan3A_140 step %scan3A_141  : i32 {
      %mul3A_289 = arith.constant 16 : i32
      %mul3A_290 = arith.muli %scan3A_288, %mul3A_289 : i32
      %get3A_291 = arith.index_cast %mul3A_290 : i32 to index
      %get3A_292 = tpu.vector_load %arg4[%get3A_291] {strides = array<i32>} : memref<1024xf32, #tpu.memory_space<vmem>>, vector<16xf32>,
      %and3A = arith.constant 32 : i32
      %and3A_293 = arith.andi %scan3A_288, %and3A : i32
      %eq3A = arith.constant 0 : i32
      %eq3A_294 = arith.cmpi eq, %and3A_293, %eq3A : i32
      %select_n3A_295 = arith.select %eq3A_294, %broadcast_in_dim3A_14, %broadcast_in_dim3A_16 : vector<16xf32>
      %mul3A_296 = arith.mulf %get3A_292, %select_n3A_295 : vector<16xf32>
      %masked_sort3A = arith.constant dense<true> : vector<16xi1>
      %masked_sort3A_297, %masked_sort3A_298, %masked_sort3A_299 = tpu.sort %mul3A_296, %mul3A_296 masked %masked_sort3A : (vector<16xf32>, vector<16xf32>, vector<16xi1>) -> (vector<16xi1>, vector<16xf32>, vector<16xf32>)
      %mul3A_300 = arith.mulf %masked_sort3A_298, %select_n3A_295 : vector<16xf32>
      %mul3A_301 = arith.constant 16 : i32
      %mul3A_302 = arith.muli %scan3A_288, %mul3A_301 : i32
      %swap3A_303 = arith.index_cast %mul3A_302 : i32 to index
      %swap3A_304 = tpu.vector_load %arg4[%swap3A_303] {strides = array<i32>} : memref<1024xf32, #tpu.memory_space<vmem>>, vector<16xf32>,
      tpu.vector_store %arg4[%swap3A_303], %mul3A_300 {strides = array<i32>} : memref<1024xf32, #tpu.memory_space<vmem>>, vector<16xf32>,
    }
    %scan3A_142 = arith.constant 64 : i32
    %scan3A_143 = arith.constant 0 : i32
    %scan3A_144 = arith.constant 0 : i32
    %scan3A_145 = arith.constant 32 : i32
    %scan3A_146 = arith.addi %scan3A_144, %scan3A_145 : i32
    %scan3A_147 = arith.constant 1 : i32
    scf.for %scan3A_288 = %scan3A_144 to %scan3A_146 step %scan3A_147  : i32 {
      %shift_right_arithmetic3A_289 = arith.constant 5 : i32
      %shift_right_arithmetic3A_290 = arith.shrsi %scan3A_288, %shift_right_arithmetic3A_289 : i32
      %shift_left3A_291 = arith.constant 6 : i32
      %shift_left3A_292 = arith.shli %shift_right_arithmetic3A_290, %shift_left3A_291 : i32
      %and3A = arith.constant 31 : i32
      %and3A_293 = arith.andi %scan3A_288, %and3A : i32
      %or3A_294 = arith.ori %shift_left3A_292, %and3A_293 : i32
      %add3A_295 = arith.constant 32 : i32
      %add3A_296 = arith.addi %or3A_294, %add3A_295 : i32
      %and3A_297 = arith.constant 64 : i32
      %and3A_298 = arith.andi %or3A_294, %and3A_297 : i32
      %eq3A = arith.constant 0 : i32
      %eq3A_299 = arith.cmpi eq, %and3A_298, %eq3A : i32
      %mul3A_300 = arith.constant 16 : i32
      %mul3A_301 = arith.muli %or3A_294, %mul3A_300 : i32
      %get3A_302 = arith.index_cast %mul3A_301 : i32 to index
      %get3A_303 = tpu.vector_load %arg4[%get3A_302] {strides = array<i32>} : memref<1024xf32, #tpu.memory_space<vmem>>, vector<16xf32>,
      %mul3A_304 = arith.constant 16 : i32
      %mul3A_305 = arith.muli %add3A_296, %mul3A_304 : i32
      %get3A_306 = arith.index_cast %mul3A_305 : i32 to index
      %get3A_307 = tpu.vector_load %arg4[%get3A_306] {strides = array<i32>} : memref<1024xf32, #tpu.memory_space<vmem>>, vector<16xf32>,
      %min3A_308 = arith.minimumf %get3A_303, %get3A_307 : vector<16xf32>
      %max3A_309 = arith.maximumf %get3A_303, %get3A_307 : vector<16xf32>
      %select_n3A_310 = arith.select %eq3A_299, %min3A_308, %max3A_309 : vector<16xf32>
      %mul3A_311 = arith.constant 16 : i32
      %mul3A_312 = arith.muli %or3A_294, %mul3A_311 : i32
      %swap3A_313 = arith.index_cast %mul3A_312 : i32 to index
      %swap3A_314 = tpu.vector_load %arg4[%swap3A_313] {strides = array<i32>} : memref<1024xf32, #tpu.memory_space<vmem>>, vector<16xf32>,
      tpu.vector_store %arg4[%swap3A_313], %select_n3A_310 {strides = array<i32>} : memref<1024xf32, #tpu.memory_space<vmem>>, vector<16xf32>,
      %select_n3A_315 = arith.select %eq3A_299, %max3A_309, %min3A_308 : vector<16xf32>
      %mul3A_316 = arith.constant 16 : i32
      %mul3A_317 = arith.muli %add3A_296, %mul3A_316 : i32
      %swap3A_318 = arith.index_cast %mul3A_317 : i32 to index
      %swap3A_319 = tpu.vector_load %arg4[%swap3A_318] {strides = array<i32>} : memref<1024xf32, #tpu.memory_space<vmem>>, vector<16xf32>,
      tpu.vector_store %arg4[%swap3A_318], %select_n3A_315 {strides = array<i32>} : memref<1024xf32, #tpu.memory_space<vmem>>, vector<16xf32>,
    }
    %scan3A_148 = arith.constant 32 : i32
    %scan3A_149 = arith.constant 0 : i32
    %scan3A_150 = arith.constant 0 : i32
    %scan3A_151 = arith.constant 32 : i32
    %scan3A_152 = arith.addi %scan3A_150, %scan3A_151 : i32
    %scan3A_153 = arith.constant 1 : i32
    scf.for %scan3A_288 = %scan3A_150 to %scan3A_152 step %scan3A_153  : i32 {
      %shift_right_arithmetic3A_289 = arith.constant 4 : i32
      %shift_right_arithmetic3A_290 = arith.shrsi %scan3A_288, %shift_right_arithmetic3A_289 : i32
      %shift_left3A_291 = arith.constant 5 : i32
      %shift_left3A_292 = arith.shli %shift_right_arithmetic3A_290, %shift_left3A_291 : i32
      %and3A = arith.constant 15 : i32
      %and3A_293 = arith.andi %scan3A_288, %and3A : i32
      %or3A_294 = arith.ori %shift_left3A_292, %and3A_293 : i32
      %add3A_295 = arith.constant 16 : i32
      %add3A_296 = arith.addi %or3A_294, %add3A_295 : i32
      %and3A_297 = arith.constant 64 : i32
      %and3A_298 = arith.andi %or3A_294, %and3A_297 : i32
      %eq3A = arith.constant 0 : i32
      %eq3A_299 = arith.cmpi eq, %and3A_298, %eq3A : i32
      %mul3A_300 = arith.constant 16 : i32
      %mul3A_301 = arith.muli %or3A_294, %mul3A_300 : i32
      %get3A_302 = arith.index_cast %mul3A_301 : i32 to index
      %get3A_303 = tpu.vector_load %arg4[%get3A_302] {strides = array<i32>} : memref<1024xf32, #tpu.memory_space<vmem>>, vector<16xf32>,
      %mul3A_304 = arith.constant 16 : i32
      %mul3A_305 = arith.muli %add3A_296, %mul3A_304 : i32
      %get3A_306 = arith.index_cast %mul3A_305 : i32 to index
      %get3A_307 = tpu.vector_load %arg4[%get3A_306] {strides = array<i32>} : memref<1024xf32, #tpu.memory_space<vmem>>, vector<16xf32>,
      %min3A_308 = arith.minimumf %get3A_303, %get3A_307 : vector<16xf32>
      %max3A_309 = arith.maximumf %get3A_303, %get3A_307 : vector<16xf32>
      %select_n3A_310 = arith.select %eq3A_299, %min3A_308, %max3A_309 : vector<16xf32>
      %mul3A_311 = arith.constant 16 : i32
      %mul3A_312 = arith.muli %or3A_294, %mul3A_311 : i32
      %swap3A_313 = arith.index_cast %mul3A_312 : i32 to index
      %swap3A_314 = tpu.vector_load %arg4[%swap3A_313] {strides = array<i32>} : memref<1024xf32, #tpu.memory_space<vmem>>, vector<16xf32>,
      tpu.vector_store %arg4[%swap3A_313], %select_n3A_310 {strides = array<i32>} : memref<1024xf32, #tpu.memory_space<vmem>>, vector<16xf32>,
      %select_n3A_315 = arith.select %eq3A_299, %max3A_309, %min3A_308 : vector<16xf32>
      %mul3A_316 = arith.constant 16 : i32
      %mul3A_317 = arith.muli %add3A_296, %mul3A_316 : i32
      %swap3A_318 = arith.index_cast %mul3A_317 : i32 to index
      %swap3A_319 = tpu.vector_load %arg4[%swap3A_318] {strides = array<i32>} : memref<1024xf32, #tpu.memory_space<vmem>>, vector<16xf32>,
      tpu.vector_store %arg4[%swap3A_318], %select_n3A_315 {strides = array<i32>} : memref<1024xf32, #tpu.memory_space<vmem>>, vector<16xf32>,
    }
    %scan3A_154 = arith.constant 32 : i32
    %scan3A_155 = arith.constant 0 : i32
    %scan3A_156 = arith.constant 0 : i32
    %scan3A_157 = arith.constant 32 : i32
    %scan3A_158 = arith.addi %scan3A_156, %scan3A_157 : i32
    %scan3A_159 = arith.constant 1 : i32
    scf.for %scan3A_288 = %scan3A_156 to %scan3A_158 step %scan3A_159  : i32 {
      %shift_right_arithmetic3A_289 = arith.constant 3 : i32
      %shift_right_arithmetic3A_290 = arith.shrsi %scan3A_288, %shift_right_arithmetic3A_289 : i32
      %shift_left3A_291 = arith.constant 4 : i32
      %shift_left3A_292 = arith.shli %shift_right_arithmetic3A_290, %shift_left3A_291 : i32
      %and3A = arith.constant 7 : i32
      %and3A_293 = arith.andi %scan3A_288, %and3A : i32
      %or3A_294 = arith.ori %shift_left3A_292, %and3A_293 : i32
      %add3A_295 = arith.constant 8 : i32
      %add3A_296 = arith.addi %or3A_294, %add3A_295 : i32
      %and3A_297 = arith.constant 64 : i32
      %and3A_298 = arith.andi %or3A_294, %and3A_297 : i32
      %eq3A = arith.constant 0 : i32
      %eq3A_299 = arith.cmpi eq, %and3A_298, %eq3A : i32
      %mul3A_300 = arith.constant 16 : i32
      %mul3A_301 = arith.muli %or3A_294, %mul3A_300 : i32
      %get3A_302 = arith.index_cast %mul3A_301 : i32 to index
      %get3A_303 = tpu.vector_load %arg4[%get3A_302] {strides = array<i32>} : memref<1024xf32, #tpu.memory_space<vmem>>, vector<16xf32>,
      %mul3A_304 = arith.constant 16 : i32
      %mul3A_305 = arith.muli %add3A_296, %mul3A_304 : i32
      %get3A_306 = arith.index_cast %mul3A_305 : i32 to index
      %get3A_307 = tpu.vector_load %arg4[%get3A_306] {strides = array<i32>} : memref<1024xf32, #tpu.memory_space<vmem>>, vector<16xf32>,
      %min3A_308 = arith.minimumf %get3A_303, %get3A_307 : vector<16xf32>
      %max3A_309 = arith.maximumf %get3A_303, %get3A_307 : vector<16xf32>
      %select_n3A_310 = arith.select %eq3A_299, %min3A_308, %max3A_309 : vector<16xf32>
      %mul3A_311 = arith.constant 16 : i32
      %mul3A_312 = arith.muli %or3A_294, %mul3A_311 : i32
      %swap3A_313 = arith.index_cast %mul3A_312 : i32 to index
      %swap3A_314 = tpu.vector_load %arg4[%swap3A_313] {strides = array<i32>} : memref<1024xf32, #tpu.memory_space<vmem>>, vector<16xf32>,
      tpu.vector_store %arg4[%swap3A_313], %select_n3A_310 {strides = array<i32>} : memref<1024xf32, #tpu.memory_space<vmem>>, vector<16xf32>,
      %select_n3A_315 = arith.select %eq3A_299, %max3A_309, %min3A_308 : vector<16xf32>
      %mul3A_316 = arith.constant 16 : i32
      %mul3A_317 = arith.muli %add3A_296, %mul3A_316 : i32
      %swap3A_318 = arith.index_cast %mul3A_317 : i32 to index
      %swap3A_319 = tpu.vector_load %arg4[%swap3A_318] {strides = array<i32>} : memref<1024xf32, #tpu.memory_space<vmem>>, vector<16xf32>,
      tpu.vector_store %arg4[%swap3A_318], %select_n3A_315 {strides = array<i32>} : memref<1024xf32, #tpu.memory_space<vmem>>, vector<16xf32>,
    }
    %scan3A_160 = arith.constant 32 : i32
    %scan3A_161 = arith.constant 0 : i32
    %scan3A_162 = arith.constant 0 : i32
    %scan3A_163 = arith.constant 32 : i32
    %scan3A_164 = arith.addi %scan3A_162, %scan3A_163 : i32
    %scan3A_165 = arith.constant 1 : i32
    scf.for %scan3A_288 = %scan3A_162 to %scan3A_164 step %scan3A_165  : i32 {
      %shift_right_arithmetic3A_289 = arith.constant 2 : i32
      %shift_right_arithmetic3A_290 = arith.shrsi %scan3A_288, %shift_right_arithmetic3A_289 : i32
      %shift_left3A_291 = arith.constant 3 : i32
      %shift_left3A_292 = arith.shli %shift_right_arithmetic3A_290, %shift_left3A_291 : i32
      %and3A = arith.constant 3 : i32
      %and3A_293 = arith.andi %scan3A_288, %and3A : i32
      %or3A_294 = arith.ori %shift_left3A_292, %and3A_293 : i32
      %add3A_295 = arith.constant 4 : i32
      %add3A_296 = arith.addi %or3A_294, %add3A_295 : i32
      %and3A_297 = arith.constant 64 : i32
      %and3A_298 = arith.andi %or3A_294, %and3A_297 : i32
      %eq3A = arith.constant 0 : i32
      %eq3A_299 = arith.cmpi eq, %and3A_298, %eq3A : i32
      %mul3A_300 = arith.constant 16 : i32
      %mul3A_301 = arith.muli %or3A_294, %mul3A_300 : i32
      %get3A_302 = arith.index_cast %mul3A_301 : i32 to index
      %get3A_303 = tpu.vector_load %arg4[%get3A_302] {strides = array<i32>} : memref<1024xf32, #tpu.memory_space<vmem>>, vector<16xf32>,
      %mul3A_304 = arith.constant 16 : i32
      %mul3A_305 = arith.muli %add3A_296, %mul3A_304 : i32
      %get3A_306 = arith.index_cast %mul3A_305 : i32 to index
      %get3A_307 = tpu.vector_load %arg4[%get3A_306] {strides = array<i32>} : memref<1024xf32, #tpu.memory_space<vmem>>, vector<16xf32>,
      %min3A_308 = arith.minimumf %get3A_303, %get3A_307 : vector<16xf32>
      %max3A_309 = arith.maximumf %get3A_303, %get3A_307 : vector<16xf32>
      %select_n3A_310 = arith.select %eq3A_299, %min3A_308, %max3A_309 : vector<16xf32>
      %mul3A_311 = arith.constant 16 : i32
      %mul3A_312 = arith.muli %or3A_294, %mul3A_311 : i32
      %swap3A_313 = arith.index_cast %mul3A_312 : i32 to index
      %swap3A_314 = tpu.vector_load %arg4[%swap3A_313] {strides = array<i32>} : memref<1024xf32, #tpu.memory_space<vmem>>, vector<16xf32>,
      tpu.vector_store %arg4[%swap3A_313], %select_n3A_310 {strides = array<i32>} : memref<1024xf32, #tpu.memory_space<vmem>>, vector<16xf32>,
      %select_n3A_315 = arith.select %eq3A_299, %max3A_309, %min3A_308 : vector<16xf32>
      %mul3A_316 = arith.constant 16 : i32
      %mul3A_317 = arith.muli %add3A_296, %mul3A_316 : i32
      %swap3A_318 = arith.index_cast %mul3A_317 : i32 to index
      %swap3A_319 = tpu.vector_load %arg4[%swap3A_318] {strides = array<i32>} : memref<1024xf32, #tpu.memory_space<vmem>>, vector<16xf32>,
      tpu.vector_store %arg4[%swap3A_318], %select_n3A_315 {strides = array<i32>} : memref<1024xf32, #tpu.memory_space<vmem>>, vector<16xf32>,
    }
    %scan3A_166 = arith.constant 32 : i32
    %scan3A_167 = arith.constant 0 : i32
    %scan3A_168 = arith.constant 0 : i32
    %scan3A_169 = arith.constant 32 : i32
    %scan3A_170 = arith.addi %scan3A_168, %scan3A_169 : i32
    %scan3A_171 = arith.constant 1 : i32
    scf.for %scan3A_288 = %scan3A_168 to %scan3A_170 step %scan3A_171  : i32 {
      %shift_right_arithmetic3A_289 = arith.constant 1 : i32
      %shift_right_arithmetic3A_290 = arith.shrsi %scan3A_288, %shift_right_arithmetic3A_289 : i32
      %shift_left3A_291 = arith.constant 2 : i32
      %shift_left3A_292 = arith.shli %shift_right_arithmetic3A_290, %shift_left3A_291 : i32
      %and3A = arith.constant 1 : i32
      %and3A_293 = arith.andi %scan3A_288, %and3A : i32
      %or3A_294 = arith.ori %shift_left3A_292, %and3A_293 : i32
      %add3A_295 = arith.constant 2 : i32
      %add3A_296 = arith.addi %or3A_294, %add3A_295 : i32
      %and3A_297 = arith.constant 64 : i32
      %and3A_298 = arith.andi %or3A_294, %and3A_297 : i32
      %eq3A = arith.constant 0 : i32
      %eq3A_299 = arith.cmpi eq, %and3A_298, %eq3A : i32
      %mul3A_300 = arith.constant 16 : i32
      %mul3A_301 = arith.muli %or3A_294, %mul3A_300 : i32
      %get3A_302 = arith.index_cast %mul3A_301 : i32 to index
      %get3A_303 = tpu.vector_load %arg4[%get3A_302] {strides = array<i32>} : memref<1024xf32, #tpu.memory_space<vmem>>, vector<16xf32>,
      %mul3A_304 = arith.constant 16 : i32
      %mul3A_305 = arith.muli %add3A_296, %mul3A_304 : i32
      %get3A_306 = arith.index_cast %mul3A_305 : i32 to index
      %get3A_307 = tpu.vector_load %arg4[%get3A_306] {strides = array<i32>} : memref<1024xf32, #tpu.memory_space<vmem>>, vector<16xf32>,
      %min3A_308 = arith.minimumf %get3A_303, %get3A_307 : vector<16xf32>
      %max3A_309 = arith.maximumf %get3A_303, %get3A_307 : vector<16xf32>
      %select_n3A_310 = arith.select %eq3A_299, %min3A_308, %max3A_309 : vector<16xf32>
      %mul3A_311 = arith.constant 16 : i32
      %mul3A_312 = arith.muli %or3A_294, %mul3A_311 : i32
      %swap3A_313 = arith.index_cast %mul3A_312 : i32 to index
      %swap3A_314 = tpu.vector_load %arg4[%swap3A_313] {strides = array<i32>} : memref<1024xf32, #tpu.memory_space<vmem>>, vector<16xf32>,
      tpu.vector_store %arg4[%swap3A_313], %select_n3A_310 {strides = array<i32>} : memref<1024xf32, #tpu.memory_space<vmem>>, vector<16xf32>,
      %select_n3A_315 = arith.select %eq3A_299, %max3A_309, %min3A_308 : vector<16xf32>
      %mul3A_316 = arith.constant 16 : i32
      %mul3A_317 = arith.muli %add3A_296, %mul3A_316 : i32
      %swap3A_318 = arith.index_cast %mul3A_317 : i32 to index
      %swap3A_319 = tpu.vector_load %arg4[%swap3A_318] {strides = array<i32>} : memref<1024xf32, #tpu.memory_space<vmem>>, vector<16xf32>,
      tpu.vector_store %arg4[%swap3A_318], %select_n3A_315 {strides = array<i32>} : memref<1024xf32, #tpu.memory_space<vmem>>, vector<16xf32>,
    }
    %scan3A_172 = arith.constant 32 : i32
    %scan3A_173 = arith.constant 0 : i32
    %scan3A_174 = arith.constant 0 : i32
    %scan3A_175 = arith.constant 32 : i32
    %scan3A_176 = arith.addi %scan3A_174, %scan3A_175 : i32
    %scan3A_177 = arith.constant 1 : i32
    scf.for %scan3A_288 = %scan3A_174 to %scan3A_176 step %scan3A_177  : i32 {
      %shift_right_arithmetic3A_289 = arith.constant 0 : i32
      %shift_right_arithmetic3A_290 = arith.shrsi %scan3A_288, %shift_right_arithmetic3A_289 : i32
      %shift_left3A_291 = arith.constant 1 : i32
      %shift_left3A_292 = arith.shli %shift_right_arithmetic3A_290, %shift_left3A_291 : i32
      %and3A = arith.constant 0 : i32
      %and3A_293 = arith.andi %scan3A_288, %and3A : i32
      %or3A_294 = arith.ori %shift_left3A_292, %and3A_293 : i32
      %add3A_295 = arith.constant 1 : i32
      %add3A_296 = arith.addi %or3A_294, %add3A_295 : i32
      %and3A_297 = arith.constant 64 : i32
      %and3A_298 = arith.andi %or3A_294, %and3A_297 : i32
      %eq3A = arith.constant 0 : i32
      %eq3A_299 = arith.cmpi eq, %and3A_298, %eq3A : i32
      %mul3A_300 = arith.constant 16 : i32
      %mul3A_301 = arith.muli %or3A_294, %mul3A_300 : i32
      %get3A_302 = arith.index_cast %mul3A_301 : i32 to index
      %get3A_303 = tpu.vector_load %arg4[%get3A_302] {strides = array<i32>} : memref<1024xf32, #tpu.memory_space<vmem>>, vector<16xf32>,
      %mul3A_304 = arith.constant 16 : i32
      %mul3A_305 = arith.muli %add3A_296, %mul3A_304 : i32
      %get3A_306 = arith.index_cast %mul3A_305 : i32 to index
      %get3A_307 = tpu.vector_load %arg4[%get3A_306] {strides = array<i32>} : memref<1024xf32, #tpu.memory_space<vmem>>, vector<16xf32>,
      %min3A_308 = arith.minimumf %get3A_303, %get3A_307 : vector<16xf32>
      %max3A_309 = arith.maximumf %get3A_303, %get3A_307 : vector<16xf32>
      %select_n3A_310 = arith.select %eq3A_299, %min3A_308, %max3A_309 : vector<16xf32>
      %mul3A_311 = arith.constant 16 : i32
      %mul3A_312 = arith.muli %or3A_294, %mul3A_311 : i32
      %swap3A_313 = arith.index_cast %mul3A_312 : i32 to index
      %swap3A_314 = tpu.vector_load %arg4[%swap3A_313] {strides = array<i32>} : memref<1024xf32, #tpu.memory_space<vmem>>, vector<16xf32>,
      tpu.vector_store %arg4[%swap3A_313], %select_n3A_310 {strides = array<i32>} : memref<1024xf32, #tpu.memory_space<vmem>>, vector<16xf32>,
      %select_n3A_315 = arith.select %eq3A_299, %max3A_309, %min3A_308 : vector<16xf32>
      %mul3A_316 = arith.constant 16 : i32
      %mul3A_317 = arith.muli %add3A_296, %mul3A_316 : i32
      %swap3A_318 = arith.index_cast %mul3A_317 : i32 to index
      %swap3A_319 = tpu.vector_load %arg4[%swap3A_318] {strides = array<i32>} : memref<1024xf32, #tpu.memory_space<vmem>>, vector<16xf32>,
      tpu.vector_store %arg4[%swap3A_318], %select_n3A_315 {strides = array<i32>} : memref<1024xf32, #tpu.memory_space<vmem>>, vector<16xf32>,
    }
    %scan3A_178 = arith.constant 32 : i32
    %scan3A_179 = arith.constant 0 : i32
    %scan3A_180 = arith.constant 0 : i32
    %scan3A_181 = arith.constant 64 : i32
    %scan3A_182 = arith.addi %scan3A_180, %scan3A_181 : i32
    %scan3A_183 = arith.constant 1 : i32
    scf.for %scan3A_288 = %scan3A_180 to %scan3A_182 step %scan3A_183  : i32 {
      %mul3A_289 = arith.constant 16 : i32
      %mul3A_290 = arith.muli %scan3A_288, %mul3A_289 : i32
      %get3A_291 = arith.index_cast %mul3A_290 : i32 to index
      %get3A_292 = tpu.vector_load %arg4[%get3A_291] {strides = array<i32>} : memref<1024xf32, #tpu.memory_space<vmem>>, vector<16xf32>,
      %and3A = arith.constant 64 : i32
      %and3A_293 = arith.andi %scan3A_288, %and3A : i32
      %eq3A = arith.constant 0 : i32
      %eq3A_294 = arith.cmpi eq, %and3A_293, %eq3A : i32
      %select_n3A_295 = arith.select %eq3A_294, %broadcast_in_dim3A_14, %broadcast_in_dim3A_16 : vector<16xf32>
      %mul3A_296 = arith.mulf %get3A_292, %select_n3A_295 : vector<16xf32>
      %masked_sort3A = arith.constant dense<true> : vector<16xi1>
      %masked_sort3A_297, %masked_sort3A_298, %masked_sort3A_299 = tpu.sort %mul3A_296, %mul3A_296 masked %masked_sort3A : (vector<16xf32>, vector<16xf32>, vector<16xi1>) -> (vector<16xi1>, vector<16xf32>, vector<16xf32>)
      %mul3A_300 = arith.mulf %masked_sort3A_298, %select_n3A_295 : vector<16xf32>
      %mul3A_301 = arith.constant 16 : i32
      %mul3A_302 = arith.muli %scan3A_288, %mul3A_301 : i32
      %swap3A_303 = arith.index_cast %mul3A_302 : i32 to index
      %swap3A_304 = tpu.vector_load %arg4[%swap3A_303] {strides = array<i32>} : memref<1024xf32, #tpu.memory_space<vmem>>, vector<16xf32>,
      tpu.vector_store %arg4[%swap3A_303], %mul3A_300 {strides = array<i32>} : memref<1024xf32, #tpu.memory_space<vmem>>, vector<16xf32>,
    }
    %scan3A_184 = arith.constant 64 : i32
    %neg3A = arith.constant 0.000000e+00 : f32
    %neg3A_185 = vector.broadcast %neg3A : f32 to vector<16xf32>
    %neg3A_186 = arith.subf %neg3A_185, %broadcast_in_dim3A_1 : vector<16xf32>
    %scan3A_187 = arith.constant 0 : i32
    %scan3A_188 = arith.constant 36 : i32
    %scan3A_189 = arith.addi %scan3A_187, %scan3A_188 : i32
    %scan3A_190 = arith.constant 1 : i32
    %scan3A_191:2 = scf.for %scan3A_288 = %scan3A_187 to %scan3A_189 step %scan3A_190 iter_args(%scan3A_289 = %broadcast_in_dim3A_1, %scan3A_290 = %neg3A_186) -> (vector<16xf32>, vector<16xf32>)  : i32 {
      %mul3A_291 = arith.constant 16 : i32
      %mul3A_292 = arith.muli %scan3A_288, %mul3A_291 : i32
      %add3A_293 = arith.constant 576 : i32
      %add3A_294 = arith.addi %add3A_293, %mul3A_292 : i32
      %get3A_295 = arith.index_cast %add3A_294 : i32 to index
      %get3A_296 = tpu.vector_load %arg5[%get3A_295] {strides = array<i32>} : memref<1152xf32, #tpu.memory_space<vmem>>, vector<16xf32>,
      %min3A_297 = arith.minimumf %scan3A_289, %get3A_296 : vector<16xf32>
      %max3A_298 = arith.maximumf %scan3A_290, %get3A_296 : vector<16xf32>
      scf.yield %min3A_297, %max3A_298 : vector<16xf32>, vector<16xf32>
    }
    %scan3A_192 = arith.constant 36 : i32
    %reduce_min3A = arith.constant true
    %reduce_min3A_193 = vector.broadcast %reduce_min3A : i1 to vector<16xi1>
    %reduce_min3A_194 = tpu.scan <min>, %scan3A_191#0 masked %reduce_min3A_193 : vector<16xf32>, vector<16xi1> -> vector<16xf32>
    %reduce_min3A_195 = vector.extract %reduce_min3A_194[15] : f32 from vector<16xf32>
    %broadcast_in_dim3A_196 = vector.broadcast %reduce_min3A_195 : f32 to vector<16xf32>
    %reduce_max3A = arith.constant true
    %reduce_max3A_197 = vector.broadcast %reduce_max3A : i1 to vector<16xi1>
    %reduce_max3A_198 = tpu.scan <max>, %scan3A_191#1 masked %reduce_max3A_197 : vector<16xf32>, vector<16xi1> -> vector<16xf32>
    %reduce_max3A_199 = vector.extract %reduce_max3A_198[15] : f32 from vector<16xf32>
    %broadcast_in_dim3A_200 = vector.broadcast %reduce_max3A_199 : f32 to vector<16xf32>
    %get3A = arith.constant 0 : index
    %get3A_201 = tpu.vector_load %arg4[%get3A] {strides = array<i32>} : memref<1024xf32, #tpu.memory_space<vmem>>, vector<16xf32>,
    %reduce_min3A_202 = arith.constant true
    %reduce_min3A_203 = vector.broadcast %reduce_min3A_202 : i1 to vector<16xi1>
    %reduce_min3A_204 = tpu.scan <min>, %get3A_201 masked %reduce_min3A_203 : vector<16xf32>, vector<16xi1> -> vector<16xf32>
    %reduce_min3A_205 = vector.extract %reduce_min3A_204[15] : f32 from vector<16xf32>
    %broadcast_in_dim3A_206 = vector.broadcast %reduce_min3A_205 : f32 to vector<16xf32>
    %get3A_207 = arith.constant 560 : index
    %get3A_208 = tpu.vector_load %arg4[%get3A_207] {strides = array<i32>} : memref<1024xf32, #tpu.memory_space<vmem>>, vector<16xf32>,
    %reduce_max3A_209 = arith.constant true
    %reduce_max3A_210 = vector.broadcast %reduce_max3A_209 : i1 to vector<16xi1>
    %reduce_max3A_211 = tpu.scan <max>, %get3A_208 masked %reduce_max3A_210 : vector<16xf32>, vector<16xi1> -> vector<16xf32>
    %reduce_max3A_212 = vector.extract %reduce_max3A_211[15] : f32 from vector<16xf32>
    %broadcast_in_dim3A_213 = vector.broadcast %reduce_max3A_212 : f32 to vector<16xf32>
    %mul3A_214 = arith.mulf %broadcast_in_dim3A_206, %broadcast_in_dim3A_196 : vector<16xf32>
    %mul3A_215 = arith.mulf %broadcast_in_dim3A_206, %broadcast_in_dim3A_200 : vector<16xf32>
    %mul3A_216 = arith.mulf %broadcast_in_dim3A_213, %broadcast_in_dim3A_196 : vector<16xf32>
    %mul3A_217 = arith.mulf %broadcast_in_dim3A_213, %broadcast_in_dim3A_200 : vector<16xf32>
    %min3A = arith.minimumf %mul3A_214, %mul3A_215 : vector<16xf32>
    %min3A_218 = arith.minimumf %mul3A_216, %mul3A_217 : vector<16xf32>
    %min3A_219 = arith.minimumf %min3A, %min3A_218 : vector<16xf32>
    %max3A = arith.maximumf %mul3A_214, %mul3A_215 : vector<16xf32>
    %max3A_220 = arith.maximumf %mul3A_216, %mul3A_217 : vector<16xf32>
    %max3A_221 = arith.maximumf %max3A, %max3A_220 : vector<16xf32>
    %bitcast3A = vector.bitcast %min3A_219 : vector<16xf32> to vector<16xi32>
    %ge3A = arith.constant 0 : i32
    %ge3A_222 = vector.broadcast %ge3A : i32 to vector<16xi32>
    %ge3A_223 = arith.cmpi sge, %bitcast3A, %ge3A_222 : vector<16xi32>
    %broadcast_in_dim3A_224 = arith.constant -2147483648 : i32
    %broadcast_in_dim3A_225 = vector.broadcast %broadcast_in_dim3A_224 : i32 to vector<16xi32>
    %sub3A = arith.subi %broadcast_in_dim3A_225, %bitcast3A : vector<16xi32>
    %select_n3A = arith.select %ge3A_223, %bitcast3A, %sub3A : vector<16xi1>, vector<16xi32>
    %shift_right_arithmetic3A = arith.constant 9 : i32
    %shift_right_arithmetic3A_226 = vector.broadcast %shift_right_arithmetic3A : i32 to vector<16xi32>
    %shift_right_arithmetic3A_227 = arith.shrsi %select_n3A, %shift_right_arithmetic3A_226 : vector<16xi32>
    %reduce_min3A_228 = arith.constant true
    %reduce_min3A_229 = vector.broadcast %reduce_min3A_228 : i1 to vector<16xi1>
    %reduce_min3A_230 = arith.constant -2147483648 : i32
    %reduce_min3A_231 = vector.broadcast %reduce_min3A_230 : i32 to vector<16xi32>
    %reduce_min3A_232 = arith.xori %shift_right_arithmetic3A_227, %reduce_min3A_231 : vector<16xi32>
    %reduce_min3A_233 = tpu.scan <min>, %reduce_min3A_232 masked %reduce_min3A_229 : vector<16xi32>, vector<16xi1> -> vector<16xi32>
    %reduce_min3A_234 = arith.xori %reduce_min3A_233, %reduce_min3A_231 : vector<16xi32>
    %reduce_min3A_235 = vector.extract %reduce_min3A_234[15] : i32 from vector<16xi32>
    %sub3A_236 = arith.constant 1 : i32
    %sub3A_237 = arith.subi %reduce_min3A_235, %sub3A_236 : i32
    %bitcast3A_238 = vector.bitcast %max3A_221 : vector<16xf32> to vector<16xi32>
    %ge3A_239 = arith.constant 0 : i32
    %ge3A_240 = vector.broadcast %ge3A_239 : i32 to vector<16xi32>
    %ge3A_241 = arith.cmpi sge, %bitcast3A_238, %ge3A_240 : vector<16xi32>
    %broadcast_in_dim3A_242 = arith.constant -2147483648 : i32
    %broadcast_in_dim3A_243 = vector.broadcast %broadcast_in_dim3A_242 : i32 to vector<16xi32>
    %sub3A_244 = arith.subi %broadcast_in_dim3A_243, %bitcast3A_238 : vector<16xi32>
    %select_n3A_245 = arith.select %ge3A_241, %bitcast3A_238, %sub3A_244 : vector<16xi1>, vector<16xi32>
    %shift_right_arithmetic3A_246 = arith.constant 9 : i32
    %shift_right_arithmetic3A_247 = vector.broadcast %shift_right_arithmetic3A_246 : i32 to vector<16xi32>
    %shift_right_arithmetic3A_248 = arith.shrsi %select_n3A_245, %shift_right_arithmetic3A_247 : vector<16xi32>
    %reduce_max3A_249 = arith.constant true
    %reduce_max3A_250 = vector.broadcast %reduce_max3A_249 : i1 to vector<16xi1>
    %reduce_max3A_251 = arith.constant -2147483648 : i32
    %reduce_max3A_252 = vector.broadcast %reduce_max3A_251 : i32 to vector<16xi32>
    %reduce_max3A_253 = arith.xori %shift_right_arithmetic3A_248, %reduce_max3A_252 : vector<16xi32>
    %reduce_max3A_254 = tpu.scan <max>, %reduce_max3A_253 masked %reduce_max3A_250 : vector<16xi32>, vector<16xi1> -> vector<16xi32>
    %reduce_max3A_255 = arith.xori %reduce_max3A_254, %reduce_max3A_252 : vector<16xi32>
    %reduce_max3A_256 = vector.extract %reduce_max3A_255[15] : i32 from vector<16xi32>
    %broadcast_in_dim3A_257 = arith.constant 0 : i32
    %broadcast_in_dim3A_258 = vector.broadcast %broadcast_in_dim3A_257 : i32 to vector<16xi32>
    %broadcast_in_dim3A_259 = arith.constant 576 : i32
    %broadcast_in_dim3A_260 = vector.broadcast %broadcast_in_dim3A_259 : i32 to vector<16xi32>
    %broadcast_in_dim3A_261 = arith.constant -2147483648 : i32
    %broadcast_in_dim3A_262 = vector.broadcast %broadcast_in_dim3A_261 : i32 to vector<16xi32>
    %scan3A_263 = arith.constant 0 : i32
    %scan3A_264 = arith.constant 23 : i32
    %scan3A_265 = arith.addi %scan3A_263, %scan3A_264 : i32
    %scan3A_266 = arith.constant 1 : i32
    %scan3A_267:2 = scf.for %scan3A_288 = %scan3A_263 to %scan3A_265 step %scan3A_266 iter_args(%scan3A_289 = %sub3A_237, %scan3A_290 = %reduce_max3A_256) -> (i32, i32)  : i32 {
      %add3A_291 = arith.addi %scan3A_289, %scan3A_290 : i32
      %shift_right_arithmetic3A_292 = arith.constant 1 : i32
      %shift_right_arithmetic3A_293 = arith.shrsi %add3A_291, %shift_right_arithmetic3A_292 : i32
      %broadcast_in_dim3A_294 = vector.broadcast %shift_right_arithmetic3A_293 : i32 to vector<16xi32>
      %broadcast_in_dim3A_295 = arith.constant 0x7F800000 : f32
      %broadcast_in_dim3A_296 = vector.broadcast %broadcast_in_dim3A_295 : f32 to vector<16xf32>
      %shift_left3A_297 = arith.constant 9 : i32
      %shift_left3A_298 = vector.broadcast %shift_left3A_297 : i32 to vector<16xi32>
      %shift_left3A_299 = arith.shli %broadcast_in_dim3A_294, %shift_left3A_298 : vector<16xi32>
      %or3A_300 = arith.constant 511 : i32
      %or3A_301 = vector.broadcast %or3A_300 : i32 to vector<16xi32>
      %or3A_302 = arith.ori %shift_left3A_299, %or3A_301 : vector<16xi32>
      %ge3A_303 = arith.constant 0 : i32
      %ge3A_304 = vector.broadcast %ge3A_303 : i32 to vector<16xi32>
      %ge3A_305 = arith.cmpi sge, %or3A_302, %ge3A_304 : vector<16xi32>
      %sub3A_306 = arith.subi %broadcast_in_dim3A_262, %or3A_302 : vector<16xi32>
      %select_n3A_307 = arith.select %ge3A_305, %or3A_302, %sub3A_306 : vector<16xi1>, vector<16xi32>
      %bitcast3A_308 = vector.bitcast %select_n3A_307 : vector<16xi32> to vector<16xf32>
      %ge3A_309 = arith.constant 4177920 : i32
      %ge3A_310 = vector.broadcast %ge3A_309 : i32 to vector<16xi32>
      %ge3A_311 = arith.cmpi sge, %broadcast_in_dim3A_294, %ge3A_310 : vector<16xi32>
      %select_n3A_312 = arith.select %ge3A_311, %broadcast_in_dim3A_296, %bitcast3A_308 : vector<16xi1>, vector<16xf32>
      %scan3A_313 = arith.constant 0 : i32
      %scan3A_314 = arith.constant 0 : i32
      %scan3A_315 = arith.constant 9 : i32
      %scan3A_316 = arith.addi %scan3A_314, %scan3A_315 : i32
      %scan3A_317 = arith.constant 1 : i32
      %scan3A_318 = scf.for %scan3A_324 = %scan3A_314 to %scan3A_316 step %scan3A_317 iter_args(%scan3A_325 = %scan3A_313) -> (i32)  : i32 {
        %mul3A_326 = arith.constant 4 : i32
        %mul3A_327 = arith.muli %scan3A_324, %mul3A_326 : i32
        %add3A_328 = arith.constant 0 : i32
        %add3A_329 = arith.addi %mul3A_327, %add3A_328 : i32
        %mul3A_330 = arith.constant 16 : i32
        %mul3A_331 = arith.muli %add3A_329, %mul3A_330 : i32
        %add3A_332 = arith.constant 576 : i32
        %add3A_333 = arith.addi %add3A_332, %mul3A_331 : i32
        %get3A_334 = arith.index_cast %add3A_333 : i32 to index
        %get3A_335 = tpu.vector_load %arg5[%get3A_334] {strides = array<i32>} : memref<1152xf32, #tpu.memory_space<vmem>>, vector<16xf32>,
        %lt3A = arith.constant 0.000000e+00 : f32
        %lt3A_336 = vector.broadcast %lt3A : f32 to vector<16xf32>
        %lt3A_337 = arith.cmpf olt, %get3A_335, %lt3A_336 : vector<16xf32>
        %add3A_338 = arith.addi %broadcast_in_dim3A_258, %broadcast_in_dim3A_260 : vector<16xi32>
        %shift_right_arithmetic3A_339 = arith.constant 1 : i32
        %shift_right_arithmetic3A_340 = vector.broadcast %shift_right_arithmetic3A_339 : i32 to vector<16xi32>
        %shift_right_arithmetic3A_341 = arith.shrsi %add3A_338, %shift_right_arithmetic3A_340 : vector<16xi32>
        %gather3A = tpu.vector_load_idx %arg4[%shift_right_arithmetic3A_341] : memref<1024xf32, #tpu.memory_space<vmem>>[vector<16xi32>], vector<16xf32>,
        %mul3A_342 = arith.mulf %gather3A, %get3A_335 : vector<16xf32>
        %le3A = arith.cmpf ole, %mul3A_342, %select_n3A_312 : vector<16xf32>
        %ne3A = arith.xori %le3A, %lt3A_337 : vector<16xi1>
        %add3A_343 = arith.constant 1 : i32
        %add3A_344 = vector.broadcast %add3A_343 : i32 to vector<16xi32>
        %add3A_345 = arith.addi %shift_right_arithmetic3A_341, %add3A_344 : vector<16xi32>
        %select_n3A_346 = arith.select %ne3A, %add3A_345, %broadcast_in_dim3A_258 : vector<16xi1>, vector<16xi32>
        %select_n3A_347 = arith.select %ne3A, %broadcast_in_dim3A_260, %shift_right_arithmetic3A_341 : vector<16xi1>, vector<16xi32>
        %add3A_348 = arith.addi %select_n3A_346, %select_n3A_347 : vector<16xi32>
        %shift_right_arithmetic3A_349 = arith.constant 1 : i32
        %shift_right_arithmetic3A_350 = vector.broadcast %shift_right_arithmetic3A_349 : i32 to vector<16xi32>
        %shift_right_arithmetic3A_351 = arith.shrsi %add3A_348, %shift_right_arithmetic3A_350 : vector<16xi32>
        %gather3A_352 = tpu.vector_load_idx %arg4[%shift_right_arithmetic3A_351] : memref<1024xf32, #tpu.memory_space<vmem>>[vector<16xi32>], vector<16xf32>,
        %mul3A_353 = arith.mulf %gather3A_352, %get3A_335 : vector<16xf32>
        %le3A_354 = arith.cmpf ole, %mul3A_353, %select_n3A_312 : vector<16xf32>
        %ne3A_355 = arith.xori %le3A_354, %lt3A_337 : vector<16xi1>
        %add3A_356 = arith.constant 1 : i32
        %add3A_357 = vector.broadcast %add3A_356 : i32 to vector<16xi32>
        %add3A_358 = arith.addi %shift_right_arithmetic3A_351, %add3A_357 : vector<16xi32>
        %select_n3A_359 = arith.select %ne3A_355, %add3A_358, %select_n3A_346 : vector<16xi1>, vector<16xi32>
        %select_n3A_360 = arith.select %ne3A_355, %select_n3A_347, %shift_right_arithmetic3A_351 : vector<16xi1>, vector<16xi32>
        %add3A_361 = arith.addi %select_n3A_359, %select_n3A_360 : vector<16xi32>
        %shift_right_arithmetic3A_362 = arith.constant 1 : i32
        %shift_right_arithmetic3A_363 = vector.broadcast %shift_right_arithmetic3A_362 : i32 to vector<16xi32>
        %shift_right_arithmetic3A_364 = arith.shrsi %add3A_361, %shift_right_arithmetic3A_363 : vector<16xi32>
        %gather3A_365 = tpu.vector_load_idx %arg4[%shift_right_arithmetic3A_364] : memref<1024xf32, #tpu.memory_space<vmem>>[vector<16xi32>], vector<16xf32>,
        %mul3A_366 = arith.mulf %gather3A_365, %get3A_335 : vector<16xf32>
        %le3A_367 = arith.cmpf ole, %mul3A_366, %select_n3A_312 : vector<16xf32>
        %ne3A_368 = arith.xori %le3A_367, %lt3A_337 : vector<16xi1>
        %add3A_369 = arith.constant 1 : i32
        %add3A_370 = vector.broadcast %add3A_369 : i32 to vector<16xi32>
        %add3A_371 = arith.addi %shift_right_arithmetic3A_364, %add3A_370 : vector<16xi32>
        %select_n3A_372 = arith.select %ne3A_368, %add3A_371, %select_n3A_359 : vector<16xi1>, vector<16xi32>
        %select_n3A_373 = arith.select %ne3A_368, %select_n3A_360, %shift_right_arithmetic3A_364 : vector<16xi1>, vector<16xi32>
        %add3A_374 = arith.addi %select_n3A_372, %select_n3A_373 : vector<16xi32>
        %shift_right_arithmetic3A_375 = arith.constant 1 : i32
        %shift_right_arithmetic3A_376 = vector.broadcast %shift_right_arithmetic3A_375 : i32 to vector<16xi32>
        %shift_right_arithmetic3A_377 = arith.shrsi %add3A_374, %shift_right_arithmetic3A_376 : vector<16xi32>
        %gather3A_378 = tpu.vector_load_idx %arg4[%shift_right_arithmetic3A_377] : memref<1024xf32, #tpu.memory_space<vmem>>[vector<16xi32>], vector<16xf32>,
        %mul3A_379 = arith.mulf %gather3A_378, %get3A_335 : vector<16xf32>
        %le3A_380 = arith.cmpf ole, %mul3A_379, %select_n3A_312 : vector<16xf32>
        %ne3A_381 = arith.xori %le3A_380, %lt3A_337 : vector<16xi1>
        %add3A_382 = arith.constant 1 : i32
        %add3A_383 = vector.broadcast %add3A_382 : i32 to vector<16xi32>
        %add3A_384 = arith.addi %shift_right_arithmetic3A_377, %add3A_383 : vector<16xi32>
        %select_n3A_385 = arith.select %ne3A_381, %add3A_384, %select_n3A_372 : vector<16xi1>, vector<16xi32>
        %select_n3A_386 = arith.select %ne3A_381, %select_n3A_373, %shift_right_arithmetic3A_377 : vector<16xi1>, vector<16xi32>
        %add3A_387 = arith.addi %select_n3A_385, %select_n3A_386 : vector<16xi32>
        %shift_right_arithmetic3A_388 = arith.constant 1 : i32
        %shift_right_arithmetic3A_389 = vector.broadcast %shift_right_arithmetic3A_388 : i32 to vector<16xi32>
        %shift_right_arithmetic3A_390 = arith.shrsi %add3A_387, %shift_right_arithmetic3A_389 : vector<16xi32>
        %gather3A_391 = tpu.vector_load_idx %arg4[%shift_right_arithmetic3A_390] : memref<1024xf32, #tpu.memory_space<vmem>>[vector<16xi32>], vector<16xf32>,
        %mul3A_392 = arith.mulf %gather3A_391, %get3A_335 : vector<16xf32>
        %le3A_393 = arith.cmpf ole, %mul3A_392, %select_n3A_312 : vector<16xf32>
        %ne3A_394 = arith.xori %le3A_393, %lt3A_337 : vector<16xi1>
        %add3A_395 = arith.constant 1 : i32
        %add3A_396 = vector.broadcast %add3A_395 : i32 to vector<16xi32>
        %add3A_397 = arith.addi %shift_right_arithmetic3A_390, %add3A_396 : vector<16xi32>
        %select_n3A_398 = arith.select %ne3A_394, %add3A_397, %select_n3A_385 : vector<16xi1>, vector<16xi32>
        %select_n3A_399 = arith.select %ne3A_394, %select_n3A_386, %shift_right_arithmetic3A_390 : vector<16xi1>, vector<16xi32>
        %add3A_400 = arith.addi %select_n3A_398, %select_n3A_399 : vector<16xi32>
        %shift_right_arithmetic3A_401 = arith.constant 1 : i32
        %shift_right_arithmetic3A_402 = vector.broadcast %shift_right_arithmetic3A_401 : i32 to vector<16xi32>
        %shift_right_arithmetic3A_403 = arith.shrsi %add3A_400, %shift_right_arithmetic3A_402 : vector<16xi32>
        %gather3A_404 = tpu.vector_load_idx %arg4[%shift_right_arithmetic3A_403] : memref<1024xf32, #tpu.memory_space<vmem>>[vector<16xi32>], vector<16xf32>,
        %mul3A_405 = arith.mulf %gather3A_404, %get3A_335 : vector<16xf32>
        %le3A_406 = arith.cmpf ole, %mul3A_405, %select_n3A_312 : vector<16xf32>
        %ne3A_407 = arith.xori %le3A_406, %lt3A_337 : vector<16xi1>
        %add3A_408 = arith.constant 1 : i32
        %add3A_409 = vector.broadcast %add3A_408 : i32 to vector<16xi32>
        %add3A_410 = arith.addi %shift_right_arithmetic3A_403, %add3A_409 : vector<16xi32>
        %select_n3A_411 = arith.select %ne3A_407, %add3A_410, %select_n3A_398 : vector<16xi1>, vector<16xi32>
        %select_n3A_412 = arith.select %ne3A_407, %select_n3A_399, %shift_right_arithmetic3A_403 : vector<16xi1>, vector<16xi32>
        %add3A_413 = arith.addi %select_n3A_411, %select_n3A_412 : vector<16xi32>
        %shift_right_arithmetic3A_414 = arith.constant 1 : i32
        %shift_right_arithmetic3A_415 = vector.broadcast %shift_right_arithmetic3A_414 : i32 to vector<16xi32>
        %shift_right_arithmetic3A_416 = arith.shrsi %add3A_413, %shift_right_arithmetic3A_415 : vector<16xi32>
        %gather3A_417 = tpu.vector_load_idx %arg4[%shift_right_arithmetic3A_416] : memref<1024xf32, #tpu.memory_space<vmem>>[vector<16xi32>], vector<16xf32>,
        %mul3A_418 = arith.mulf %gather3A_417, %get3A_335 : vector<16xf32>
        %le3A_419 = arith.cmpf ole, %mul3A_418, %select_n3A_312 : vector<16xf32>
        %ne3A_420 = arith.xori %le3A_419, %lt3A_337 : vector<16xi1>
        %add3A_421 = arith.constant 1 : i32
        %add3A_422 = vector.broadcast %add3A_421 : i32 to vector<16xi32>
        %add3A_423 = arith.addi %shift_right_arithmetic3A_416, %add3A_422 : vector<16xi32>
        %select_n3A_424 = arith.select %ne3A_420, %add3A_423, %select_n3A_411 : vector<16xi1>, vector<16xi32>
        %select_n3A_425 = arith.select %ne3A_420, %select_n3A_412, %shift_right_arithmetic3A_416 : vector<16xi1>, vector<16xi32>
        %add3A_426 = arith.addi %select_n3A_424, %select_n3A_425 : vector<16xi32>
        %shift_right_arithmetic3A_427 = arith.constant 1 : i32
        %shift_right_arithmetic3A_428 = vector.broadcast %shift_right_arithmetic3A_427 : i32 to vector<16xi32>
        %shift_right_arithmetic3A_429 = arith.shrsi %add3A_426, %shift_right_arithmetic3A_428 : vector<16xi32>
        %gather3A_430 = tpu.vector_load_idx %arg4[%shift_right_arithmetic3A_429] : memref<1024xf32, #tpu.memory_space<vmem>>[vector<16xi32>], vector<16xf32>,
        %mul3A_431 = arith.mulf %gather3A_430, %get3A_335 : vector<16xf32>
        %le3A_432 = arith.cmpf ole, %mul3A_431, %select_n3A_312 : vector<16xf32>
        %ne3A_433 = arith.xori %le3A_432, %lt3A_337 : vector<16xi1>
        %add3A_434 = arith.constant 1 : i32
        %add3A_435 = vector.broadcast %add3A_434 : i32 to vector<16xi32>
        %add3A_436 = arith.addi %shift_right_arithmetic3A_429, %add3A_435 : vector<16xi32>
        %select_n3A_437 = arith.select %ne3A_433, %add3A_436, %select_n3A_424 : vector<16xi1>, vector<16xi32>
        %select_n3A_438 = arith.select %ne3A_433, %select_n3A_425, %shift_right_arithmetic3A_429 : vector<16xi1>, vector<16xi32>
        %add3A_439 = arith.addi %select_n3A_437, %select_n3A_438 : vector<16xi32>
        %shift_right_arithmetic3A_440 = arith.constant 1 : i32
        %shift_right_arithmetic3A_441 = vector.broadcast %shift_right_arithmetic3A_440 : i32 to vector<16xi32>
        %shift_right_arithmetic3A_442 = arith.shrsi %add3A_439, %shift_right_arithmetic3A_441 : vector<16xi32>
        %gather3A_443 = tpu.vector_load_idx %arg4[%shift_right_arithmetic3A_442] : memref<1024xf32, #tpu.memory_space<vmem>>[vector<16xi32>], vector<16xf32>,
        %mul3A_444 = arith.mulf %gather3A_443, %get3A_335 : vector<16xf32>
        %le3A_445 = arith.cmpf ole, %mul3A_444, %select_n3A_312 : vector<16xf32>
        %ne3A_446 = arith.xori %le3A_445, %lt3A_337 : vector<16xi1>
        %add3A_447 = arith.constant 1 : i32
        %add3A_448 = vector.broadcast %add3A_447 : i32 to vector<16xi32>
        %add3A_449 = arith.addi %shift_right_arithmetic3A_442, %add3A_448 : vector<16xi32>
        %select_n3A_450 = arith.select %ne3A_446, %add3A_449, %select_n3A_437 : vector<16xi1>, vector<16xi32>
        %select_n3A_451 = arith.select %ne3A_446, %select_n3A_438, %shift_right_arithmetic3A_442 : vector<16xi1>, vector<16xi32>
        %add3A_452 = arith.addi %select_n3A_450, %select_n3A_451 : vector<16xi32>
        %shift_right_arithmetic3A_453 = arith.constant 1 : i32
        %shift_right_arithmetic3A_454 = vector.broadcast %shift_right_arithmetic3A_453 : i32 to vector<16xi32>
        %shift_right_arithmetic3A_455 = arith.shrsi %add3A_452, %shift_right_arithmetic3A_454 : vector<16xi32>
        %gather3A_456 = tpu.vector_load_idx %arg4[%shift_right_arithmetic3A_455] : memref<1024xf32, #tpu.memory_space<vmem>>[vector<16xi32>], vector<16xf32>,
        %mul3A_457 = arith.mulf %gather3A_456, %get3A_335 : vector<16xf32>
        %le3A_458 = arith.cmpf ole, %mul3A_457, %select_n3A_312 : vector<16xf32>
        %ne3A_459 = arith.xori %le3A_458, %lt3A_337 : vector<16xi1>
        %add3A_460 = arith.constant 1 : i32
        %add3A_461 = vector.broadcast %add3A_460 : i32 to vector<16xi32>
        %add3A_462 = arith.addi %shift_right_arithmetic3A_455, %add3A_461 : vector<16xi32>
        %select_n3A_463 = arith.select %ne3A_459, %add3A_462, %select_n3A_450 : vector<16xi1>, vector<16xi32>
        %select_n3A_464 = arith.select %ne3A_459, %select_n3A_451, %shift_right_arithmetic3A_455 : vector<16xi1>, vector<16xi32>
        %sub3A_465 = arith.subi %broadcast_in_dim3A_260, %select_n3A_463 : vector<16xi32>
        %select_n3A_466 = arith.select %lt3A_337, %sub3A_465, %select_n3A_463 : vector<16xi1>, vector<16xi32>
        %add3A_467 = arith.addi %broadcast_in_dim3A_258, %select_n3A_466 : vector<16xi32>
        %mul3A_468 = arith.constant 4 : i32
        %mul3A_469 = arith.muli %scan3A_324, %mul3A_468 : i32
        %add3A_470 = arith.constant 1 : i32
        %add3A_471 = arith.addi %mul3A_469, %add3A_470 : i32
        %mul3A_472 = arith.constant 16 : i32
        %mul3A_473 = arith.muli %add3A_471, %mul3A_472 : i32
        %add3A_474 = arith.constant 576 : i32
        %add3A_475 = arith.addi %add3A_474, %mul3A_473 : i32
        %get3A_476 = arith.index_cast %add3A_475 : i32 to index
        %get3A_477 = tpu.vector_load %arg5[%get3A_476] {strides = array<i32>} : memref<1152xf32, #tpu.memory_space<vmem>>, vector<16xf32>,
        %lt3A_478 = arith.constant 0.000000e+00 : f32
        %lt3A_479 = vector.broadcast %lt3A_478 : f32 to vector<16xf32>
        %lt3A_480 = arith.cmpf olt, %get3A_477, %lt3A_479 : vector<16xf32>
        %add3A_481 = arith.addi %broadcast_in_dim3A_258, %broadcast_in_dim3A_260 : vector<16xi32>
        %shift_right_arithmetic3A_482 = arith.constant 1 : i32
        %shift_right_arithmetic3A_483 = vector.broadcast %shift_right_arithmetic3A_482 : i32 to vector<16xi32>
        %shift_right_arithmetic3A_484 = arith.shrsi %add3A_481, %shift_right_arithmetic3A_483 : vector<16xi32>
        %gather3A_485 = tpu.vector_load_idx %arg4[%shift_right_arithmetic3A_484] : memref<1024xf32, #tpu.memory_space<vmem>>[vector<16xi32>], vector<16xf32>,
        %mul3A_486 = arith.mulf %gather3A_485, %get3A_477 : vector<16xf32>
        %le3A_487 = arith.cmpf ole, %mul3A_486, %select_n3A_312 : vector<16xf32>
        %ne3A_488 = arith.xori %le3A_487, %lt3A_480 : vector<16xi1>
        %add3A_489 = arith.constant 1 : i32
        %add3A_490 = vector.broadcast %add3A_489 : i32 to vector<16xi32>
        %add3A_491 = arith.addi %shift_right_arithmetic3A_484, %add3A_490 : vector<16xi32>
        %select_n3A_492 = arith.select %ne3A_488, %add3A_491, %broadcast_in_dim3A_258 : vector<16xi1>, vector<16xi32>
        %select_n3A_493 = arith.select %ne3A_488, %broadcast_in_dim3A_260, %shift_right_arithmetic3A_484 : vector<16xi1>, vector<16xi32>
        %add3A_494 = arith.addi %select_n3A_492, %select_n3A_493 : vector<16xi32>
        %shift_right_arithmetic3A_495 = arith.constant 1 : i32
        %shift_right_arithmetic3A_496 = vector.broadcast %shift_right_arithmetic3A_495 : i32 to vector<16xi32>
        %shift_right_arithmetic3A_497 = arith.shrsi %add3A_494, %shift_right_arithmetic3A_496 : vector<16xi32>
        %gather3A_498 = tpu.vector_load_idx %arg4[%shift_right_arithmetic3A_497] : memref<1024xf32, #tpu.memory_space<vmem>>[vector<16xi32>], vector<16xf32>,
        %mul3A_499 = arith.mulf %gather3A_498, %get3A_477 : vector<16xf32>
        %le3A_500 = arith.cmpf ole, %mul3A_499, %select_n3A_312 : vector<16xf32>
        %ne3A_501 = arith.xori %le3A_500, %lt3A_480 : vector<16xi1>
        %add3A_502 = arith.constant 1 : i32
        %add3A_503 = vector.broadcast %add3A_502 : i32 to vector<16xi32>
        %add3A_504 = arith.addi %shift_right_arithmetic3A_497, %add3A_503 : vector<16xi32>
        %select_n3A_505 = arith.select %ne3A_501, %add3A_504, %select_n3A_492 : vector<16xi1>, vector<16xi32>
        %select_n3A_506 = arith.select %ne3A_501, %select_n3A_493, %shift_right_arithmetic3A_497 : vector<16xi1>, vector<16xi32>
        %add3A_507 = arith.addi %select_n3A_505, %select_n3A_506 : vector<16xi32>
        %shift_right_arithmetic3A_508 = arith.constant 1 : i32
        %shift_right_arithmetic3A_509 = vector.broadcast %shift_right_arithmetic3A_508 : i32 to vector<16xi32>
        %shift_right_arithmetic3A_510 = arith.shrsi %add3A_507, %shift_right_arithmetic3A_509 : vector<16xi32>
        %gather3A_511 = tpu.vector_load_idx %arg4[%shift_right_arithmetic3A_510] : memref<1024xf32, #tpu.memory_space<vmem>>[vector<16xi32>], vector<16xf32>,
        %mul3A_512 = arith.mulf %gather3A_511, %get3A_477 : vector<16xf32>
        %le3A_513 = arith.cmpf ole, %mul3A_512, %select_n3A_312 : vector<16xf32>
        %ne3A_514 = arith.xori %le3A_513, %lt3A_480 : vector<16xi1>
        %add3A_515 = arith.constant 1 : i32
        %add3A_516 = vector.broadcast %add3A_515 : i32 to vector<16xi32>
        %add3A_517 = arith.addi %shift_right_arithmetic3A_510, %add3A_516 : vector<16xi32>
        %select_n3A_518 = arith.select %ne3A_514, %add3A_517, %select_n3A_505 : vector<16xi1>, vector<16xi32>
        %select_n3A_519 = arith.select %ne3A_514, %select_n3A_506, %shift_right_arithmetic3A_510 : vector<16xi1>, vector<16xi32>
        %add3A_520 = arith.addi %select_n3A_518, %select_n3A_519 : vector<16xi32>
        %shift_right_arithmetic3A_521 = arith.constant 1 : i32
        %shift_right_arithmetic3A_522 = vector.broadcast %shift_right_arithmetic3A_521 : i32 to vector<16xi32>
        %shift_right_arithmetic3A_523 = arith.shrsi %add3A_520, %shift_right_arithmetic3A_522 : vector<16xi32>
        %gather3A_524 = tpu.vector_load_idx %arg4[%shift_right_arithmetic3A_523] : memref<1024xf32, #tpu.memory_space<vmem>>[vector<16xi32>], vector<16xf32>,
        %mul3A_525 = arith.mulf %gather3A_524, %get3A_477 : vector<16xf32>
        %le3A_526 = arith.cmpf ole, %mul3A_525, %select_n3A_312 : vector<16xf32>
        %ne3A_527 = arith.xori %le3A_526, %lt3A_480 : vector<16xi1>
        %add3A_528 = arith.constant 1 : i32
        %add3A_529 = vector.broadcast %add3A_528 : i32 to vector<16xi32>
        %add3A_530 = arith.addi %shift_right_arithmetic3A_523, %add3A_529 : vector<16xi32>
        %select_n3A_531 = arith.select %ne3A_527, %add3A_530, %select_n3A_518 : vector<16xi1>, vector<16xi32>
        %select_n3A_532 = arith.select %ne3A_527, %select_n3A_519, %shift_right_arithmetic3A_523 : vector<16xi1>, vector<16xi32>
        %add3A_533 = arith.addi %select_n3A_531, %select_n3A_532 : vector<16xi32>
        %shift_right_arithmetic3A_534 = arith.constant 1 : i32
        %shift_right_arithmetic3A_535 = vector.broadcast %shift_right_arithmetic3A_534 : i32 to vector<16xi32>
        %shift_right_arithmetic3A_536 = arith.shrsi %add3A_533, %shift_right_arithmetic3A_535 : vector<16xi32>
        %gather3A_537 = tpu.vector_load_idx %arg4[%shift_right_arithmetic3A_536] : memref<1024xf32, #tpu.memory_space<vmem>>[vector<16xi32>], vector<16xf32>,
        %mul3A_538 = arith.mulf %gather3A_537, %get3A_477 : vector<16xf32>
        %le3A_539 = arith.cmpf ole, %mul3A_538, %select_n3A_312 : vector<16xf32>
        %ne3A_540 = arith.xori %le3A_539, %lt3A_480 : vector<16xi1>
        %add3A_541 = arith.constant 1 : i32
        %add3A_542 = vector.broadcast %add3A_541 : i32 to vector<16xi32>
        %add3A_543 = arith.addi %shift_right_arithmetic3A_536, %add3A_542 : vector<16xi32>
        %select_n3A_544 = arith.select %ne3A_540, %add3A_543, %select_n3A_531 : vector<16xi1>, vector<16xi32>
        %select_n3A_545 = arith.select %ne3A_540, %select_n3A_532, %shift_right_arithmetic3A_536 : vector<16xi1>, vector<16xi32>
        %add3A_546 = arith.addi %select_n3A_544, %select_n3A_545 : vector<16xi32>
        %shift_right_arithmetic3A_547 = arith.constant 1 : i32
        %shift_right_arithmetic3A_548 = vector.broadcast %shift_right_arithmetic3A_547 : i32 to vector<16xi32>
        %shift_right_arithmetic3A_549 = arith.shrsi %add3A_546, %shift_right_arithmetic3A_548 : vector<16xi32>
        %gather3A_550 = tpu.vector_load_idx %arg4[%shift_right_arithmetic3A_549] : memref<1024xf32, #tpu.memory_space<vmem>>[vector<16xi32>], vector<16xf32>,
        %mul3A_551 = arith.mulf %gather3A_550, %get3A_477 : vector<16xf32>
        %le3A_552 = arith.cmpf ole, %mul3A_551, %select_n3A_312 : vector<16xf32>
        %ne3A_553 = arith.xori %le3A_552, %lt3A_480 : vector<16xi1>
        %add3A_554 = arith.constant 1 : i32
        %add3A_555 = vector.broadcast %add3A_554 : i32 to vector<16xi32>
        %add3A_556 = arith.addi %shift_right_arithmetic3A_549, %add3A_555 : vector<16xi32>
        %select_n3A_557 = arith.select %ne3A_553, %add3A_556, %select_n3A_544 : vector<16xi1>, vector<16xi32>
        %select_n3A_558 = arith.select %ne3A_553, %select_n3A_545, %shift_right_arithmetic3A_549 : vector<16xi1>, vector<16xi32>
        %add3A_559 = arith.addi %select_n3A_557, %select_n3A_558 : vector<16xi32>
        %shift_right_arithmetic3A_560 = arith.constant 1 : i32
        %shift_right_arithmetic3A_561 = vector.broadcast %shift_right_arithmetic3A_560 : i32 to vector<16xi32>
        %shift_right_arithmetic3A_562 = arith.shrsi %add3A_559, %shift_right_arithmetic3A_561 : vector<16xi32>
        %gather3A_563 = tpu.vector_load_idx %arg4[%shift_right_arithmetic3A_562] : memref<1024xf32, #tpu.memory_space<vmem>>[vector<16xi32>], vector<16xf32>,
        %mul3A_564 = arith.mulf %gather3A_563, %get3A_477 : vector<16xf32>
        %le3A_565 = arith.cmpf ole, %mul3A_564, %select_n3A_312 : vector<16xf32>
        %ne3A_566 = arith.xori %le3A_565, %lt3A_480 : vector<16xi1>
        %add3A_567 = arith.constant 1 : i32
        %add3A_568 = vector.broadcast %add3A_567 : i32 to vector<16xi32>
        %add3A_569 = arith.addi %shift_right_arithmetic3A_562, %add3A_568 : vector<16xi32>
        %select_n3A_570 = arith.select %ne3A_566, %add3A_569, %select_n3A_557 : vector<16xi1>, vector<16xi32>
        %select_n3A_571 = arith.select %ne3A_566, %select_n3A_558, %shift_right_arithmetic3A_562 : vector<16xi1>, vector<16xi32>
        %add3A_572 = arith.addi %select_n3A_570, %select_n3A_571 : vector<16xi32>
        %shift_right_arithmetic3A_573 = arith.constant 1 : i32
        %shift_right_arithmetic3A_574 = vector.broadcast %shift_right_arithmetic3A_573 : i32 to vector<16xi32>
        %shift_right_arithmetic3A_575 = arith.shrsi %add3A_572, %shift_right_arithmetic3A_574 : vector<16xi32>
        %gather3A_576 = tpu.vector_load_idx %arg4[%shift_right_arithmetic3A_575] : memref<1024xf32, #tpu.memory_space<vmem>>[vector<16xi32>], vector<16xf32>,
        %mul3A_577 = arith.mulf %gather3A_576, %get3A_477 : vector<16xf32>
        %le3A_578 = arith.cmpf ole, %mul3A_577, %select_n3A_312 : vector<16xf32>
        %ne3A_579 = arith.xori %le3A_578, %lt3A_480 : vector<16xi1>
        %add3A_580 = arith.constant 1 : i32
        %add3A_581 = vector.broadcast %add3A_580 : i32 to vector<16xi32>
        %add3A_582 = arith.addi %shift_right_arithmetic3A_575, %add3A_581 : vector<16xi32>
        %select_n3A_583 = arith.select %ne3A_579, %add3A_582, %select_n3A_570 : vector<16xi1>, vector<16xi32>
        %select_n3A_584 = arith.select %ne3A_579, %select_n3A_571, %shift_right_arithmetic3A_575 : vector<16xi1>, vector<16xi32>
        %add3A_585 = arith.addi %select_n3A_583, %select_n3A_584 : vector<16xi32>
        %shift_right_arithmetic3A_586 = arith.constant 1 : i32
        %shift_right_arithmetic3A_587 = vector.broadcast %shift_right_arithmetic3A_586 : i32 to vector<16xi32>
        %shift_right_arithmetic3A_588 = arith.shrsi %add3A_585, %shift_right_arithmetic3A_587 : vector<16xi32>
        %gather3A_589 = tpu.vector_load_idx %arg4[%shift_right_arithmetic3A_588] : memref<1024xf32, #tpu.memory_space<vmem>>[vector<16xi32>], vector<16xf32>,
        %mul3A_590 = arith.mulf %gather3A_589, %get3A_477 : vector<16xf32>
        %le3A_591 = arith.cmpf ole, %mul3A_590, %select_n3A_312 : vector<16xf32>
        %ne3A_592 = arith.xori %le3A_591, %lt3A_480 : vector<16xi1>
        %add3A_593 = arith.constant 1 : i32
        %add3A_594 = vector.broadcast %add3A_593 : i32 to vector<16xi32>
        %add3A_595 = arith.addi %shift_right_arithmetic3A_588, %add3A_594 : vector<16xi32>
        %select_n3A_596 = arith.select %ne3A_592, %add3A_595, %select_n3A_583 : vector<16xi1>, vector<16xi32>
        %select_n3A_597 = arith.select %ne3A_592, %select_n3A_584, %shift_right_arithmetic3A_588 : vector<16xi1>, vector<16xi32>
        %add3A_598 = arith.addi %select_n3A_596, %select_n3A_597 : vector<16xi32>
        %shift_right_arithmetic3A_599 = arith.constant 1 : i32
        %shift_right_arithmetic3A_600 = vector.broadcast %shift_right_arithmetic3A_599 : i32 to vector<16xi32>
        %shift_right_arithmetic3A_601 = arith.shrsi %add3A_598, %shift_right_arithmetic3A_600 : vector<16xi32>
        %gather3A_602 = tpu.vector_load_idx %arg4[%shift_right_arithmetic3A_601] : memref<1024xf32, #tpu.memory_space<vmem>>[vector<16xi32>], vector<16xf32>,
        %mul3A_603 = arith.mulf %gather3A_602, %get3A_477 : vector<16xf32>
        %le3A_604 = arith.cmpf ole, %mul3A_603, %select_n3A_312 : vector<16xf32>
        %ne3A_605 = arith.xori %le3A_604, %lt3A_480 : vector<16xi1>
        %add3A_606 = arith.constant 1 : i32
        %add3A_607 = vector.broadcast %add3A_606 : i32 to vector<16xi32>
        %add3A_608 = arith.addi %shift_right_arithmetic3A_601, %add3A_607 : vector<16xi32>
        %select_n3A_609 = arith.select %ne3A_605, %add3A_608, %select_n3A_596 : vector<16xi1>, vector<16xi32>
        %select_n3A_610 = arith.select %ne3A_605, %select_n3A_597, %shift_right_arithmetic3A_601 : vector<16xi1>, vector<16xi32>
        %sub3A_611 = arith.subi %broadcast_in_dim3A_260, %select_n3A_609 : vector<16xi32>
        %select_n3A_612 = arith.select %lt3A_480, %sub3A_611, %select_n3A_609 : vector<16xi1>, vector<16xi32>
        %add3A_613 = arith.addi %add3A_467, %select_n3A_612 : vector<16xi32>
        %mul3A_614 = arith.constant 4 : i32
        %mul3A_615 = arith.muli %scan3A_324, %mul3A_614 : i32
        %add3A_616 = arith.constant 2 : i32
        %add3A_617 = arith.addi %mul3A_615, %add3A_616 : i32
        %mul3A_618 = arith.constant 16 : i32
        %mul3A_619 = arith.muli %add3A_617, %mul3A_618 : i32
        %add3A_620 = arith.constant 576 : i32
        %add3A_621 = arith.addi %add3A_620, %mul3A_619 : i32
        %get3A_622 = arith.index_cast %add3A_621 : i32 to index
        %get3A_623 = tpu.vector_load %arg5[%get3A_622] {strides = array<i32>} : memref<1152xf32, #tpu.memory_space<vmem>>, vector<16xf32>,
        %lt3A_624 = arith.constant 0.000000e+00 : f32
        %lt3A_625 = vector.broadcast %lt3A_624 : f32 to vector<16xf32>
        %lt3A_626 = arith.cmpf olt, %get3A_623, %lt3A_625 : vector<16xf32>
        %add3A_627 = arith.addi %broadcast_in_dim3A_258, %broadcast_in_dim3A_260 : vector<16xi32>
        %shift_right_arithmetic3A_628 = arith.constant 1 : i32
        %shift_right_arithmetic3A_629 = vector.broadcast %shift_right_arithmetic3A_628 : i32 to vector<16xi32>
        %shift_right_arithmetic3A_630 = arith.shrsi %add3A_627, %shift_right_arithmetic3A_629 : vector<16xi32>
        %gather3A_631 = tpu.vector_load_idx %arg4[%shift_right_arithmetic3A_630] : memref<1024xf32, #tpu.memory_space<vmem>>[vector<16xi32>], vector<16xf32>,
        %mul3A_632 = arith.mulf %gather3A_631, %get3A_623 : vector<16xf32>
        %le3A_633 = arith.cmpf ole, %mul3A_632, %select_n3A_312 : vector<16xf32>
        %ne3A_634 = arith.xori %le3A_633, %lt3A_626 : vector<16xi1>
        %add3A_635 = arith.constant 1 : i32
        %add3A_636 = vector.broadcast %add3A_635 : i32 to vector<16xi32>
        %add3A_637 = arith.addi %shift_right_arithmetic3A_630, %add3A_636 : vector<16xi32>
        %select_n3A_638 = arith.select %ne3A_634, %add3A_637, %broadcast_in_dim3A_258 : vector<16xi1>, vector<16xi32>
        %select_n3A_639 = arith.select %ne3A_634, %broadcast_in_dim3A_260, %shift_right_arithmetic3A_630 : vector<16xi1>, vector<16xi32>
        %add3A_640 = arith.addi %select_n3A_638, %select_n3A_639 : vector<16xi32>
        %shift_right_arithmetic3A_641 = arith.constant 1 : i32
        %shift_right_arithmetic3A_642 = vector.broadcast %shift_right_arithmetic3A_641 : i32 to vector<16xi32>
        %shift_right_arithmetic3A_643 = arith.shrsi %add3A_640, %shift_right_arithmetic3A_642 : vector<16xi32>
        %gather3A_644 = tpu.vector_load_idx %arg4[%shift_right_arithmetic3A_643] : memref<1024xf32, #tpu.memory_space<vmem>>[vector<16xi32>], vector<16xf32>,
        %mul3A_645 = arith.mulf %gather3A_644, %get3A_623 : vector<16xf32>
        %le3A_646 = arith.cmpf ole, %mul3A_645, %select_n3A_312 : vector<16xf32>
        %ne3A_647 = arith.xori %le3A_646, %lt3A_626 : vector<16xi1>
        %add3A_648 = arith.constant 1 : i32
        %add3A_649 = vector.broadcast %add3A_648 : i32 to vector<16xi32>
        %add3A_650 = arith.addi %shift_right_arithmetic3A_643, %add3A_649 : vector<16xi32>
        %select_n3A_651 = arith.select %ne3A_647, %add3A_650, %select_n3A_638 : vector<16xi1>, vector<16xi32>
        %select_n3A_652 = arith.select %ne3A_647, %select_n3A_639, %shift_right_arithmetic3A_643 : vector<16xi1>, vector<16xi32>
        %add3A_653 = arith.addi %select_n3A_651, %select_n3A_652 : vector<16xi32>
        %shift_right_arithmetic3A_654 = arith.constant 1 : i32
        %shift_right_arithmetic3A_655 = vector.broadcast %shift_right_arithmetic3A_654 : i32 to vector<16xi32>
        %shift_right_arithmetic3A_656 = arith.shrsi %add3A_653, %shift_right_arithmetic3A_655 : vector<16xi32>
        %gather3A_657 = tpu.vector_load_idx %arg4[%shift_right_arithmetic3A_656] : memref<1024xf32, #tpu.memory_space<vmem>>[vector<16xi32>], vector<16xf32>,
        %mul3A_658 = arith.mulf %gather3A_657, %get3A_623 : vector<16xf32>
        %le3A_659 = arith.cmpf ole, %mul3A_658, %select_n3A_312 : vector<16xf32>
        %ne3A_660 = arith.xori %le3A_659, %lt3A_626 : vector<16xi1>
        %add3A_661 = arith.constant 1 : i32
        %add3A_662 = vector.broadcast %add3A_661 : i32 to vector<16xi32>
        %add3A_663 = arith.addi %shift_right_arithmetic3A_656, %add3A_662 : vector<16xi32>
        %select_n3A_664 = arith.select %ne3A_660, %add3A_663, %select_n3A_651 : vector<16xi1>, vector<16xi32>
        %select_n3A_665 = arith.select %ne3A_660, %select_n3A_652, %shift_right_arithmetic3A_656 : vector<16xi1>, vector<16xi32>
        %add3A_666 = arith.addi %select_n3A_664, %select_n3A_665 : vector<16xi32>
        %shift_right_arithmetic3A_667 = arith.constant 1 : i32
        %shift_right_arithmetic3A_668 = vector.broadcast %shift_right_arithmetic3A_667 : i32 to vector<16xi32>
        %shift_right_arithmetic3A_669 = arith.shrsi %add3A_666, %shift_right_arithmetic3A_668 : vector<16xi32>
        %gather3A_670 = tpu.vector_load_idx %arg4[%shift_right_arithmetic3A_669] : memref<1024xf32, #tpu.memory_space<vmem>>[vector<16xi32>], vector<16xf32>,
        %mul3A_671 = arith.mulf %gather3A_670, %get3A_623 : vector<16xf32>
        %le3A_672 = arith.cmpf ole, %mul3A_671, %select_n3A_312 : vector<16xf32>
        %ne3A_673 = arith.xori %le3A_672, %lt3A_626 : vector<16xi1>
        %add3A_674 = arith.constant 1 : i32
        %add3A_675 = vector.broadcast %add3A_674 : i32 to vector<16xi32>
        %add3A_676 = arith.addi %shift_right_arithmetic3A_669, %add3A_675 : vector<16xi32>
        %select_n3A_677 = arith.select %ne3A_673, %add3A_676, %select_n3A_664 : vector<16xi1>, vector<16xi32>
        %select_n3A_678 = arith.select %ne3A_673, %select_n3A_665, %shift_right_arithmetic3A_669 : vector<16xi1>, vector<16xi32>
        %add3A_679 = arith.addi %select_n3A_677, %select_n3A_678 : vector<16xi32>
        %shift_right_arithmetic3A_680 = arith.constant 1 : i32
        %shift_right_arithmetic3A_681 = vector.broadcast %shift_right_arithmetic3A_680 : i32 to vector<16xi32>
        %shift_right_arithmetic3A_682 = arith.shrsi %add3A_679, %shift_right_arithmetic3A_681 : vector<16xi32>
        %gather3A_683 = tpu.vector_load_idx %arg4[%shift_right_arithmetic3A_682] : memref<1024xf32, #tpu.memory_space<vmem>>[vector<16xi32>], vector<16xf32>,
        %mul3A_684 = arith.mulf %gather3A_683, %get3A_623 : vector<16xf32>
        %le3A_685 = arith.cmpf ole, %mul3A_684, %select_n3A_312 : vector<16xf32>
        %ne3A_686 = arith.xori %le3A_685, %lt3A_626 : vector<16xi1>
        %add3A_687 = arith.constant 1 : i32
        %add3A_688 = vector.broadcast %add3A_687 : i32 to vector<16xi32>
        %add3A_689 = arith.addi %shift_right_arithmetic3A_682, %add3A_688 : vector<16xi32>
        %select_n3A_690 = arith.select %ne3A_686, %add3A_689, %select_n3A_677 : vector<16xi1>, vector<16xi32>
        %select_n3A_691 = arith.select %ne3A_686, %select_n3A_678, %shift_right_arithmetic3A_682 : vector<16xi1>, vector<16xi32>
        %add3A_692 = arith.addi %select_n3A_690, %select_n3A_691 : vector<16xi32>
        %shift_right_arithmetic3A_693 = arith.constant 1 : i32
        %shift_right_arithmetic3A_694 = vector.broadcast %shift_right_arithmetic3A_693 : i32 to vector<16xi32>
        %shift_right_arithmetic3A_695 = arith.shrsi %add3A_692, %shift_right_arithmetic3A_694 : vector<16xi32>
        %gather3A_696 = tpu.vector_load_idx %arg4[%shift_right_arithmetic3A_695] : memref<1024xf32, #tpu.memory_space<vmem>>[vector<16xi32>], vector<16xf32>,
        %mul3A_697 = arith.mulf %gather3A_696, %get3A_623 : vector<16xf32>
        %le3A_698 = arith.cmpf ole, %mul3A_697, %select_n3A_312 : vector<16xf32>
        %ne3A_699 = arith.xori %le3A_698, %lt3A_626 : vector<16xi1>
        %add3A_700 = arith.constant 1 : i32
        %add3A_701 = vector.broadcast %add3A_700 : i32 to vector<16xi32>
        %add3A_702 = arith.addi %shift_right_arithmetic3A_695, %add3A_701 : vector<16xi32>
        %select_n3A_703 = arith.select %ne3A_699, %add3A_702, %select_n3A_690 : vector<16xi1>, vector<16xi32>
        %select_n3A_704 = arith.select %ne3A_699, %select_n3A_691, %shift_right_arithmetic3A_695 : vector<16xi1>, vector<16xi32>
        %add3A_705 = arith.addi %select_n3A_703, %select_n3A_704 : vector<16xi32>
        %shift_right_arithmetic3A_706 = arith.constant 1 : i32
        %shift_right_arithmetic3A_707 = vector.broadcast %shift_right_arithmetic3A_706 : i32 to vector<16xi32>
        %shift_right_arithmetic3A_708 = arith.shrsi %add3A_705, %shift_right_arithmetic3A_707 : vector<16xi32>
        %gather3A_709 = tpu.vector_load_idx %arg4[%shift_right_arithmetic3A_708] : memref<1024xf32, #tpu.memory_space<vmem>>[vector<16xi32>], vector<16xf32>,
        %mul3A_710 = arith.mulf %gather3A_709, %get3A_623 : vector<16xf32>
        %le3A_711 = arith.cmpf ole, %mul3A_710, %select_n3A_312 : vector<16xf32>
        %ne3A_712 = arith.xori %le3A_711, %lt3A_626 : vector<16xi1>
        %add3A_713 = arith.constant 1 : i32
        %add3A_714 = vector.broadcast %add3A_713 : i32 to vector<16xi32>
        %add3A_715 = arith.addi %shift_right_arithmetic3A_708, %add3A_714 : vector<16xi32>
        %select_n3A_716 = arith.select %ne3A_712, %add3A_715, %select_n3A_703 : vector<16xi1>, vector<16xi32>
        %select_n3A_717 = arith.select %ne3A_712, %select_n3A_704, %shift_right_arithmetic3A_708 : vector<16xi1>, vector<16xi32>
        %add3A_718 = arith.addi %select_n3A_716, %select_n3A_717 : vector<16xi32>
        %shift_right_arithmetic3A_719 = arith.constant 1 : i32
        %shift_right_arithmetic3A_720 = vector.broadcast %shift_right_arithmetic3A_719 : i32 to vector<16xi32>
        %shift_right_arithmetic3A_721 = arith.shrsi %add3A_718, %shift_right_arithmetic3A_720 : vector<16xi32>
        %gather3A_722 = tpu.vector_load_idx %arg4[%shift_right_arithmetic3A_721] : memref<1024xf32, #tpu.memory_space<vmem>>[vector<16xi32>], vector<16xf32>,
        %mul3A_723 = arith.mulf %gather3A_722, %get3A_623 : vector<16xf32>
        %le3A_724 = arith.cmpf ole, %mul3A_723, %select_n3A_312 : vector<16xf32>
        %ne3A_725 = arith.xori %le3A_724, %lt3A_626 : vector<16xi1>
        %add3A_726 = arith.constant 1 : i32
        %add3A_727 = vector.broadcast %add3A_726 : i32 to vector<16xi32>
        %add3A_728 = arith.addi %shift_right_arithmetic3A_721, %add3A_727 : vector<16xi32>
        %select_n3A_729 = arith.select %ne3A_725, %add3A_728, %select_n3A_716 : vector<16xi1>, vector<16xi32>
        %select_n3A_730 = arith.select %ne3A_725, %select_n3A_717, %shift_right_arithmetic3A_721 : vector<16xi1>, vector<16xi32>
        %add3A_731 = arith.addi %select_n3A_729, %select_n3A_730 : vector<16xi32>
        %shift_right_arithmetic3A_732 = arith.constant 1 : i32
        %shift_right_arithmetic3A_733 = vector.broadcast %shift_right_arithmetic3A_732 : i32 to vector<16xi32>
        %shift_right_arithmetic3A_734 = arith.shrsi %add3A_731, %shift_right_arithmetic3A_733 : vector<16xi32>
        %gather3A_735 = tpu.vector_load_idx %arg4[%shift_right_arithmetic3A_734] : memref<1024xf32, #tpu.memory_space<vmem>>[vector<16xi32>], vector<16xf32>,
        %mul3A_736 = arith.mulf %gather3A_735, %get3A_623 : vector<16xf32>
        %le3A_737 = arith.cmpf ole, %mul3A_736, %select_n3A_312 : vector<16xf32>
        %ne3A_738 = arith.xori %le3A_737, %lt3A_626 : vector<16xi1>
        %add3A_739 = arith.constant 1 : i32
        %add3A_740 = vector.broadcast %add3A_739 : i32 to vector<16xi32>
        %add3A_741 = arith.addi %shift_right_arithmetic3A_734, %add3A_740 : vector<16xi32>
        %select_n3A_742 = arith.select %ne3A_738, %add3A_741, %select_n3A_729 : vector<16xi1>, vector<16xi32>
        %select_n3A_743 = arith.select %ne3A_738, %select_n3A_730, %shift_right_arithmetic3A_734 : vector<16xi1>, vector<16xi32>
        %add3A_744 = arith.addi %select_n3A_742, %select_n3A_743 : vector<16xi32>
        %shift_right_arithmetic3A_745 = arith.constant 1 : i32
        %shift_right_arithmetic3A_746 = vector.broadcast %shift_right_arithmetic3A_745 : i32 to vector<16xi32>
        %shift_right_arithmetic3A_747 = arith.shrsi %add3A_744, %shift_right_arithmetic3A_746 : vector<16xi32>
        %gather3A_748 = tpu.vector_load_idx %arg4[%shift_right_arithmetic3A_747] : memref<1024xf32, #tpu.memory_space<vmem>>[vector<16xi32>], vector<16xf32>,
        %mul3A_749 = arith.mulf %gather3A_748, %get3A_623 : vector<16xf32>
        %le3A_750 = arith.cmpf ole, %mul3A_749, %select_n3A_312 : vector<16xf32>
        %ne3A_751 = arith.xori %le3A_750, %lt3A_626 : vector<16xi1>
        %add3A_752 = arith.constant 1 : i32
        %add3A_753 = vector.broadcast %add3A_752 : i32 to vector<16xi32>
        %add3A_754 = arith.addi %shift_right_arithmetic3A_747, %add3A_753 : vector<16xi32>
        %select_n3A_755 = arith.select %ne3A_751, %add3A_754, %select_n3A_742 : vector<16xi1>, vector<16xi32>
        %select_n3A_756 = arith.select %ne3A_751, %select_n3A_743, %shift_right_arithmetic3A_747 : vector<16xi1>, vector<16xi32>
        %sub3A_757 = arith.subi %broadcast_in_dim3A_260, %select_n3A_755 : vector<16xi32>
        %select_n3A_758 = arith.select %lt3A_626, %sub3A_757, %select_n3A_755 : vector<16xi1>, vector<16xi32>
        %add3A_759 = arith.addi %add3A_613, %select_n3A_758 : vector<16xi32>
        %mul3A_760 = arith.constant 4 : i32
        %mul3A_761 = arith.muli %scan3A_324, %mul3A_760 : i32
        %add3A_762 = arith.constant 3 : i32
        %add3A_763 = arith.addi %mul3A_761, %add3A_762 : i32
        %mul3A_764 = arith.constant 16 : i32
        %mul3A_765 = arith.muli %add3A_763, %mul3A_764 : i32
        %add3A_766 = arith.constant 576 : i32
        %add3A_767 = arith.addi %add3A_766, %mul3A_765 : i32
        %get3A_768 = arith.index_cast %add3A_767 : i32 to index
        %get3A_769 = tpu.vector_load %arg5[%get3A_768] {strides = array<i32>} : memref<1152xf32, #tpu.memory_space<vmem>>, vector<16xf32>,
        %lt3A_770 = arith.constant 0.000000e+00 : f32
        %lt3A_771 = vector.broadcast %lt3A_770 : f32 to vector<16xf32>
        %lt3A_772 = arith.cmpf olt, %get3A_769, %lt3A_771 : vector<16xf32>
        %add3A_773 = arith.addi %broadcast_in_dim3A_258, %broadcast_in_dim3A_260 : vector<16xi32>
        %shift_right_arithmetic3A_774 = arith.constant 1 : i32
        %shift_right_arithmetic3A_775 = vector.broadcast %shift_right_arithmetic3A_774 : i32 to vector<16xi32>
        %shift_right_arithmetic3A_776 = arith.shrsi %add3A_773, %shift_right_arithmetic3A_775 : vector<16xi32>
        %gather3A_777 = tpu.vector_load_idx %arg4[%shift_right_arithmetic3A_776] : memref<1024xf32, #tpu.memory_space<vmem>>[vector<16xi32>], vector<16xf32>,
        %mul3A_778 = arith.mulf %gather3A_777, %get3A_769 : vector<16xf32>
        %le3A_779 = arith.cmpf ole, %mul3A_778, %select_n3A_312 : vector<16xf32>
        %ne3A_780 = arith.xori %le3A_779, %lt3A_772 : vector<16xi1>
        %add3A_781 = arith.constant 1 : i32
        %add3A_782 = vector.broadcast %add3A_781 : i32 to vector<16xi32>
        %add3A_783 = arith.addi %shift_right_arithmetic3A_776, %add3A_782 : vector<16xi32>
        %select_n3A_784 = arith.select %ne3A_780, %add3A_783, %broadcast_in_dim3A_258 : vector<16xi1>, vector<16xi32>
        %select_n3A_785 = arith.select %ne3A_780, %broadcast_in_dim3A_260, %shift_right_arithmetic3A_776 : vector<16xi1>, vector<16xi32>
        %add3A_786 = arith.addi %select_n3A_784, %select_n3A_785 : vector<16xi32>
        %shift_right_arithmetic3A_787 = arith.constant 1 : i32
        %shift_right_arithmetic3A_788 = vector.broadcast %shift_right_arithmetic3A_787 : i32 to vector<16xi32>
        %shift_right_arithmetic3A_789 = arith.shrsi %add3A_786, %shift_right_arithmetic3A_788 : vector<16xi32>
        %gather3A_790 = tpu.vector_load_idx %arg4[%shift_right_arithmetic3A_789] : memref<1024xf32, #tpu.memory_space<vmem>>[vector<16xi32>], vector<16xf32>,
        %mul3A_791 = arith.mulf %gather3A_790, %get3A_769 : vector<16xf32>
        %le3A_792 = arith.cmpf ole, %mul3A_791, %select_n3A_312 : vector<16xf32>
        %ne3A_793 = arith.xori %le3A_792, %lt3A_772 : vector<16xi1>
        %add3A_794 = arith.constant 1 : i32
        %add3A_795 = vector.broadcast %add3A_794 : i32 to vector<16xi32>
        %add3A_796 = arith.addi %shift_right_arithmetic3A_789, %add3A_795 : vector<16xi32>
        %select_n3A_797 = arith.select %ne3A_793, %add3A_796, %select_n3A_784 : vector<16xi1>, vector<16xi32>
        %select_n3A_798 = arith.select %ne3A_793, %select_n3A_785, %shift_right_arithmetic3A_789 : vector<16xi1>, vector<16xi32>
        %add3A_799 = arith.addi %select_n3A_797, %select_n3A_798 : vector<16xi32>
        %shift_right_arithmetic3A_800 = arith.constant 1 : i32
        %shift_right_arithmetic3A_801 = vector.broadcast %shift_right_arithmetic3A_800 : i32 to vector<16xi32>
        %shift_right_arithmetic3A_802 = arith.shrsi %add3A_799, %shift_right_arithmetic3A_801 : vector<16xi32>
        %gather3A_803 = tpu.vector_load_idx %arg4[%shift_right_arithmetic3A_802] : memref<1024xf32, #tpu.memory_space<vmem>>[vector<16xi32>], vector<16xf32>,
        %mul3A_804 = arith.mulf %gather3A_803, %get3A_769 : vector<16xf32>
        %le3A_805 = arith.cmpf ole, %mul3A_804, %select_n3A_312 : vector<16xf32>
        %ne3A_806 = arith.xori %le3A_805, %lt3A_772 : vector<16xi1>
        %add3A_807 = arith.constant 1 : i32
        %add3A_808 = vector.broadcast %add3A_807 : i32 to vector<16xi32>
        %add3A_809 = arith.addi %shift_right_arithmetic3A_802, %add3A_808 : vector<16xi32>
        %select_n3A_810 = arith.select %ne3A_806, %add3A_809, %select_n3A_797 : vector<16xi1>, vector<16xi32>
        %select_n3A_811 = arith.select %ne3A_806, %select_n3A_798, %shift_right_arithmetic3A_802 : vector<16xi1>, vector<16xi32>
        %add3A_812 = arith.addi %select_n3A_810, %select_n3A_811 : vector<16xi32>
        %shift_right_arithmetic3A_813 = arith.constant 1 : i32
        %shift_right_arithmetic3A_814 = vector.broadcast %shift_right_arithmetic3A_813 : i32 to vector<16xi32>
        %shift_right_arithmetic3A_815 = arith.shrsi %add3A_812, %shift_right_arithmetic3A_814 : vector<16xi32>
        %gather3A_816 = tpu.vector_load_idx %arg4[%shift_right_arithmetic3A_815] : memref<1024xf32, #tpu.memory_space<vmem>>[vector<16xi32>], vector<16xf32>,
        %mul3A_817 = arith.mulf %gather3A_816, %get3A_769 : vector<16xf32>
        %le3A_818 = arith.cmpf ole, %mul3A_817, %select_n3A_312 : vector<16xf32>
        %ne3A_819 = arith.xori %le3A_818, %lt3A_772 : vector<16xi1>
        %add3A_820 = arith.constant 1 : i32
        %add3A_821 = vector.broadcast %add3A_820 : i32 to vector<16xi32>
        %add3A_822 = arith.addi %shift_right_arithmetic3A_815, %add3A_821 : vector<16xi32>
        %select_n3A_823 = arith.select %ne3A_819, %add3A_822, %select_n3A_810 : vector<16xi1>, vector<16xi32>
        %select_n3A_824 = arith.select %ne3A_819, %select_n3A_811, %shift_right_arithmetic3A_815 : vector<16xi1>, vector<16xi32>
        %add3A_825 = arith.addi %select_n3A_823, %select_n3A_824 : vector<16xi32>
        %shift_right_arithmetic3A_826 = arith.constant 1 : i32
        %shift_right_arithmetic3A_827 = vector.broadcast %shift_right_arithmetic3A_826 : i32 to vector<16xi32>
        %shift_right_arithmetic3A_828 = arith.shrsi %add3A_825, %shift_right_arithmetic3A_827 : vector<16xi32>
        %gather3A_829 = tpu.vector_load_idx %arg4[%shift_right_arithmetic3A_828] : memref<1024xf32, #tpu.memory_space<vmem>>[vector<16xi32>], vector<16xf32>,
        %mul3A_830 = arith.mulf %gather3A_829, %get3A_769 : vector<16xf32>
        %le3A_831 = arith.cmpf ole, %mul3A_830, %select_n3A_312 : vector<16xf32>
        %ne3A_832 = arith.xori %le3A_831, %lt3A_772 : vector<16xi1>
        %add3A_833 = arith.constant 1 : i32
        %add3A_834 = vector.broadcast %add3A_833 : i32 to vector<16xi32>
        %add3A_835 = arith.addi %shift_right_arithmetic3A_828, %add3A_834 : vector<16xi32>
        %select_n3A_836 = arith.select %ne3A_832, %add3A_835, %select_n3A_823 : vector<16xi1>, vector<16xi32>
        %select_n3A_837 = arith.select %ne3A_832, %select_n3A_824, %shift_right_arithmetic3A_828 : vector<16xi1>, vector<16xi32>
        %add3A_838 = arith.addi %select_n3A_836, %select_n3A_837 : vector<16xi32>
        %shift_right_arithmetic3A_839 = arith.constant 1 : i32
        %shift_right_arithmetic3A_840 = vector.broadcast %shift_right_arithmetic3A_839 : i32 to vector<16xi32>
        %shift_right_arithmetic3A_841 = arith.shrsi %add3A_838, %shift_right_arithmetic3A_840 : vector<16xi32>
        %gather3A_842 = tpu.vector_load_idx %arg4[%shift_right_arithmetic3A_841] : memref<1024xf32, #tpu.memory_space<vmem>>[vector<16xi32>], vector<16xf32>,
        %mul3A_843 = arith.mulf %gather3A_842, %get3A_769 : vector<16xf32>
        %le3A_844 = arith.cmpf ole, %mul3A_843, %select_n3A_312 : vector<16xf32>
        %ne3A_845 = arith.xori %le3A_844, %lt3A_772 : vector<16xi1>
        %add3A_846 = arith.constant 1 : i32
        %add3A_847 = vector.broadcast %add3A_846 : i32 to vector<16xi32>
        %add3A_848 = arith.addi %shift_right_arithmetic3A_841, %add3A_847 : vector<16xi32>
        %select_n3A_849 = arith.select %ne3A_845, %add3A_848, %select_n3A_836 : vector<16xi1>, vector<16xi32>
        %select_n3A_850 = arith.select %ne3A_845, %select_n3A_837, %shift_right_arithmetic3A_841 : vector<16xi1>, vector<16xi32>
        %add3A_851 = arith.addi %select_n3A_849, %select_n3A_850 : vector<16xi32>
        %shift_right_arithmetic3A_852 = arith.constant 1 : i32
        %shift_right_arithmetic3A_853 = vector.broadcast %shift_right_arithmetic3A_852 : i32 to vector<16xi32>
        %shift_right_arithmetic3A_854 = arith.shrsi %add3A_851, %shift_right_arithmetic3A_853 : vector<16xi32>
        %gather3A_855 = tpu.vector_load_idx %arg4[%shift_right_arithmetic3A_854] : memref<1024xf32, #tpu.memory_space<vmem>>[vector<16xi32>], vector<16xf32>,
        %mul3A_856 = arith.mulf %gather3A_855, %get3A_769 : vector<16xf32>
        %le3A_857 = arith.cmpf ole, %mul3A_856, %select_n3A_312 : vector<16xf32>
        %ne3A_858 = arith.xori %le3A_857, %lt3A_772 : vector<16xi1>
        %add3A_859 = arith.constant 1 : i32
        %add3A_860 = vector.broadcast %add3A_859 : i32 to vector<16xi32>
        %add3A_861 = arith.addi %shift_right_arithmetic3A_854, %add3A_860 : vector<16xi32>
        %select_n3A_862 = arith.select %ne3A_858, %add3A_861, %select_n3A_849 : vector<16xi1>, vector<16xi32>
        %select_n3A_863 = arith.select %ne3A_858, %select_n3A_850, %shift_right_arithmetic3A_854 : vector<16xi1>, vector<16xi32>
        %add3A_864 = arith.addi %select_n3A_862, %select_n3A_863 : vector<16xi32>
        %shift_right_arithmetic3A_865 = arith.constant 1 : i32
        %shift_right_arithmetic3A_866 = vector.broadcast %shift_right_arithmetic3A_865 : i32 to vector<16xi32>
        %shift_right_arithmetic3A_867 = arith.shrsi %add3A_864, %shift_right_arithmetic3A_866 : vector<16xi32>
        %gather3A_868 = tpu.vector_load_idx %arg4[%shift_right_arithmetic3A_867] : memref<1024xf32, #tpu.memory_space<vmem>>[vector<16xi32>], vector<16xf32>,
        %mul3A_869 = arith.mulf %gather3A_868, %get3A_769 : vector<16xf32>
        %le3A_870 = arith.cmpf ole, %mul3A_869, %select_n3A_312 : vector<16xf32>
        %ne3A_871 = arith.xori %le3A_870, %lt3A_772 : vector<16xi1>
        %add3A_872 = arith.constant 1 : i32
        %add3A_873 = vector.broadcast %add3A_872 : i32 to vector<16xi32>
        %add3A_874 = arith.addi %shift_right_arithmetic3A_867, %add3A_873 : vector<16xi32>
        %select_n3A_875 = arith.select %ne3A_871, %add3A_874, %select_n3A_862 : vector<16xi1>, vector<16xi32>
        %select_n3A_876 = arith.select %ne3A_871, %select_n3A_863, %shift_right_arithmetic3A_867 : vector<16xi1>, vector<16xi32>
        %add3A_877 = arith.addi %select_n3A_875, %select_n3A_876 : vector<16xi32>
        %shift_right_arithmetic3A_878 = arith.constant 1 : i32
        %shift_right_arithmetic3A_879 = vector.broadcast %shift_right_arithmetic3A_878 : i32 to vector<16xi32>
        %shift_right_arithmetic3A_880 = arith.shrsi %add3A_877, %shift_right_arithmetic3A_879 : vector<16xi32>
        %gather3A_881 = tpu.vector_load_idx %arg4[%shift_right_arithmetic3A_880] : memref<1024xf32, #tpu.memory_space<vmem>>[vector<16xi32>], vector<16xf32>,
        %mul3A_882 = arith.mulf %gather3A_881, %get3A_769 : vector<16xf32>
        %le3A_883 = arith.cmpf ole, %mul3A_882, %select_n3A_312 : vector<16xf32>
        %ne3A_884 = arith.xori %le3A_883, %lt3A_772 : vector<16xi1>
        %add3A_885 = arith.constant 1 : i32
        %add3A_886 = vector.broadcast %add3A_885 : i32 to vector<16xi32>
        %add3A_887 = arith.addi %shift_right_arithmetic3A_880, %add3A_886 : vector<16xi32>
        %select_n3A_888 = arith.select %ne3A_884, %add3A_887, %select_n3A_875 : vector<16xi1>, vector<16xi32>
        %select_n3A_889 = arith.select %ne3A_884, %select_n3A_876, %shift_right_arithmetic3A_880 : vector<16xi1>, vector<16xi32>
        %add3A_890 = arith.addi %select_n3A_888, %select_n3A_889 : vector<16xi32>
        %shift_right_arithmetic3A_891 = arith.constant 1 : i32
        %shift_right_arithmetic3A_892 = vector.broadcast %shift_right_arithmetic3A_891 : i32 to vector<16xi32>
        %shift_right_arithmetic3A_893 = arith.shrsi %add3A_890, %shift_right_arithmetic3A_892 : vector<16xi32>
        %gather3A_894 = tpu.vector_load_idx %arg4[%shift_right_arithmetic3A_893] : memref<1024xf32, #tpu.memory_space<vmem>>[vector<16xi32>], vector<16xf32>,
        %mul3A_895 = arith.mulf %gather3A_894, %get3A_769 : vector<16xf32>
        %le3A_896 = arith.cmpf ole, %mul3A_895, %select_n3A_312 : vector<16xf32>
        %ne3A_897 = arith.xori %le3A_896, %lt3A_772 : vector<16xi1>
        %add3A_898 = arith.constant 1 : i32
        %add3A_899 = vector.broadcast %add3A_898 : i32 to vector<16xi32>
        %add3A_900 = arith.addi %shift_right_arithmetic3A_893, %add3A_899 : vector<16xi32>
        %select_n3A_901 = arith.select %ne3A_897, %add3A_900, %select_n3A_888 : vector<16xi1>, vector<16xi32>
        %select_n3A_902 = arith.select %ne3A_897, %select_n3A_889, %shift_right_arithmetic3A_893 : vector<16xi1>, vector<16xi32>
        %sub3A_903 = arith.subi %broadcast_in_dim3A_260, %select_n3A_901 : vector<16xi32>
        %select_n3A_904 = arith.select %lt3A_772, %sub3A_903, %select_n3A_901 : vector<16xi1>, vector<16xi32>
        %add3A_905 = arith.addi %add3A_759, %select_n3A_904 : vector<16xi32>
        %reduce_sum3A = arith.constant true
        %reduce_sum3A_906 = vector.broadcast %reduce_sum3A : i1 to vector<16xi1>
        %reduce_sum3A_907 = tpu.scan <sum>, %add3A_905 masked %reduce_sum3A_906 : vector<16xi32>, vector<16xi1> -> vector<16xi32>
        %reduce_sum3A_908 = vector.extract %reduce_sum3A_907[15] : i32 from vector<16xi32>
        %add3A_909 = arith.addi %scan3A_325, %reduce_sum3A_908 : i32
        scf.yield %add3A_909 : i32
      }
      %scan3A_319 = arith.constant 9 : i32
      %ge3A_320 = arith.constant 99533 : i32
      %ge3A_321 = arith.cmpi sge, %scan3A_318, %ge3A_320 : i32
      %select_n3A_322 = arith.select %ge3A_321, %scan3A_289, %shift_right_arithmetic3A_293 : i32
      %select_n3A_323 = arith.select %ge3A_321, %shift_right_arithmetic3A_293, %scan3A_290 : i32
      scf.yield %select_n3A_322, %select_n3A_323 : i32, i32
    }
    %scan3A_268 = arith.constant 23 : i32
    %broadcast_in_dim3A_269 = vector.broadcast %scan3A_267#1 : i32 to vector<16xi32>
    %shift_left3A = arith.constant 9 : i32
    %shift_left3A_270 = vector.broadcast %shift_left3A : i32 to vector<16xi32>
    %shift_left3A_271 = arith.shli %broadcast_in_dim3A_269, %shift_left3A_270 : vector<16xi32>
    %or3A = arith.constant 511 : i32
    %or3A_272 = vector.broadcast %or3A : i32 to vector<16xi32>
    %or3A_273 = arith.ori %shift_left3A_271, %or3A_272 : vector<16xi32>
    %ge3A_274 = arith.constant 0 : i32
    %ge3A_275 = vector.broadcast %ge3A_274 : i32 to vector<16xi32>
    %ge3A_276 = arith.cmpi sge, %shift_left3A_271, %ge3A_275 : vector<16xi32>
    %sub3A_277 = arith.subi %broadcast_in_dim3A_262, %shift_left3A_271 : vector<16xi32>
    %select_n3A_278 = arith.select %ge3A_276, %shift_left3A_271, %sub3A_277 : vector<16xi1>, vector<16xi32>
    %bitcast3A_279 = vector.bitcast %select_n3A_278 : vector<16xi32> to vector<16xf32>
    %ge3A_280 = arith.constant 0 : i32
    %ge3A_281 = vector.broadcast %ge3A_280 : i32 to vector<16xi32>
    %ge3A_282 = arith.cmpi sge, %or3A_273, %ge3A_281 : vector<16xi32>
    %sub3A_283 = arith.subi %broadcast_in_dim3A_262, %or3A_273 : vector<16xi32>
    %select_n3A_284 = arith.select %ge3A_282, %or3A_273, %sub3A_283 : vector<16xi1>, vector<16xi32>
    %bitcast3A_285 = vector.bitcast %select_n3A_284 : vector<16xi32> to vector<16xf32>
    %min3A_286 = arith.minimumf %bitcast3A_279, %bitcast3A_285 : vector<16xf32>
    %swap3A = arith.constant 0 : index
    %swap3A_287 = tpu.vector_load %arg6[%swap3A] {strides = array<i32>} : memref<16xf32, #tpu.memory_space<vmem>>, vector<16xf32>,
    tpu.vector_store %arg6[%swap3A], %min3A_286 {strides = array<i32>} : memref<16xf32, #tpu.memory_space<vmem>>, vector<16xf32>,
    "tpu.region"() ({
      %run_scoped3A = tpu.sem_alloc : memref<!tpu.dma_semaphore, #tpu.memory_space<semaphore_mem>>
      %dma_start3A = arith.constant 0 : i32
      %dma_start3A_288 = tpu.memref_slice %arg3[%add3A, %dma_start3A] : memref<32x16xf32, #tpu.memory_space<hbm>> -> memref<1x16xf32, #tpu.memory_space<hbm>>
      %dma_start3A_289 = tpu.memref_squeeze %dma_start3A_288 : memref<1x16xf32, #tpu.memory_space<hbm>> -> memref<16xf32, #tpu.memory_space<hbm>>
      %dma_start3A_290 = arith.constant 0 : i32
      %dma_start3A_291 = tpu.memref_slice %arg3[%add3A, %dma_start3A_290] : memref<32x16xf32, #tpu.memory_space<hbm>> -> memref<1x16xf32, #tpu.memory_space<hbm>>
      %dma_start3A_292 = tpu.memref_squeeze %dma_start3A_291 : memref<1x16xf32, #tpu.memory_space<hbm>> -> memref<16xf32, #tpu.memory_space<hbm>>
      tpu.enqueue_dma source(%arg6 : memref<16xf32, #tpu.memory_space<vmem>>) target(%dma_start3A_292 : memref<16xf32, #tpu.memory_space<hbm>>) target_semaphore(%run_scoped3A : memref<!tpu.dma_semaphore, #tpu.memory_space<semaphore_mem>>)
      %dma_wait3A = arith.constant 0 : i32
      %dma_wait3A_293 = tpu.memref_slice %arg3[%add3A, %dma_wait3A] : memref<32x16xf32, #tpu.memory_space<hbm>> -> memref<1x16xf32, #tpu.memory_space<hbm>>
      %dma_wait3A_294 = tpu.memref_squeeze %dma_wait3A_293 : memref<1x16xf32, #tpu.memory_space<hbm>> -> memref<16xf32, #tpu.memory_space<hbm>>
      %dma_wait3A_295 = arith.constant 0 : i32
      %dma_wait3A_296 = tpu.memref_slice %arg3[%add3A, %dma_wait3A_295] : memref<32x16xf32, #tpu.memory_space<hbm>> -> memref<1x16xf32, #tpu.memory_space<hbm>>
      %dma_wait3A_297 = tpu.memref_squeeze %dma_wait3A_296 : memref<1x16xf32, #tpu.memory_space<hbm>> -> memref<16xf32, #tpu.memory_space<hbm>>
      tpu.wait_dma2 semaphore(%run_scoped3A : memref<!tpu.dma_semaphore, #tpu.memory_space<semaphore_mem>>) src(%arg6 : memref<16xf32, #tpu.memory_space<vmem>>) dst(%dma_wait3A_297 : memref<16xf32, #tpu.memory_space<hbm>>)
      tpu.yield
    }) : () -> ()
    return
  }
}

module attributes {stable_mosaic.version = 14 : i64} {
  func.func @_stage_a_body(%arg0: i32, %arg1: memref<1x576x384xf32, #tpu.memory_space<vmem>>, %arg2: memref<1x1x1152xf32, #tpu.memory_space<vmem>>) attributes {dimension_semantics = [#tpu.dimension_semantics<arbitrary>], iteration_bounds = array<i64: 32>, scalar_prefetch = 0 : i64, scratch_operands = 0 : i64, tpu.core_type = #tpu.core_type<tc>, window_params = [{transform_indices = @transform_0, window_bounds = array<i64: 1, 576, 384>}, {transform_indices = @transform_1, window_bounds = array<i64: 1, 1, 1152>}]} {
    %get3A = arith.constant 0 : index
    %get3A_0 = arith.constant 0 : index
    %get3A_1 = arith.constant 0 : index
    %get3A_2 = vector.load %arg1[%get3A, %get3A_0, %get3A_1] : memref<1x576x384xf32, #tpu.memory_space<vmem>>, vector<1x576x384xf32>
    %get3A_3 = vector.shape_cast %get3A_2 : vector<1x576x384xf32> to vector<576x384xf32>
    %reduce_sum3A = arith.constant dense<0.000000e+00> : vector<576xf32>
    %reduce_sum3A_4 = vector.multi_reduction <add>, %get3A_3, %reduce_sum3A [1] : vector<576x384xf32> to vector<576xf32>
    %broadcast_in_dim3A = vector.shape_cast %reduce_sum3A_4 : vector<576xf32> to vector<576x1xf32>
    %div3A = arith.constant 3.840000e+02 : f32
    %div3A_5 = vector.broadcast %div3A : f32 to vector<576x1xf32>
    %div3A_6 = arith.divf %broadcast_in_dim3A, %div3A_5 : vector<576x1xf32>
    %reduce_max3A = arith.constant dense<0xFF800000> : vector<576xf32>
    %reduce_max3A_7 = vector.multi_reduction <maximumf>, %get3A_3, %reduce_max3A [1] : vector<576x384xf32> to vector<576xf32>
    %broadcast_in_dim3A_8 = vector.shape_cast %reduce_max3A_7 : vector<576xf32> to vector<576x1xf32>
    %concatenate3A = tpu.concatenate %div3A_6, %broadcast_in_dim3A_8 in 1 : vector<576x1xf32>, vector<576x1xf32> -> vector<576x2xf32>
    %jit3A = arith.constant 0 : i32
    %convert_element_type3A = arith.sitofp %jit3A : i32 to f32
    %pad3A = vector.broadcast %convert_element_type3A : f32 to vector<576x126xf32>
    %pad3A_9 = tpu.concatenate %concatenate3A, %pad3A in 1 : vector<576x2xf32>, vector<576x126xf32> -> vector<576x128xf32>
    %transpose3A = tpu.transpose %pad3A_9, [1, 0] : vector<576x128xf32> -> vector<128x576xf32>
    %slice3A = vector.extract_strided_slice %transpose3A {offsets = [0, 0], sizes = [1, 576], strides = [1, 1]} : vector<128x576xf32> to vector<1x576xf32>
    %slice3A_10 = vector.extract_strided_slice %transpose3A {offsets = [1, 0], sizes = [1, 576], strides = [1, 1]} : vector<128x576xf32> to vector<1x576xf32>
    %concatenate3A_11 = tpu.concatenate %slice3A, %slice3A_10 in 1 : vector<1x576xf32>, vector<1x576xf32> -> vector<1x1152xf32>
    %swap3A = arith.constant 0 : index
    %swap3A_12 = arith.constant 0 : index
    %swap3A_13 = arith.constant 0 : index
    %swap3A_14 = vector.load %arg2[%swap3A, %swap3A_12, %swap3A_13] : memref<1x1x1152xf32, #tpu.memory_space<vmem>>, vector<1x1x1152xf32>
    %swap3A_15 = vector.shape_cast %swap3A_14 : vector<1x1x1152xf32> to vector<1x1152xf32>
    %swap3A_16 = vector.shape_cast %concatenate3A_11 : vector<1x1152xf32> to vector<1x1x1152xf32>
    tpu.vector_store %arg2[%swap3A, %swap3A_12, %swap3A_13], %swap3A_16 {strides = array<i32>} : memref<1x1x1152xf32, #tpu.memory_space<vmem>>, vector<1x1x1152xf32>,
    return
  }
  func.func @transform_0(%arg0: i32) -> (i32, i32, i32) {
    %c0_i32 = arith.constant 0 : i32
    %c0_i32_0 = arith.constant 0 : i32
    %c0_i32_1 = arith.constant 0 : i32
    return %arg0, %c0_i32, %c0_i32_0 : i32, i32, i32
  }
  func.func @transform_1(%arg0: i32) -> (i32, i32, i32) {
    %c0_i32 = arith.constant 0 : i32
    %c0_i32_0 = arith.constant 0 : i32
    %c0_i32_1 = arith.constant 0 : i32
    return %arg0, %c0_i32, %c0_i32_0 : i32, i32, i32
  }
}

module attributes {stable_mosaic.version = 14 : i64} {
  func.func @_stage_b_body(%arg0: i32, %arg1: memref<1x1x1152xf32, #tpu.memory_space<vmem>>, %arg2: memref<1x1x16xf32, #tpu.memory_space<smem>>, %arg3: memref<1x576x576xf32, #tpu.memory_space<vmem>>) attributes {dimension_semantics = [#tpu.dimension_semantics<arbitrary>], iteration_bounds = array<i64: 32>, scalar_prefetch = 0 : i64, scratch_operands = 0 : i64, tpu.core_type = #tpu.core_type<tc>, window_params = [{transform_indices = @transform_0, window_bounds = array<i64: 1, 1, 1152>}, {transform_indices = @transform_1, window_bounds = array<i64: 1, 1, 16>}, {transform_indices = @transform_2, window_bounds = array<i64: 1, 576, 576>}]} {
    %get3A = arith.constant 0 : index
    %get3A_0 = arith.constant 0 : index
    %get3A_1 = arith.constant 0 : index
    %get3A_2 = vector.load %arg1[%get3A, %get3A_0, %get3A_1] : memref<1x1x1152xf32, #tpu.memory_space<vmem>>, vector<1x1x1152xf32>
    %get3A_3 = vector.shape_cast %get3A_2 : vector<1x1x1152xf32> to vector<1x1152xf32>
    %slice3A = vector.extract_strided_slice %get3A_3 {offsets = [0, 0], sizes = [1, 576], strides = [1, 1]} : vector<1x1152xf32> to vector<1x576xf32>
    %slice3A_4 = vector.extract_strided_slice %get3A_3 {offsets = [0, 576], sizes = [1, 576], strides = [1, 1]} : vector<1x1152xf32> to vector<1x576xf32>
    %jit3A = arith.constant 0 : i32
    %convert_element_type3A = arith.sitofp %jit3A : i32 to f32
    %pad3A = vector.broadcast %convert_element_type3A : f32 to vector<7x576xf32>
    %pad3A_5 = tpu.concatenate %slice3A, %pad3A in 0 : vector<1x576xf32>, vector<7x576xf32> -> vector<8x576xf32>
    %transpose3A = tpu.transpose %pad3A_5, [1, 0] : vector<8x576xf32> -> vector<576x8xf32>
    %slice3A_6 = vector.extract_strided_slice %transpose3A {offsets = [0, 0], sizes = [576, 1], strides = [1, 1]} : vector<576x8xf32> to vector<576x1xf32>
    %mul3A = vector.broadcast %slice3A_6 : vector<576x1xf32> to vector<576x576xf32>
    %mul3A_7 = vector.broadcast %slice3A_4 : vector<1x576xf32> to vector<576x576xf32>
    %mul3A_8 = arith.mulf %mul3A, %mul3A_7 : vector<576x576xf32>
    %get3A_9 = arith.constant 0 : index
    %get3A_10 = arith.constant 0 : index
    %get3A_11 = arith.constant 0 : index
    %get3A_12 = memref.load %arg2[%get3A_9, %get3A_10, %get3A_11] : memref<1x1x16xf32, #tpu.memory_space<smem>>
    %ge3A = vector.broadcast %get3A_12 : f32 to vector<576x576xf32>
    %ge3A_13 = arith.cmpf oge, %mul3A_8, %ge3A : vector<576x576xf32>
    %logistic3A = arith.negf %mul3A_8 : vector<576x576xf32>
    %logistic3A_14 = math.exp %logistic3A : vector<576x576xf32>
    %logistic3A_15 = arith.constant 1.000000e+00 : f32
    %logistic3A_16 = vector.broadcast %logistic3A_15 : f32 to vector<576x576xf32>
    %logistic3A_17 = arith.addf %logistic3A_16, %logistic3A_14 : vector<576x576xf32>
    %logistic3A_18 = arith.divf %logistic3A_16, %logistic3A_17 : vector<576x576xf32>
    %jit3A_19 = arith.constant 0.000000e+00 : f32
    %broadcast_in_dim3A = vector.broadcast %jit3A_19 : f32 to vector<576x576xf32>
    %select_n3A = arith.select %ge3A_13, %logistic3A_18, %broadcast_in_dim3A : vector<576x576xi1>, vector<576x576xf32>
    %swap3A = arith.constant 0 : index
    %swap3A_20 = arith.constant 0 : index
    %swap3A_21 = arith.constant 0 : index
    %swap3A_22 = vector.load %arg3[%swap3A, %swap3A_20, %swap3A_21] : memref<1x576x576xf32, #tpu.memory_space<vmem>>, vector<1x576x576xf32>
    %swap3A_23 = vector.shape_cast %swap3A_22 : vector<1x576x576xf32> to vector<576x576xf32>
    %swap3A_24 = vector.shape_cast %select_n3A : vector<576x576xf32> to vector<1x576x576xf32>
    tpu.vector_store %arg3[%swap3A, %swap3A_20, %swap3A_21], %swap3A_24 {strides = array<i32>} : memref<1x576x576xf32, #tpu.memory_space<vmem>>, vector<1x576x576xf32>,
    return
  }
  func.func @transform_0(%arg0: i32) -> (i32, i32, i32) {
    %c0_i32 = arith.constant 0 : i32
    %c0_i32_0 = arith.constant 0 : i32
    %c0_i32_1 = arith.constant 0 : i32
    return %arg0, %c0_i32, %c0_i32_0 : i32, i32, i32
  }
  func.func @transform_1(%arg0: i32) -> (i32, i32, i32) {
    %c0_i32 = arith.constant 0 : i32
    %c0_i32_0 = arith.constant 0 : i32
    %c0_i32_1 = arith.constant 0 : i32
    return %arg0, %c0_i32, %c0_i32_0 : i32, i32, i32
  }
  func.func @transform_2(%arg0: i32) -> (i32, i32, i32) {
    %c0_i32 = arith.constant 0 : i32
    %c0_i32_0 = arith.constant 0 : i32
    %c0_i32_1 = arith.constant 0 : i32
    return %arg0, %c0_i32, %c0_i32_0 : i32, i32, i32
  }
}

</mosaic_0001>

<sc_bundles>
// kernel: kernel.5.cloned.1.call-start
scs
__scs_entry_jumppad:
0x0: {  	(pc) =	sbr.rel $0x88, $3  }
0x1: {  	(tag) =	ssettag $0x0;
	lr =	simm.s32 $0x1  }
0x2: {  	[smem:$0x3FA0] =	sst lr;
	_ =	strace $0xD0000000  }
0x3: {  	_ = 	snop  }
0x4: {  	_ = 	snop  }
0x5: {  	_ = 	snop  }
0x6: {  	_ = 	snop  }
0x7: {  	_ = 	snop  }
__scs_overlays_trampoline_lowered:
0x8: {  	[smem:$0x3FAF] =	sst s0  }
0x9: {  	[smem:$0x3FB0] =	sst s1  }
0xa: {  	[smem:$0x3FB1] =	sst s2  }
0xb: {  	[smem:$0x3FB2] =	sst s3  }
0xc: {  	[smem:$0x3FB3] =	sst s4  }
0xd: {  	[smem:$0x3FB4] =	sst s5  }
0xe: {  	[smem:$0x3FB5] =	sst s6  }
0xf: {  	[smem:$0x3FB6] =	sst s7  }
0x10: {  	[smem:$0x3FB7] =	sst s8  }
0x11: {  	[smem:$0x3FB8] =	sst s9;
	s0 =	simm.s32 @!p0 $0x0  }
0x12: {  	s1 =	sld [smem:$0x3F9E];
	s0 =	simm.s32 @p0 $0x1  }
0x13: {  	[smem:$0x3FB9] =	sst s0;
	s0 =	simm.s32 @!p1 $0x0  }
0x14: {  	s2 =	sld [smem:$0x3F9D];
	s0 =	simm.s32 @p1 $0x1  }
0x15: {  	[smem:$0x3FBA] =	sst s0;
	s0 =	simm.s32 @!p2 $0x0  }
0x16: {  	s3 =	sld [smem:$0x3FDB];
	s0 =	simm.s32 @p2 $0x1  }
0x17: {  	s4 =	simm.s32 $0x1BF5;
	[smem:$0x3FBC] =	sst s0  }
0x18: {  	s0 =	sld [smem:$0x3F9F];
	_ =	swait.ge [sflag:s4], $0x0  }
0x19: {  	s7 =	sld [smem:$0x3FA0]  }
0x1a: {  	s8 =	sadd.s32 $0xFFFFE003, lr  }
0x1b: {  	s9 =	sadd.s32 $0xFFFFFEF7, lr;
	s5 =	simm.s32 $0xFFFFFFFF;
	p2 =	slt.u32 s8, $0xFFFFF086  }
0x1c: {  	p1 =	slt.u32 s9, $0xF7A;
	s5 =	simm.s32 @!p2 $0x0  }
0x1d: {  	s5 =	simm.s32 @p1 $0x1;
	p0 =	seq.s32 s7, s2  }
0x1e: {  	s7 =	smul.u32 @!p0 $0xF7A, s2;
	p2 =	seq.s32 @!p0 s5, $0x0  }
0x1f: {  	s9 =	smul.u32 $0xF7A, s1;
	s8 =	simm.s32 @!p0 $0x1BF5;
	p2 =	por !p2, p0  }
0x20: {  	[sflag:s8] =	ssyncset.s32 @!p0 $0xFFFFF086;
	s6 =	sadd.s32 @!p0 s3, s7;
	s7 =	simm.s32 @!p0 $0x108  }
0x21: {  	s3 =	sadd.s32 s3, s9;
	s6 =	sadd.s32 @!p0 $0x88, s6;
	s7 =	simm.s32 @p2 $0x1082  }
0x22: {  	[simem:s7], [sflag:s8] =	dma.local @!p0 [hbm:s6], $0xF7A  }
0x23: {  	s9 =	sor.u32 $0xD0000000, s2;
	s6 =	simm.s32 $0x108;
	_ =	swait.ge @!p0 [sflag:s8], $0x0  }
0x24: {  	s3 =	sadd.s32 $0x88, s3;
	s6 =	simm.s32 @!p1 $0x1082;
	[sflag:s4] =	ssyncset.s32 $0xFFFFF086  }
0x25: {  	[simem:s6], [sflag:s4] =	dma.local [hbm:s3], $0xF7A  }
0x26: {  	[smem:$0x3FA0] =	sst s1;
	(tag) =	ssettag s2;
	_ =	strace s9  }
0x27: {  	s1 =	sld [smem:$0x3FB0]  }
0x28: {  	s2 =	sld [smem:$0x3FB1]  }
0x29: {  	s4 =	sld [smem:$0x3FB3]  }
0x2a: {  	p0 =	seq.s32 s5, $0x0;
	s5 =	sld [smem:$0x3FB4]  }
0x2b: {  	s6 =	sld [smem:$0x3FB5]  }
0x2c: {  	s7 =	sld [smem:$0x3FB6]  }
0x2d: {  	s3 =	simm.s32 $0x108;
	s8 =	sld [smem:$0x3FB7]  }
0x2e: {  	s3 =	simm.s32 @!p0 $0x1082;
	s9 =	sld [smem:$0x3FB8]  }
0x2f: {  	lr =	sadd.s32 s0, s3;
	s0 =	sld [smem:$0x3FAF]  }
0x30: {  	s3 =	sld [smem:$0x3FB2]  }
0x31: {  	[smem:$0x3FBB] =	sst s10  }
0x32: {  	s10 =	sld [smem:$0x3FB9];
	_ =	sdelay $0x3  }
0x33: {  	p0 =	seq.s32 s10, $0x1;
	s10 =	sld [smem:$0x3FBB];
	_ =	sdelay $0x3  }
0x34: {  	[smem:$0x3FBB] =	sst s10  }
0x35: {  	s10 =	sld [smem:$0x3FBA];
	_ =	sdelay $0x3  }
0x36: {  	p1 =	seq.s32 s10, $0x1;
	s10 =	sld [smem:$0x3FBB];
	_ =	sdelay $0x3  }
0x37: {  	[smem:$0x3FBB] =	sst s10  }
0x38: {  	s10 =	sld [smem:$0x3FBC]  }
0x39: {  	_ = 	snop;
	(pc) =	sbr.ind lr, $3  }
0x3a: {  	_ = 	snop  }
0x3b: {  	_ = 	snop  }
0x3c: {  	p2 =	seq.s32 s10, $0x1;
	s10 =	sld [smem:$0x3FBB]  }
0x3d: {  	_ =	shalt  }
0x3e: {  	_ =	shalt  }
0x3f: {  	_ =	shalt  }
0x40: {  	_ =	shalt  }
0x41: {  	_ =	shalt  }
0x42: {  	_ =	shalt  }
0x43: {  	_ =	shalt  }
0x44: {  	_ =	shalt  }
0x45: {  	_ =	shalt  }
0x46: {  	_ =	shalt  }
0x47: {  	_ =	shalt  }
0x48: {  	_ =	shalt  }
0x49: {  	_ =	shalt  }
0x4a: {  	_ =	shalt  }
0x4b: {  	_ =	shalt  }
0x4c: {  	_ =	shalt  }
0x4d: {  	_ =	shalt  }
0x4e: {  	_ =	shalt  }
0x4f: {  	_ =	shalt  }
0x50: {  	_ =	shalt  }
0x51: {  	_ =	shalt  }
0x52: {  	_ =	shalt  }
0x53: {  	_ =	shalt  }
0x54: {  	_ =	shalt  }
0x55: {  	_ =	shalt  }
0x56: {  	_ =	shalt  }
0x57: {  	_ =	shalt  }
0x58: {  	_ =	shalt  }
0x59: {  	_ =	shalt  }
0x5a: {  	_ =	shalt  }
0x5b: {  	_ =	shalt  }
0x5c: {  	_ =	shalt  }
0x5d: {  	_ =	shalt  }
0x5e: {  	_ =	shalt  }
0x5f: {  	_ =	shalt  }
0x60: {  	_ =	shalt  }
0x61: {  	_ =	shalt  }
0x62: {  	_ =	shalt  }
0x63: {  	_ =	shalt  }
0x64: {  	_ =	shalt  }
0x65: {  	_ =	shalt  }
0x66: {  	_ =	shalt  }
0x67: {  	_ =	shalt  }
0x68: {  	_ =	shalt  }
0x69: {  	_ =	shalt  }
0x6a: {  	_ =	shalt  }
0x6b: {  	_ =	shalt  }
0x6c: {  	_ =	shalt  }
0x6d: {  	_ =	shalt  }
0x6e: {  	_ =	shalt  }
0x6f: {  	_ =	shalt  }
0x70: {  	_ =	shalt  }
0x71: {  	_ =	shalt  }
0x72: {  	_ =	shalt  }
0x73: {  	_ =	shalt  }
0x74: {  	_ =	shalt  }
0x75: {  	_ =	shalt  }
0x76: {  	_ =	shalt  }
0x77: {  	_ =	shalt  }
0x78: {  	_ =	shalt  }
0x79: {  	_ =	shalt  }
0x7a: {  	_ =	shalt  }
0x7b: {  	_ =	shalt  }
0x7c: {  	_ =	shalt  }
0x7d: {  	_ =	shalt  }
0x7e: {  	_ =	shalt  }
0x7f: {  	_ =	shalt  }
0x80: {  	_ =	shalt  }
0x81: {  	_ =	shalt  }
0x82: {  	_ =	shalt  }
0x83: {  	_ =	shalt  }
0x84: {  	_ =	shalt  }
0x85: {  	_ =	shalt  }
0x86: {  	_ =	shalt  }
0x87: {  	_ =	shalt  }
.Lfunc_end0:
.L_simem_size_0:
called_computation_lowered:
.L_overlay_start_0:
0x88: {  	s2 =	sld [smem:$0x3FD9]  }
0x89: {  	s3 =	sld [smem:$0x3FFE];
	_ =	sdelay $0x1  }
0x8a: {  	s1 =	srdreg.scid  }
0x8b: {  	s0 =	sand.u32 $0x1, s1  }
0x8c: {  	s15 =	sshll.u32 s0, $0xA;
	s2 =	sadd.s32 s3, s2  }
0x8d: {  	s2 =	sadd.s32 s2, s15  }
0x8e: {  	[smem:$0x3FC7] =	sst s2  }
0x8f: {  	_ = 	snop  }
0x90: {  	s2 =	sld [smem:$0x3FD0];
	_ =	sdelay $0x2  }
0x91: {  	s16 =	simm.s32 $0xA;
	s4 =	simm.s32 $0x10  }
0x92: {  	[smem:s4], [sflag:s16] =	dma.local [hbm:s2], $0x1  }
0x93: {  	_ =	swait.eq [sflag:s16], $0x1  }
0x94: {  	[sflag:s16] =	ssyncset.done $0x0  }
0x95: {  	s17 =	sld [smem:$0x10];
	[sflag:s16] =	ssyncadd.s32 $0xFFFFFFFF  }
0x96: {  	s18 =	sld [smem:$0x11];
	(tm) =	ssettm $0x1  }
0x97: {  	s19 =	sld [smem:$0x3FFB];
	_ =	sdelay $0x3  }
0x98: {  	_ =	strace s19  }
0x99: {  	s4 =	sld [smem:$0x3FFC];
	_ =	sdelay $0x3  }
0x9a: {  	_ =	strace s4  }
0x9b: {  	s4 =	sld [smem:$0x3FFD];
	_ =	sdelay $0x3  }
0x9c: {  	_ =	strace s4  }
0x9d: {  	_ =	strace $0x8FFFFFFF  }
0x9e: {  	s20 =	sld [smem:$0x3FDB];
	_ =	sdelay $0x1  }
0x9f: {  	s5 =	simm.s32 $_scs_section_size  }
0xa0: {  	s6 =	simm.s32 $_size__tile_overlayer_lowered;
	s7 =	simm.s32 $_tile_overlayer_lowered  }
0xa1: {  	s23 =	simm.s32 $0x1BFF;
	s22 =	sshll.u32 s7, $0x1;
	s4 =	sadd.s32 s5, s20  }
0xa2: {  	s8 =	simm.s32 $0x0;
	s21 =	sshll.u32 s6, $0x1;
	s6 =	sadd.s32 s22, s4  }
0xa3: {  	[timem:s8], [sflag:s23] =	dma.local [hbm:s6], s21  }
0xa4: {  	_ =	swait.ge [sflag:s23], s21  }
0xa5: {  	s5 =	ssub.s32 $0x0, s21;
	[sflag:s23] =	ssyncset.done $0x0  }
0xa6: {  	[sflag:s23] =	ssyncadd.s32 s5;
	_ =	sdelay $0x1  }
0xa7: {  	s24 =	simm.s32 $0x1B8B  }
0xa8: {  	_ =	swait.ge [sflag:s24], $0x1  }
0xa9: {  	[sflag:s24] =	ssyncset.done $0x0  }
0xaa: {  	s25 =	simm.s32 $0x1B8E;
	[sflag:s24] =	ssyncadd.s32 $0xFFFFFFFF  }
0xab: {  	s26 =	simm.s32 $execute0_lowered;
	[smem:$0x3FD2] =	sst s25  }
0xac: {  	s5 =	sshll.u32 s26, $0x1;
	_ =	strace $0x80000046;
	[dreg:$0x1] =	wrdreg $0xFFFFFFFF  }
0xad: {  	s28 =	simm.s32 $_size_execute0_lowered;
	s4 =	sadd.s32 s4, s5;
	[dreg:$0x0] =	wrdreg $0x0  }
0xae: {  	s5 =	sshll.u32 s28, $0x1;
	[dreg:$0x2] =	wrdreg s4  }
0xaf: {  	[dreg:$0x3] =	wrdreg s5  }
0xb0: {  	[dreg:$0x4] =	wrdreg $0xC0  }
0xb1: {  	_ =	task [dreg:s8], $0x5FFFF  }
0xb2: {  	[dreg:$0x1] =	wrdreg $0xFFFFFFFF  }
0xb3: {  	[dreg:$0x0] =	wrdreg $0x60  }
0xb4: {  	[dreg:$0x2] =	wrdreg s17  }
0xb5: {  	[dreg:$0x3] =	wrdreg s18  }
0xb6: {  	[dreg:$0x4] =	wrdreg $0x9  }
0xb7: {  	_ =	task.clear_ibuf [dreg:s8], $0x5FFFF;
	_ =	strace $0x90000046  }
0xb8: {  	s29 =	simm.s32 $0x9;
	_ =	strace $0x80000048  }
0xb9: {  	_ =	swait.ge [sflag:s29], $0x1  }
0xba: {  	[sflag:s29] =	ssyncadd.s32 $0xFFFFFFFF  }
0xbb: {  	_ =	strace $0x90000048  }
0xbc: {  	_ =	sfence  }
0xbd: {  	s30 =	sld [smem:$0x0];
	_ =	sdelay $0x2  }
0xbe: {  	s31 =	sshll.u32 s1, $0xD;
	s1 =	sshrl.u32 s1, $0x2  }
0xbf: {  	s3 =	sand.u32 $0x4000, s31;
	s1 =	sadd.s32 s1, s30  }
0xc0: {  	s0 =	sor.u32 s3, s0;
	s1 =	sshll.u32 s1, $0x11  }
0xc1: {  	s0 =	sor.u32 s1, s0  }
0xc2: {  	s0 =	sadd.s32 $0x8F2B, s0  }
0xc3: {  	[sflag:s0] =	ssyncadd.remote.s32 $0x1  }
0xc4: {  	_ =	sfence.sel $0xFFFF  }
0xc5: {  	[dreg:$0x0] =	wrdreg $0xFFFFFFFF;
	(pc) =	sbr.abs _section_cstart, $3  }
0xc6: {  	[dreg:$0x1] =	wrdreg $0xFFFFFFFF  }
0xc7: {  	_ =	task.clear_ibuf [dreg:s8], $0x2FFFF;
	_ =	strace $0x9FFFFFFF  }
0xc8: {  	(tm) =	ssettm $0x7FFFFFFF  }
0xc9: {  	_ =	shalt  }
tec
execute0_lowered:
.L_overlay_start_1:
0x0: {  	(tag) =	ssettag $0x1  }
0x1: {  	s3 =	rddreg [dreg:$0x0];
	s1 =	srdreg.scid  }
0x2: {  	s0 =	stileid.u32;
	s4 =	rddreg [dreg:$0x1];
	s2 =	simm.s32 $0x0  }
0x3: {  	s9 =	simm.s32 $0x0;
	s5 =	sand.u32 $0x1, s1;
	s6 =	sshll.u32 s0, $0x1  }
0x4: {  	[smem:$0x7FF] =	sst s2;
	s6 =	sor.u32 s5, s6;
	s5 =	ssub.s32 $0x2, s5  }
0x5: {  	s1 =	rddreg [dreg:$0x2];
	_ =	strace $0x80000047;
	s8 =	sshrl.u32 s5, $0x1  }
0x6: {  	s7 =	smul.u32 $0x90, s6;
	s6 =	sshll.u32 s6, $0x1;
	s5 =	ssub.s32 s5, s8  }
0x7: {  	v0 =	vimm.f32 $+Inf;
	v1 =	vimm.f32 $-1.000000000e+00;
	v2 =	vimm.f32 $1.000000000e+00;
	s4 =	sadd.s32 s4, s6;
	s6 =	simm.s32 $0x400;
	s8 =	simm.s32 $0x880  }
0x8: {  	v3 =	vimm.s32 $0x120;
	v4 =	vimm.s32 $0x0;
	v5 =	vimm.s32 $0x90;
	s3 =	sadd.s32 s3, s7;
	s5 =	smax.u32 s5, $0x1;
	s7 =	simm.s32 $0x1  }
.LBB2_1:
0x9: {  	[tilespmem:s6], [sflag:$0x1] =	stream.linear.gather [hbm4b:s3+s2], $0x480, $0x38;
	[tilespmem:$0x890] =	vst v63  }
0xa: {  	_ =	swait.ge [sflag:s7], $0x480  }
0xb: {  	[sflag:s7] =	ssyncset.done $0x0  }
0xc: {  	s10 =	simm.s32 $0x0;
	[sflag:s7] =	ssyncadd.s32 $0xFFFFFB80  }
0xd: {  	s11 =	simm.s32 $0x40;
	v6 =	vld [tilespmem:s10+$0x400]  }
.LBB2_2:
0xe: {  	p0 =	sne.s32 s11, $0x8C0  }
.Ltmp0:
0xf: {  	_ = 	snop;
	(pc) =	sbr.rel @p0 .LBB2_2-.Ltmp0, $3  }
0x10: {  	_ =	sdelay $0x1  }
0x11: {  	[tilespmem:s10+$0x0] =	vst v6;
	s10 =	sshra.s32 s11, $0x2;
	s11 =	sadd.s32 $0x40, s11  }
0x12: {  	v6 =	vld [tilespmem:s10+$0x400]  }
0x13: {  	_ =	sdelay $0x3  }
0x14: {  	[tilespmem:s10+$0x0] =	vst v6  }
0x15: {  	[tilespmem:$0x240] =	vst v0  }
0x16: {  	[tilespmem:$0x250] =	vst v0  }
0x17: {  	[tilespmem:$0x260] =	vst v0  }
0x18: {  	[tilespmem:$0x270] =	vst v0  }
0x19: {  	[tilespmem:$0x280] =	vst v0  }
0x1a: {  	[tilespmem:$0x290] =	vst v0  }
0x1b: {  	[tilespmem:$0x2A0] =	vst v0  }
0x1c: {  	[tilespmem:$0x2B0] =	vst v0  }
0x1d: {  	[tilespmem:$0x2C0] =	vst v0  }
0x1e: {  	[tilespmem:$0x2D0] =	vst v0  }
0x1f: {  	[tilespmem:$0x2E0] =	vst v0  }
0x20: {  	[tilespmem:$0x2F0] =	vst v0  }
0x21: {  	[tilespmem:$0x300] =	vst v0  }
0x22: {  	[tilespmem:$0x310] =	vst v0  }
0x23: {  	[tilespmem:$0x320] =	vst v0  }
0x24: {  	[tilespmem:$0x330] =	vst v0  }
0x25: {  	[tilespmem:$0x340] =	vst v0  }
0x26: {  	[tilespmem:$0x350] =	vst v0  }
0x27: {  	[tilespmem:$0x360] =	vst v0  }
0x28: {  	[tilespmem:$0x370] =	vst v0  }
0x29: {  	[tilespmem:$0x380] =	vst v0  }
0x2a: {  	[tilespmem:$0x390] =	vst v0  }
0x2b: {  	[tilespmem:$0x3A0] =	vst v0  }
0x2c: {  	[tilespmem:$0x3B0] =	vst v0  }
0x2d: {  	[tilespmem:$0x3C0] =	vst v0  }
0x2e: {  	[tilespmem:$0x3D0] =	vst v0  }
0x2f: {  	[tilespmem:$0x3E0] =	vst v0  }
0x30: {  	s10 =	simm.s32 $0x0;
	[tilespmem:$0x3F0] =	vst v0  }
0x31: {  	s12 =	simm.s32 $0x1;
	s13 =	simm.s32 $0x0;
	s11 =	simm.s32 $0x0;
	v6 =	vld [tilespmem:s10+$0x0]  }
.LBB2_4:
0x32: {  	p0 =	sne.s32 s12, $0x3F  }
0x33: {  	s14 =	sand.u32 $0x1, s13;
	s13 =	smov.u32 s12  }
0x34: {  	p1 =	seq.s32 s14, $0x1  }
0x35: {  	v7 =	vpsel !p1, $0x3F800000, v1  }
0x36: {  	v6 =	vmul.f32 v6, v7;
	_ =	sdelay $0x1  }
0x37: {  	(xrf1) =	vsort.ascd.msk.f32 $0xffff, v6, v6;
	_ =	sdelay $0xd  }
.Ltmp1:
0x38: {  	v6, _, _ =	vpop (xrf1);
	(pc) =	sbr.rel @p0 .LBB2_4-.Ltmp1, $3  }
0x39: {  	v6 =	vmul.f32 v6, v7;
	_ =	sdelay $0x1  }
0x3a: {  	[tilespmem:s11+$0x0] =	vst v6;
	s11 =	sadd.s32 $0x10, s11  }
0x3b: {  	s12 =	sadd.s32 $0x1, s12;
	v6 =	vld [tilespmem:s11+$0x0]  }
0x3c: {  	_ = 	snop  }
0x3d: {  	s12 =	sand.u32 $0x1, s13  }
0x3e: {  	p0 =	seq.s32 s12, $0x1  }
0x3f: {  	v7 =	vpsel !p0, $0x3F800000, v1  }
0x40: {  	v6 =	vmul.f32 v6, v7;
	_ =	sdelay $0x1  }
0x41: {  	(xrf1) =	vsort.ascd.msk.f32 $0xffff, v6, v6;
	_ =	sdelay $0xd  }
0x42: {  	v6, _, _ =	vpop (xrf1)  }
0x43: {  	v6 =	vmul.f32 v6, v7;
	_ =	sdelay $0x1  }
0x44: {  	s12 =	simm.s32 $0x10;
	[tilespmem:s11+$0x0] =	vst v6  }
0x45: {  	v6 =	vld [tilespmem:s12+$0xFFFFFFF0]  }
0x46: {  	s13 =	simm.s32 $0x1;
	s11 =	simm.s32 $0x10;
	v7 =	vld [tilespmem:s12+$0x0]  }
.LBB2_6:
0x47: {  	p0 =	sne.s32 s13, $0x1F;
	_ =	sdelay $0x2  }
.Ltmp2:
0x48: {  	s14 =	sand.u32 $0x1, s10;
	s10 =	smov.u32 s13;
	(pc) =	sbr.rel @p0 .LBB2_6-.Ltmp2, $4  }
0x49: {  	p1 =	seq.s32 s14, $0x1;
	v8 =	vmin.f32 v6, v7;
	v6 =	vmax.f32 v6, v7  }
0x4a: {  	s12 =	sadd.s32 $0x20, s12;
	v9 =	vpsel p1, v6, v8;
	v7 =	vpsel p1, v8, v6  }
0x4b: {  	v6 =	vld [tilespmem:s12+$0xFFFFFFF0];
	[tilespmem:s11+$0x0] =	vst v7  }
0x4c: {  	s13 =	sadd.s32 $0x1, s13;
	v7 =	vld [tilespmem:s12+$0x0];
	[tilespmem:s11+$0xFFFFFFF0] =	vst v9;
	s11 =	smov.u32 s12  }
0x4d: {  	_ =	sdelay $0x2  }
0x4e: {  	s10 =	sand.u32 $0x1, s10  }
0x4f: {  	p0 =	seq.s32 s10, $0x1;
	v8 =	vmin.f32 v6, v7;
	v6 =	vmax.f32 v6, v7  }
0x50: {  	v7 =	vpsel p0, v8, v6  }
0x51: {  	v6 =	vpsel p0, v6, v8;
	[tilespmem:s11+$0x0] =	vst v7  }
0x52: {  	s10 =	simm.s32 $0x0;
	[tilespmem:s11+$0xFFFFFFF0] =	vst v6  }
0x53: {  	s12 =	simm.s32 $0x1;
	s13 =	simm.s32 $0x0;
	s11 =	simm.s32 $0x0;
	v6 =	vld [tilespmem:s10+$0x0]  }
.LBB2_8:
0x54: {  	p0 =	sne.s32 s12, $0x3F  }
0x55: {  	s14 =	sand.u32 $0x2, s13;
	s13 =	smov.u32 s12  }
0x56: {  	p1 =	seq.s32 s14, $0x0  }
0x57: {  	v7 =	vpsel !p1, $0xBF800000, v2  }
0x58: {  	v6 =	vmul.f32 v6, v7;
	_ =	sdelay $0x1  }
0x59: {  	(xrf1) =	vsort.ascd.msk.f32 $0xffff, v6, v6;
	_ =	sdelay $0xd  }
.Ltmp3:
0x5a: {  	v6, _, _ =	vpop (xrf1);
	(pc) =	sbr.rel @p0 .LBB2_8-.Ltmp3, $3  }
0x5b: {  	v6 =	vmul.f32 v6, v7;
	_ =	sdelay $0x1  }
0x5c: {  	[tilespmem:s11+$0x0] =	vst v6;
	s11 =	sadd.s32 $0x10, s11  }
0x5d: {  	s12 =	sadd.s32 $0x1, s12;
	v6 =	vld [tilespmem:s11+$0x0]  }
0x5e: {  	_ = 	snop  }
0x5f: {  	s12 =	sand.u32 $0x2, s13  }
0x60: {  	p0 =	seq.s32 s12, $0x0  }
0x61: {  	v7 =	vpsel !p0, $0xBF800000, v2  }
0x62: {  	v6 =	vmul.f32 v6, v7;
	_ =	sdelay $0x1  }
0x63: {  	(xrf1) =	vsort.ascd.msk.f32 $0xffff, v6, v6;
	_ =	sdelay $0xd  }
0x64: {  	v6, _, _ =	vpop (xrf1)  }
0x65: {  	s30 =	sand.u32 $0x3C, s10;
	s31 =	sand.u32 $0x1, s10;
	v6 =	vmul.f32 v6, v7  }
0x66: {  	s12 =	sor.u32 s31, s30  }
0x67: {  	[tilespmem:s11+$0x0] =	vst v6;
	s11 =	sshll.u32 s12, $0x4  }
0x68: {  	v7 =	vld [tilespmem:s11+$0x0]  }
0x69: {  	v8 =	vld [tilespmem:s11+$0x20];
	_ =	sdelay $0x2  }
0x6a: {  	s13 =	simm.s32 $0x2  }
0x6b: {  	s14 =	sand.u32 $0x2, s10;
	s10 =	simm.s32 $0x2;
	s12 =	simm.s32 $0x1  }
0x6c: {  	p1 =	seq.s32 s14, $0x0;
	s14 =	sand.u32 $0x3C, s10;
	s15 =	sand.u32 $0x1, s12;
	v6 =	vmin.f32 v7, v8;
	v7 =	vmax.f32 v7, v8  }
.LBB2_10:
0x6d: {  	p0 =	sne.s32 s13, $0x1F  }
0x6e: {  	s14 =	sor.u32 s15, s14;
	v8 =	vpsel p1, v6, v7;
	v6 =	vpsel p1, v7, v6;
	s15 =	smov.u32 s13;
	s13 =	sadd.s32 $0x1, s13  }
0x6f: {  	s14 =	sshll.u32 s14, $0x4;
	[tilespmem:s11+$0x0] =	vst v8  }
0x70: {  	v7 =	vld [tilespmem:s14+$0x0];
	[tilespmem:s11+$0x20] =	vst v6;
	s11 =	smov.u32 s14  }
0x71: {  	v8 =	vld [tilespmem:s11+$0x20]  }
.Ltmp4:
0x72: {  	(pc) =	sbr.rel @p0 .LBB2_10-.Ltmp4, $4  }
0x73: {  	_ = 	snop  }
0x74: {  	s14 =	sand.u32 $0x2, s12;
	s12 =	smov.u32 s15  }
0x75: {  	s10 =	sadd.s32 $0x2, s10;
	p1 =	seq.s32 s14, $0x0  }
0x76: {  	s14 =	sand.u32 $0x3C, s10;
	s15 =	sand.u32 $0x1, s12;
	v6 =	vmin.f32 v7, v8;
	v7 =	vmax.f32 v7, v8  }
0x77: {  	s10 =	sor.u32 s15, s14;
	v8 =	vpsel p1, v6, v7  }
0x78: {  	v6 =	vpsel p1, v7, v6;
	s10 =	sshll.u32 s10, $0x4;
	[tilespmem:s11+$0x0] =	vst v8  }
0x79: {  	v7 =	vld [tilespmem:s10+$0x0];
	[tilespmem:s11+$0x20] =	vst v6  }
0x7a: {  	v6 =	vld [tilespmem:s10+$0x20];
	_ =	sdelay $0x3  }
0x7b: {  	s31 =	sand.u32 $0x2, s12  }
0x7c: {  	p0 =	seq.s32 s31, $0x0;
	v8 =	vmin.f32 v7, v6;
	v6 =	vmax.f32 v7, v6  }
0x7d: {  	v7 =	vpsel p0, v8, v6  }
0x7e: {  	v6 =	vpsel p0, v6, v8;
	[tilespmem:s10+$0x0] =	vst v7  }
0x7f: {  	s12 =	simm.s32 $0x10;
	[tilespmem:s10+$0x20] =	vst v6  }
0x80: {  	s13 =	simm.s32 $0x1;
	v6 =	vld [tilespmem:s12+$0xFFFFFFF0]  }
0x81: {  	s14 =	simm.s32 $0x0;
	s11 =	simm.s32 $0x10;
	s10 =	simm.s32 $0x0;
	v7 =	vld [tilespmem:s12+$0x0]  }
.LBB2_12:
0x82: {  	p0 =	sne.s32 s13, $0x1F;
	_ =	sdelay $0x2  }
.Ltmp5:
0x83: {  	s15 =	sand.u32 $0x2, s14;
	s14 =	smov.u32 s13;
	(pc) =	sbr.rel @p0 .LBB2_12-.Ltmp5, $4  }
0x84: {  	p1 =	seq.s32 s15, $0x0;
	v8 =	vmin.f32 v6, v7;
	v6 =	vmax.f32 v6, v7  }
0x85: {  	s12 =	sadd.s32 $0x20, s12;
	v9 =	vpsel p1, v8, v6;
	v7 =	vpsel p1, v6, v8  }
0x86: {  	v6 =	vld [tilespmem:s12+$0xFFFFFFF0];
	[tilespmem:s11+$0x0] =	vst v7  }
0x87: {  	s13 =	sadd.s32 $0x1, s13;
	v7 =	vld [tilespmem:s12+$0x0];
	[tilespmem:s11+$0xFFFFFFF0] =	vst v9;
	s11 =	smov.u32 s12  }
0x88: {  	_ =	sdelay $0x2  }
0x89: {  	s12 =	sand.u32 $0x2, s14  }
0x8a: {  	p0 =	seq.s32 s12, $0x0;
	v8 =	vmin.f32 v6, v7;
	v6 =	vmax.f32 v6, v7  }
0x8b: {  	v7 =	vpsel p0, v6, v8  }
0x8c: {  	v6 =	vpsel p0, v8, v6;
	[tilespmem:s11+$0x0] =	vst v7  }
0x8d: {  	[tilespmem:s11+$0xFFFFFFF0] =	vst v6  }
0x8e: {  	s12 =	simm.s32 $0x0;
	s11 =	simm.s32 $0x1;
	v6 =	vld [tilespmem:s10+$0x0]  }
.LBB2_14:
0x8f: {  	p0 =	sne.s32 s11, $0x3F  }
0x90: {  	s13 =	sand.u32 $0x4, s10;
	s10 =	smov.u32 s11  }
0x91: {  	p1 =	seq.s32 s13, $0x0  }
0x92: {  	v7 =	vpsel !p1, $0xBF800000, v2  }
0x93: {  	v6 =	vmul.f32 v6, v7;
	_ =	sdelay $0x1  }
0x94: {  	(xrf1) =	vsort.ascd.msk.f32 $0xffff, v6, v6;
	_ =	sdelay $0xd  }
.Ltmp6:
0x95: {  	v6, _, _ =	vpop (xrf1);
	(pc) =	sbr.rel @p0 .LBB2_14-.Ltmp6, $3  }
0x96: {  	v6 =	vmul.f32 v6, v7;
	_ =	sdelay $0x1  }
0x97: {  	[tilespmem:s12+$0x0] =	vst v6;
	s12 =	sadd.s32 $0x10, s12  }
0x98: {  	s11 =	sadd.s32 $0x1, s11;
	v6 =	vld [tilespmem:s12+$0x0]  }
0x99: {  	_ = 	snop  }
0x9a: {  	s10 =	sand.u32 $0x4, s10  }
0x9b: {  	p0 =	seq.s32 s10, $0x0  }
0x9c: {  	v7 =	vpsel !p0, $0xBF800000, v2  }
0x9d: {  	v6 =	vmul.f32 v6, v7;
	_ =	sdelay $0x1  }
0x9e: {  	(xrf1) =	vsort.ascd.msk.f32 $0xffff, v6, v6;
	_ =	sdelay $0xd  }
0x9f: {  	s11 =	simm.s32 $0x0;
	v6, _, _ =	vpop (xrf1)  }
0xa0: {  	s31 =	sand.u32 $0x38, s11;
	s13 =	sand.u32 $0x3, s11;
	v6 =	vmul.f32 v6, v7  }
0xa1: {  	s10 =	sor.u32 s13, s31  }
0xa2: {  	s13 =	sshll.u32 s10, $0x4;
	[tilespmem:s12+$0x0] =	vst v6  }
0xa3: {  	v7 =	vld [tilespmem:s13+$0x0]  }
0xa4: {  	v8 =	vld [tilespmem:s13+$0x40];
	_ =	sdelay $0x2  }
0xa5: {  	s15 =	simm.s32 $0x2;
	s16 =	simm.s32 $0x2  }
0xa6: {  	s14 =	simm.s32 $0x1;
	s10 =	simm.s32 $0x1;
	s12 =	sand.u32 $0x4, s11  }
0xa7: {  	s17 =	sand.u32 $0x38, s16;
	s18 =	sand.u32 $0x3, s10;
	p1 =	seq.s32 s12, $0x0;
	v6 =	vmin.f32 v7, v8;
	v7 =	vmax.f32 v7, v8  }
.LBB2_16:
0xa8: {  	p0 =	sne.s32 s15, $0x1F  }
0xa9: {  	s17 =	sor.u32 s18, s17;
	v8 =	vpsel p1, v6, v7;
	v6 =	vpsel p1, v7, v6;
	s18 =	smov.u32 s15;
	s15 =	sadd.s32 $0x1, s15  }
0xaa: {  	s17 =	sshll.u32 s17, $0x4;
	[tilespmem:s13+$0x0] =	vst v8  }
0xab: {  	v7 =	vld [tilespmem:s17+$0x0];
	[tilespmem:s13+$0x40] =	vst v6;
	s13 =	smov.u32 s17  }
0xac: {  	v8 =	vld [tilespmem:s13+$0x40]  }
.Ltmp7:
0xad: {  	(pc) =	sbr.rel @p0 .LBB2_16-.Ltmp7, $4  }
0xae: {  	_ = 	snop  }
0xaf: {  	s17 =	sand.u32 $0x4, s14;
	s14 =	smov.u32 s18  }
0xb0: {  	s16 =	sadd.s32 $0x2, s16;
	p1 =	seq.s32 s17, $0x0  }
0xb1: {  	s17 =	sand.u32 $0x38, s16;
	s18 =	sand.u32 $0x3, s14;
	v6 =	vmin.f32 v7, v8;
	v7 =	vmax.f32 v7, v8  }
0xb2: {  	s15 =	sor.u32 s18, s17;
	v8 =	vpsel p1, v6, v7  }
0xb3: {  	v6 =	vpsel p1, v7, v6;
	s15 =	sshll.u32 s15, $0x4;
	[tilespmem:s13+$0x0] =	vst v8  }
0xb4: {  	v7 =	vld [tilespmem:s15+$0x0];
	[tilespmem:s13+$0x40] =	vst v6  }
0xb5: {  	v6 =	vld [tilespmem:s15+$0x40];
	_ =	sdelay $0x3  }
0xb6: {  	s29 =	sand.u32 $0x4, s14  }
0xb7: {  	p0 =	seq.s32 s29, $0x0;
	v8 =	vmin.f32 v7, v6;
	v6 =	vmax.f32 v7, v6  }
0xb8: {  	s30 =	sand.u32 $0x3C, s11;
	s31 =	sand.u32 $0x1, s11;
	v7 =	vpsel p0, v8, v6  }
0xb9: {  	s11 =	sor.u32 s31, s30;
	v6 =	vpsel p0, v6, v8;
	[tilespmem:s15+$0x0] =	vst v7  }
0xba: {  	s11 =	sshll.u32 s11, $0x4;
	[tilespmem:s15+$0x40] =	vst v6  }
0xbb: {  	v7 =	vld [tilespmem:s11+$0x0]  }
0xbc: {  	v8 =	vld [tilespmem:s11+$0x20];
	_ =	sdelay $0x3  }
0xbd: {  	s14 =	simm.s32 $0x2;
	p1 =	seq.s32 s12, $0x0  }
0xbe: {  	s12 =	sand.u32 $0x3C, s14;
	s13 =	simm.s32 $0x2;
	s15 =	sand.u32 $0x1, s10;
	v6 =	vmin.f32 v7, v8;
	v7 =	vmax.f32 v7, v8  }
.LBB2_18:
0xbf: {  	p0 =	sne.s32 s13, $0x1F  }
0xc0: {  	s12 =	sor.u32 s15, s12;
	v8 =	vpsel p1, v6, v7;
	v6 =	vpsel p1, v7, v6;
	s15 =	smov.u32 s13;
	s13 =	sadd.s32 $0x1, s13  }
0xc1: {  	s12 =	sshll.u32 s12, $0x4;
	[tilespmem:s11+$0x0] =	vst v8  }
0xc2: {  	v7 =	vld [tilespmem:s12+$0x0];
	[tilespmem:s11+$0x20] =	vst v6;
	s11 =	smov.u32 s12  }
0xc3: {  	v8 =	vld [tilespmem:s11+$0x20]  }
.Ltmp8:
0xc4: {  	(pc) =	sbr.rel @p0 .LBB2_18-.Ltmp8, $4  }
0xc5: {  	_ = 	snop  }
0xc6: {  	s12 =	sand.u32 $0x4, s10;
	s10 =	smov.u32 s15  }
0xc7: {  	s14 =	sadd.s32 $0x2, s14;
	p1 =	seq.s32 s12, $0x0  }
0xc8: {  	s12 =	sand.u32 $0x3C, s14;
	s15 =	sand.u32 $0x1, s10;
	v6 =	vmin.f32 v7, v8;
	v7 =	vmax.f32 v7, v8  }
0xc9: {  	s12 =	sor.u32 s15, s12;
	v8 =	vpsel p1, v6, v7  }
0xca: {  	v6 =	vpsel p1, v7, v6;
	s12 =	sshll.u32 s12, $0x4;
	[tilespmem:s11+$0x0] =	vst v8  }
0xcb: {  	v7 =	vld [tilespmem:s12+$0x0];
	[tilespmem:s11+$0x20] =	vst v6  }
0xcc: {  	v6 =	vld [tilespmem:s12+$0x20];
	_ =	sdelay $0x3  }
0xcd: {  	s10 =	sand.u32 $0x4, s10  }
0xce: {  	p0 =	seq.s32 s10, $0x0;
	v8 =	vmin.f32 v7, v6;
	v6 =	vmax.f32 v7, v6  }
0xcf: {  	v7 =	vpsel p0, v8, v6  }
0xd0: {  	v6 =	vpsel p0, v6, v8;
	[tilespmem:s12+$0x0] =	vst v7  }
0xd1: {  	[tilespmem:s12+$0x20] =	vst v6;
	s12 =	simm.s32 $0x10  }
0xd2: {  	s13 =	simm.s32 $0x1;
	v6 =	vld [tilespmem:s12+$0xFFFFFFF0]  }
0xd3: {  	s14 =	simm.s32 $0x0;
	s10 =	simm.s32 $0x0;
	s11 =	simm.s32 $0x10;
	v7 =	vld [tilespmem:s12+$0x0]  }
.LBB2_20:
0xd4: {  	p0 =	sne.s32 s13, $0x1F;
	_ =	sdelay $0x2  }
.Ltmp9:
0xd5: {  	s15 =	sand.u32 $0x4, s14;
	s14 =	smov.u32 s13;
	(pc) =	sbr.rel @p0 .LBB2_20-.Ltmp9, $4  }
0xd6: {  	p1 =	seq.s32 s15, $0x0;
	v8 =	vmin.f32 v6, v7;
	v6 =	vmax.f32 v6, v7  }
0xd7: {  	s12 =	sadd.s32 $0x20, s12;
	v9 =	vpsel p1, v8, v6;
	v7 =	vpsel p1, v6, v8  }
0xd8: {  	v6 =	vld [tilespmem:s12+$0xFFFFFFF0];
	[tilespmem:s11+$0x0] =	vst v7  }
0xd9: {  	s13 =	sadd.s32 $0x1, s13;
	v7 =	vld [tilespmem:s12+$0x0];
	[tilespmem:s11+$0xFFFFFFF0] =	vst v9;
	s11 =	smov.u32 s12  }
0xda: {  	_ =	sdelay $0x2  }
0xdb: {  	s12 =	sand.u32 $0x4, s14  }
0xdc: {  	p0 =	seq.s32 s12, $0x0;
	v8 =	vmin.f32 v6, v7;
	v6 =	vmax.f32 v6, v7  }
0xdd: {  	v7 =	vpsel p0, v6, v8  }
0xde: {  	v6 =	vpsel p0, v8, v6;
	[tilespmem:s11+$0x0] =	vst v7  }
0xdf: {  	[tilespmem:s11+$0xFFFFFFF0] =	vst v6  }
0xe0: {  	s12 =	simm.s32 $0x0;
	s11 =	simm.s32 $0x1;
	v6 =	vld [tilespmem:s10+$0x0]  }
.LBB2_22:
0xe1: {  	p0 =	sne.s32 s11, $0x3F  }
0xe2: {  	s13 =	sand.u32 $0x8, s10;
	s10 =	smov.u32 s11  }
0xe3: {  	p1 =	seq.s32 s13, $0x0  }
0xe4: {  	v7 =	vpsel !p1, $0xBF800000, v2  }
0xe5: {  	v6 =	vmul.f32 v6, v7;
	_ =	sdelay $0x1  }
0xe6: {  	(xrf1) =	vsort.ascd.msk.f32 $0xffff, v6, v6;
	_ =	sdelay $0xd  }
.Ltmp10:
0xe7: {  	v6, _, _ =	vpop (xrf1);
	(pc) =	sbr.rel @p0 .LBB2_22-.Ltmp10, $3  }
0xe8: {  	v6 =	vmul.f32 v6, v7;
	_ =	sdelay $0x1  }
0xe9: {  	[tilespmem:s12+$0x0] =	vst v6;
	s12 =	sadd.s32 $0x10, s12  }
0xea: {  	s11 =	sadd.s32 $0x1, s11;
	v6 =	vld [tilespmem:s12+$0x0]  }
0xeb: {  	_ = 	snop  }
0xec: {  	s10 =	sand.u32 $0x8, s10  }
0xed: {  	p0 =	seq.s32 s10, $0x0  }
0xee: {  	v7 =	vpsel !p0, $0xBF800000, v2  }
0xef: {  	v6 =	vmul.f32 v6, v7;
	_ =	sdelay $0x1  }
0xf0: {  	(xrf1) =	vsort.ascd.msk.f32 $0xffff, v6, v6;
	_ =	sdelay $0xd  }
0xf1: {  	s11 =	simm.s32 $0x0;
	v6, _, _ =	vpop (xrf1)  }
0xf2: {  	s31 =	sand.u32 $0x30, s11;
	s13 =	sand.u32 $0x7, s11;
	v6 =	vmul.f32 v6, v7  }
0xf3: {  	s10 =	sor.u32 s13, s31  }
0xf4: {  	s13 =	sshll.u32 s10, $0x4;
	[tilespmem:s12+$0x0] =	vst v6  }
0xf5: {  	v7 =	vld [tilespmem:s13+$0x0]  }
0xf6: {  	v8 =	vld [tilespmem:s13+$0x80];
	_ =	sdelay $0x2  }
0xf7: {  	s15 =	simm.s32 $0x2;
	s16 =	simm.s32 $0x2  }
0xf8: {  	s14 =	simm.s32 $0x1;
	s10 =	simm.s32 $0x1;
	s12 =	sand.u32 $0x8, s11  }
0xf9: {  	s17 =	sand.u32 $0x30, s16;
	s18 =	sand.u32 $0x7, s10;
	p1 =	seq.s32 s12, $0x0;
	v6 =	vmin.f32 v7, v8;
	v7 =	vmax.f32 v7, v8  }
.LBB2_24:
0xfa: {  	p0 =	sne.s32 s15, $0x1F  }
0xfb: {  	s17 =	sor.u32 s18, s17;
	v8 =	vpsel p1, v6, v7;
	v6 =	vpsel p1, v7, v6;
	s18 =	smov.u32 s15;
	s15 =	sadd.s32 $0x1, s15  }
0xfc: {  	s17 =	sshll.u32 s17, $0x4;
	[tilespmem:s13+$0x0] =	vst v8  }
0xfd: {  	v7 =	vld [tilespmem:s17+$0x0];
	[tilespmem:s13+$0x80] =	vst v6;
	s13 =	smov.u32 s17  }
0xfe: {  	v8 =	vld [tilespmem:s13+$0x80]  }
.Ltmp11:
0xff: {  	(pc) =	sbr.rel @p0 .LBB2_24-.Ltmp11, $4  }
0x100: {  	_ = 	snop  }
0x101: {  	s17 =	sand.u32 $0x8, s14;
	s14 =	smov.u32 s18  }
0x102: {  	s16 =	sadd.s32 $0x2, s16;
	p1 =	seq.s32 s17, $0x0  }
0x103: {  	s17 =	sand.u32 $0x30, s16;
	s18 =	sand.u32 $0x7, s14;
	v6 =	vmin.f32 v7, v8;
	v7 =	vmax.f32 v7, v8  }
0x104: {  	s15 =	sor.u32 s18, s17;
	v8 =	vpsel p1, v6, v7  }
0x105: {  	v6 =	vpsel p1, v7, v6;
	s15 =	sshll.u32 s15, $0x4;
	[tilespmem:s13+$0x0] =	vst v8  }
0x106: {  	v7 =	vld [tilespmem:s15+$0x0];
	[tilespmem:s13+$0x80] =	vst v6  }
0x107: {  	v6 =	vld [tilespmem:s15+$0x80];
	_ =	sdelay $0x3  }
0x108: {  	s29 =	sand.u32 $0x8, s14  }
0x109: {  	p0 =	seq.s32 s29, $0x0;
	v8 =	vmin.f32 v7, v6;
	v6 =	vmax.f32 v7, v6  }
0x10a: {  	s30 =	sand.u32 $0x38, s11;
	s31 =	sand.u32 $0x3, s11;
	v7 =	vpsel p0, v8, v6  }
0x10b: {  	s11 =	sor.u32 s31, s30;
	v6 =	vpsel p0, v6, v8;
	[tilespmem:s15+$0x0] =	vst v7  }
0x10c: {  	s11 =	sshll.u32 s11, $0x4;
	[tilespmem:s15+$0x80] =	vst v6  }
0x10d: {  	v7 =	vld [tilespmem:s11+$0x0]  }
0x10e: {  	v8 =	vld [tilespmem:s11+$0x40];
	_ =	sdelay $0x3  }
0x10f: {  	s14 =	simm.s32 $0x2;
	p1 =	seq.s32 s12, $0x0  }
0x110: {  	s12 =	sand.u32 $0x38, s14;
	s13 =	simm.s32 $0x2;
	s15 =	sand.u32 $0x3, s10;
	v6 =	vmin.f32 v7, v8;
	v7 =	vmax.f32 v7, v8  }
.LBB2_26:
0x111: {  	p0 =	sne.s32 s13, $0x1F  }
0x112: {  	s12 =	sor.u32 s15, s12;
	v8 =	vpsel p1, v6, v7;
	v6 =	vpsel p1, v7, v6;
	s15 =	smov.u32 s13;
	s13 =	sadd.s32 $0x1, s13  }
0x113: {  	s12 =	sshll.u32 s12, $0x4;
	[tilespmem:s11+$0x0] =	vst v8  }
0x114: {  	v7 =	vld [tilespmem:s12+$0x0];
	[tilespmem:s11+$0x40] =	vst v6;
	s11 =	smov.u32 s12  }
0x115: {  	v8 =	vld [tilespmem:s11+$0x40]  }
.Ltmp12:
0x116: {  	(pc) =	sbr.rel @p0 .LBB2_26-.Ltmp12, $4  }
0x117: {  	_ = 	snop  }
0x118: {  	s12 =	sand.u32 $0x8, s10;
	s10 =	smov.u32 s15  }
0x119: {  	s14 =	sadd.s32 $0x2, s14;
	p1 =	seq.s32 s12, $0x0  }
0x11a: {  	s12 =	sand.u32 $0x38, s14;
	s15 =	sand.u32 $0x3, s10;
	v6 =	vmin.f32 v7, v8;
	v7 =	vmax.f32 v7, v8  }
0x11b: {  	s12 =	sor.u32 s15, s12;
	v8 =	vpsel p1, v6, v7  }
0x11c: {  	v6 =	vpsel p1, v7, v6;
	s12 =	sshll.u32 s12, $0x4;
	[tilespmem:s11+$0x0] =	vst v8  }
0x11d: {  	v7 =	vld [tilespmem:s12+$0x0];
	[tilespmem:s11+$0x40] =	vst v6  }
0x11e: {  	v6 =	vld [tilespmem:s12+$0x40];
	_ =	sdelay $0x3  }
0x11f: {  	s10 =	sand.u32 $0x8, s10  }
0x120: {  	p0 =	seq.s32 s10, $0x0;
	v63 =	vmin.f32 v7, v6;
	v6 =	vmax.f32 v7, v6  }
0x121: {  	v7 =	vpsel p0, v63, v6;
	v6 =	vpsel p0, v6, v63;
	p0 =	por $0x1, $0x1  }
.Ltmp13:
0x122: {  	_ = 	snop;
	(pc) =	sbr.rel @!p0 .LBB2_28-.Ltmp13, $3  }
0x123: {  	_ =	sdelay $0x1  }
0x124: {  	p1 =	por $0x0, $0x0;
	s10 =	simm.s32 $0x0;
	[tilespmem:s12+$0x0] =	vst v7  }
0x125: {  	s11 =	simm.s32 $0x1;
	s16 =	sand.u32 $0x3C, s10;
	s17 =	sand.u32 $0x1, s10;
	[tilespmem:s12+$0x40] =	vst v6  }
0x126: {  	s12 =	sor.u32 s17, s16  }
0x127: {  	s12 =	sshll.u32 s12, $0x4  }
0x128: {  	v7 =	vld [tilespmem:s12+$0x0]  }
0x129: {  	p3 =	por $0x1, $0x1;
	v8 =	vld [tilespmem:s12+$0x20]  }
.Ltmp14:
0x12a: {  	_ = 	snop;
	(pc) =	sbr.rel @!p3 .LBB2_30-.Ltmp14, $4  }
0x12b: {  	_ = 	snop  }
0x12c: {  	s13 =	sand.u32 $0x8, s10;
	s14 =	simm.s32 $0x2  }
0x12d: {  	s15 =	simm.s32 $0x2;
	s17 =	sand.u32 $0x1, s11;
	p1 =	por $0x1, $0x1  }
0x12e: {  	p2 =	seq.s32 s13, $0x0;
	s16 =	sand.u32 $0x3C, s14;
	s13 =	simm.s32 $0x1;
	v6 =	vmin.f32 v7, v8;
	v7 =	vmax.f32 v7, v8  }
.LBB2_31:
0x12f: {  	p3 =	sne.s32 s15, $0x1F  }
0x130: {  	s16 =	sor.u32 s17, s16;
	v8 =	vpsel p2, v6, v7;
	v6 =	vpsel p2, v7, v6;
	s17 =	smov.u32 s15;
	s15 =	sadd.s32 $0x1, s15  }
0x131: {  	s16 =	sshll.u32 s16, $0x4;
	[tilespmem:s12+$0x0] =	vst v8  }
0x132: {  	v7 =	vld [tilespmem:s16+$0x0];
	[tilespmem:s12+$0x20] =	vst v6;
	s12 =	smov.u32 s16  }
0x133: {  	v8 =	vld [tilespmem:s12+$0x20]  }
.Ltmp15:
0x134: {  	(pc) =	sbr.rel @p3 .LBB2_31-.Ltmp15, $4  }
0x135: {  	_ = 	snop  }
0x136: {  	s16 =	sand.u32 $0x8, s13;
	s13 =	smov.u32 s17  }
0x137: {  	s14 =	sadd.s32 $0x2, s14;
	p2 =	seq.s32 s16, $0x0  }
0x138: {  	s16 =	sand.u32 $0x3C, s14;
	s17 =	sand.u32 $0x1, s13;
	v6 =	vmin.f32 v7, v8;
	v7 =	vmax.f32 v7, v8  }
.LBB2_32:
0x139: {  	p2 =	por !p2, !p1  }
0x13a: {  	s14 =	sor.u32 s17, s16;
	v8 =	vpsel p2, v7, v6  }
0x13b: {  	s14 =	sshll.u32 s14, $0x4;
	v6 =	vpsel p2, v6, v7;
	[tilespmem:s12+$0x0] =	vst @p1 v8  }
0x13c: {  	v7 =	vld [tilespmem:s14+$0x0];
	[tilespmem:s12+$0x20] =	vst @p1 v6  }
0x13d: {  	v6 =	vld [tilespmem:s14+$0x20];
	_ =	sdelay $0x3  }
0x13e: {  	s31 =	sand.u32 $0x8, s13  }
0x13f: {  	p6 =	seq.s32 s31, $0x0;
	v8 =	vmin.f32 v7, v6;
	v6 =	vmax.f32 v7, v6  }
.Ltmp16:
0x140: {  	v7 =	vpsel p6, v8, v6;
	(pc) =	sbr.rel @!p0 .LBB2_34-.Ltmp16, $4  }
0x141: {  	v6 =	vpsel p6, v6, v8;
	[tilespmem:s14+$0x0] =	vst v7  }
0x142: {  	s12 =	simm.s32 $0x10;
	[tilespmem:s14+$0x20] =	vst v6  }
0x143: {  	v6 =	vld [tilespmem:s12+$0xFFFFFFF0]  }
0x144: {  	s13 =	simm.s32 $0x10;
	v7 =	vld [tilespmem:s12+$0x0]  }
.LBB2_33:
0x145: {  	p0 =	sne.s32 s11, $0x1F;
	_ =	sdelay $0x2  }
.Ltmp17:
0x146: {  	s14 =	sand.u32 $0x8, s10;
	s10 =	smov.u32 s11;
	(pc) =	sbr.rel @p0 .LBB2_33-.Ltmp17, $4  }
0x147: {  	p1 =	seq.s32 s14, $0x0;
	v8 =	vmin.f32 v6, v7;
	v6 =	vmax.f32 v6, v7  }
0x148: {  	s13 =	sadd.s32 $0x20, s13;
	v9 =	vpsel p1, v8, v6;
	v7 =	vpsel p1, v6, v8  }
0x149: {  	v6 =	vld [tilespmem:s13+$0xFFFFFFF0];
	[tilespmem:s12+$0x0] =	vst v7  }
0x14a: {  	s11 =	sadd.s32 $0x1, s11;
	v7 =	vld [tilespmem:s13+$0x0];
	[tilespmem:s12+$0xFFFFFFF0] =	vst v9;
	s12 =	smov.u32 s13  }
.LBB2_34:
0x14b: {  	_ =	sdelay $0x2  }
0x14c: {  	s10 =	sand.u32 $0x8, s10  }
0x14d: {  	p0 =	seq.s32 s10, $0x0;
	v8 =	vmin.f32 v6, v7;
	v6 =	vmax.f32 v6, v7  }
0x14e: {  	v7 =	vpsel p0, v6, v8  }
0x14f: {  	v6 =	vpsel p0, v8, v6;
	[tilespmem:s12+$0x0] =	vst v7  }
0x150: {  	s10 =	simm.s32 $0x0;
	[tilespmem:s12+$0xFFFFFFF0] =	vst v6  }
0x151: {  	s13 =	simm.s32 $0x0;
	s11 =	simm.s32 $0x0;
	s12 =	simm.s32 $0x1;
	v6 =	vld [tilespmem:s10+$0x0]  }
.LBB2_35:
0x152: {  	p0 =	sne.s32 s12, $0x3F  }
0x153: {  	s14 =	sand.u32 $0x10, s13;
	s13 =	smov.u32 s12  }
0x154: {  	p1 =	seq.s32 s14, $0x0  }
0x155: {  	v7 =	vpsel !p1, $0xBF800000, v2  }
0x156: {  	v6 =	vmul.f32 v6, v7;
	_ =	sdelay $0x1  }
0x157: {  	(xrf1) =	vsort.ascd.msk.f32 $0xffff, v6, v6;
	_ =	sdelay $0xd  }
.Ltmp18:
0x158: {  	v6, _, _ =	vpop (xrf1);
	(pc) =	sbr.rel @p0 .LBB2_35-.Ltmp18, $3  }
0x159: {  	v6 =	vmul.f32 v6, v7;
	_ =	sdelay $0x1  }
0x15a: {  	[tilespmem:s11+$0x0] =	vst v6;
	s11 =	sadd.s32 $0x10, s11  }
0x15b: {  	s12 =	sadd.s32 $0x1, s12;
	v6 =	vld [tilespmem:s11+$0x0]  }
0x15c: {  	_ = 	snop  }
0x15d: {  	s12 =	sand.u32 $0x10, s13  }
0x15e: {  	p0 =	seq.s32 s12, $0x0  }
0x15f: {  	v7 =	vpsel !p0, $0xBF800000, v2  }
0x160: {  	v6 =	vmul.f32 v6, v7;
	_ =	sdelay $0x1  }
0x161: {  	(xrf1) =	vsort.ascd.msk.f32 $0xffff, v6, v6;
	_ =	sdelay $0xd  }
0x162: {  	v6, _, _ =	vpop (xrf1)  }
0x163: {  	s30 =	sand.u32 $0x20, s10;
	s31 =	sand.u32 $0xF, s10;
	v6 =	vmul.f32 v6, v7  }
0x164: {  	s10 =	sor.u32 s31, s30  }
0x165: {  	s10 =	sshll.u32 s10, $0x4;
	[tilespmem:s11+$0x0] =	vst v6  }
0x166: {  	v7 =	vld [tilespmem:s10+$0x0]  }
0x167: {  	v8 =	vld [tilespmem:s10+$0x100];
	_ =	sdelay $0x3  }
0x168: {  	s13 =	simm.s32 $0x2;
	p1 =	por $0x1, $0x1;
	s11 =	simm.s32 $0x1  }
0x169: {  	s12 =	simm.s32 $0x2;
	s14 =	sand.u32 $0x20, s13;
	s15 =	sand.u32 $0xF, s11;
	v6 =	vmin.f32 v7, v8;
	v7 =	vmax.f32 v7, v8  }
.LBB2_37:
0x16a: {  	p0 =	sne.s32 s12, $0x1F  }
0x16b: {  	s14 =	sor.u32 s15, s14;
	v8 =	vpsel p1, v6, v7;
	v6 =	vpsel p1, v7, v6;
	s15 =	smov.u32 s12;
	s12 =	sadd.s32 $0x1, s12  }
0x16c: {  	s14 =	sshll.u32 s14, $0x4;
	[tilespmem:s10+$0x0] =	vst v8  }
0x16d: {  	v7 =	vld [tilespmem:s14+$0x0];
	[tilespmem:s10+$0x100] =	vst v6;
	s10 =	smov.u32 s14  }
0x16e: {  	v8 =	vld [tilespmem:s10+$0x100]  }
.Ltmp19:
0x16f: {  	(pc) =	sbr.rel @p0 .LBB2_37-.Ltmp19, $3  }
0x170: {  	_ =	sdelay $0x1  }
0x171: {  	p1 =	slt.u32 s11, $0x10;
	s13 =	sadd.s32 $0x2, s13;
	s11 =	smov.u32 s15  }
0x172: {  	s14 =	sand.u32 $0x20, s13;
	s15 =	sand.u32 $0xF, s11;
	v6 =	vmin.f32 v7, v8;
	v7 =	vmax.f32 v7, v8  }
0x173: {  	s12 =	sor.u32 s15, s14;
	v8 =	vpsel p1, v6, v7  }
0x174: {  	v6 =	vpsel p1, v7, v6;
	s12 =	sshll.u32 s12, $0x4;
	[tilespmem:s10+$0x0] =	vst v8  }
0x175: {  	v7 =	vld [tilespmem:s12+$0x0];
	[tilespmem:s10+$0x100] =	vst v6  }
0x176: {  	v6 =	vld [tilespmem:s12+$0x100];
	_ =	sdelay $0x2  }
0x177: {  	p1 =	por $0x1, $0x1  }
.Ltmp20:
0x178: {  	_ = 	snop;
	(pc) =	sbr.rel @!p1 .LBB2_39-.Ltmp20, $4  }
0x179: {  	p0 =	slt.u32 s11, $0x10;
	v63 =	vmin.f32 v7, v6;
	v6 =	vmax.f32 v7, v6  }
0x17a: {  	s11 =	simm.s32 $0x0;
	v7 =	vpsel p0, v63, v6  }
0x17b: {  	s16 =	sand.u32 $0x30, s11;
	v6 =	vpsel p0, v6, v63;
	[tilespmem:s12+$0x0] =	vst v7  }
0x17c: {  	s17 =	sand.u32 $0x7, s11;
	s10 =	simm.s32 $0x1;
	p0 =	por $0x0, $0x0;
	[tilespmem:s12+$0x100] =	vst v6  }
0x17d: {  	s12 =	sor.u32 s17, s16  }
0x17e: {  	s12 =	sshll.u32 s12, $0x4  }
0x17f: {  	v7 =	vld [tilespmem:s12+$0x0]  }
0x180: {  	p4 =	por $0x1, $0x1;
	v8 =	vld [tilespmem:s12+$0x80]  }
.Ltmp21:
0x181: {  	_ = 	snop;
	(pc) =	sbr.rel @!p4 .LBB2_41-.Ltmp21, $4  }
0x182: {  	_ = 	snop  }
0x183: {  	s14 =	simm.s32 $0x2  }
0x184: {  	s15 =	simm.s32 $0x2;
	p3 =	por $0x1, $0x1;
	s17 =	sand.u32 $0x7, s10  }
0x185: {  	p2 =	por $0x1, $0x1;
	s13 =	simm.s32 $0x1;
	s16 =	sand.u32 $0x30, s14;
	v6 =	vmin.f32 v7, v8;
	v7 =	vmax.f32 v7, v8  }
.LBB2_42:
0x186: {  	p4 =	sne.s32 s15, $0x1F  }
0x187: {  	s16 =	sor.u32 s17, s16;
	v8 =	vpsel p3, v6, v7;
	v6 =	vpsel p3, v7, v6;
	s17 =	smov.u32 s15;
	s15 =	sadd.s32 $0x1, s15  }
0x188: {  	s16 =	sshll.u32 s16, $0x4;
	[tilespmem:s12+$0x0] =	vst v8  }
0x189: {  	v7 =	vld [tilespmem:s16+$0x0];
	[tilespmem:s12+$0x80] =	vst v6;
	s12 =	smov.u32 s16  }
0x18a: {  	v8 =	vld [tilespmem:s12+$0x80]  }
.Ltmp22:
0x18b: {  	(pc) =	sbr.rel @p4 .LBB2_42-.Ltmp22, $3  }
0x18c: {  	_ =	sdelay $0x1  }
0x18d: {  	p3 =	slt.u32 s13, $0x10;
	s14 =	sadd.s32 $0x2, s14;
	s13 =	smov.u32 s17  }
0x18e: {  	s16 =	sand.u32 $0x30, s14;
	s17 =	sand.u32 $0x7, s13;
	v6 =	vmin.f32 v7, v8;
	v7 =	vmax.f32 v7, v8  }
.LBB2_43:
0x18f: {  	p3 =	por !p3, !p2  }
0x190: {  	s14 =	sor.u32 s17, s16;
	v8 =	vpsel p3, v7, v6  }
0x191: {  	s14 =	sshll.u32 s14, $0x4;
	v6 =	vpsel p3, v6, v7;
	[tilespmem:s12+$0x0] =	vst @p2 v8  }
0x192: {  	v7 =	vld [tilespmem:s14+$0x0];
	[tilespmem:s12+$0x80] =	vst @p2 v6  }
0x193: {  	v6 =	vld [tilespmem:s14+$0x80];
	_ =	sdelay $0x3  }
.Ltmp23:
0x194: {  	_ = 	snop;
	(pc) =	sbr.rel @!p1 .LBB2_44-.Ltmp23, $4  }
0x195: {  	p6 =	slt.u32 s13, $0x10;
	v63 =	vmin.f32 v7, v6;
	v6 =	vmax.f32 v7, v6  }
0x196: {  	v7 =	vpsel p6, v63, v6  }
0x197: {  	v6 =	vpsel p6, v6, v63;
	[tilespmem:s14+$0x0] =	vst v7  }
0x198: {  	s15 =	sand.u32 $0x3, s11;
	[tilespmem:s14+$0x80] =	vst v6;
	s14 =	sand.u32 $0x38, s11  }
0x199: {  	s11 =	sor.u32 s15, s14  }
0x19a: {  	s12 =	sshll.u32 s11, $0x4  }
0x19b: {  	v7 =	vld [tilespmem:s12+$0x0]  }
0x19c: {  	p2 =	por $0x1, $0x1;
	v8 =	vld [tilespmem:s12+$0x40]  }
.Ltmp24:
0x19d: {  	_ = 	snop;
	(pc) =	sbr.rel @!p2 .LBB2_46-.Ltmp24, $3  }
0x19e: {  	_ =	sdelay $0x1  }
0x19f: {  	p1 =	por $0x1, $0x1;
	s13 =	simm.s32 $0x2;
	s15 =	sand.u32 $0x3, s10  }
0x1a0: {  	p0 =	por $0x1, $0x1;
	s11 =	simm.s32 $0x2;
	s14 =	sand.u32 $0x38, s13;
	v6 =	vmin.f32 v7, v8;
	v7 =	vmax.f32 v7, v8  }
.LBB2_47:
0x1a1: {  	p2 =	sne.s32 s11, $0x1F  }
0x1a2: {  	s14 =	sor.u32 s15, s14;
	v8 =	vpsel p1, v6, v7;
	v6 =	vpsel p1, v7, v6;
	s15 =	smov.u32 s11;
	s11 =	sadd.s32 $0x1, s11  }
0x1a3: {  	s14 =	sshll.u32 s14, $0x4;
	[tilespmem:s12+$0x0] =	vst v8  }
0x1a4: {  	v7 =	vld [tilespmem:s14+$0x0];
	[tilespmem:s12+$0x40] =	vst v6;
	s12 =	smov.u32 s14  }
0x1a5: {  	v8 =	vld [tilespmem:s12+$0x40]  }
.Ltmp25:
0x1a6: {  	(pc) =	sbr.rel @p2 .LBB2_47-.Ltmp25, $3  }
0x1a7: {  	_ =	sdelay $0x1  }
0x1a8: {  	p1 =	slt.u32 s10, $0x10;
	s13 =	sadd.s32 $0x2, s13;
	s10 =	smov.u32 s15  }
0x1a9: {  	s14 =	sand.u32 $0x38, s13;
	s15 =	sand.u32 $0x3, s10;
	v6 =	vmin.f32 v7, v8;
	v7 =	vmax.f32 v7, v8  }
0x1aa: {  	s11 =	smov.u32 s10  }
.LBB2_49:
0x1ab: {  	p1 =	por !p1, !p0  }
0x1ac: {  	s10 =	sor.u32 s15, s14;
	v8 =	vpsel p1, v7, v6  }
0x1ad: {  	s13 =	sshll.u32 s10, $0x4;
	v6 =	vpsel p1, v6, v7;
	[tilespmem:s12+$0x0] =	vst @p0 v8  }
0x1ae: {  	v7 =	vld [tilespmem:s13+$0x0];
	[tilespmem:s12+$0x40] =	vst @p0 v6  }
0x1af: {  	v6 =	vld [tilespmem:s13+$0x40];
	_ =	sdelay $0x2  }
0x1b0: {  	p0 =	por $0x1, $0x1  }
.Ltmp26:
0x1b1: {  	_ = 	snop;
	(pc) =	sbr.rel @!p0 .LBB2_50-.Ltmp26, $4  }
0x1b2: {  	p6 =	slt.u32 s11, $0x10;
	v63 =	vmin.f32 v7, v6;
	v6 =	vmax.f32 v7, v6  }
0x1b3: {  	v7 =	vpsel p6, v63, v6  }
0x1b4: {  	s11 =	simm.s32 $0x1;
	s10 =	simm.s32 $0x0;
	v6 =	vpsel p6, v6, v63;
	[tilespmem:s13+$0x0] =	vst v7  }
0x1b5: {  	p1 =	por $0x0, $0x0;
	s16 =	sand.u32 $0x3C, s10;
	s17 =	sand.u32 $0x1, s10;
	[tilespmem:s13+$0x40] =	vst v6  }
0x1b6: {  	s12 =	sor.u32 s17, s16  }
0x1b7: {  	s12 =	sshll.u32 s12, $0x4  }
0x1b8: {  	v7 =	vld [tilespmem:s12+$0x0]  }
0x1b9: {  	p3 =	por $0x1, $0x1;
	v8 =	vld [tilespmem:s12+$0x20]  }
.Ltmp27:
0x1ba: {  	_ = 	snop;
	(pc) =	sbr.rel @!p3 .LBB2_52-.Ltmp27, $4  }
0x1bb: {  	_ = 	snop  }
0x1bc: {  	s14 =	simm.s32 $0x2  }
0x1bd: {  	s15 =	simm.s32 $0x2;
	p2 =	por $0x1, $0x1;
	s17 =	sand.u32 $0x1, s11  }
0x1be: {  	p1 =	por $0x1, $0x1;
	s13 =	simm.s32 $0x1;
	s16 =	sand.u32 $0x3C, s14;
	v6 =	vmin.f32 v7, v8;
	v7 =	vmax.f32 v7, v8  }
.LBB2_53:
0x1bf: {  	p3 =	sne.s32 s15, $0x1F  }
0x1c0: {  	s16 =	sor.u32 s17, s16;
	v8 =	vpsel p2, v6, v7;
	v6 =	vpsel p2, v7, v6;
	s17 =	smov.u32 s15;
	s15 =	sadd.s32 $0x1, s15  }
0x1c1: {  	s16 =	sshll.u32 s16, $0x4;
	[tilespmem:s12+$0x0] =	vst v8  }
0x1c2: {  	v7 =	vld [tilespmem:s16+$0x0];
	[tilespmem:s12+$0x20] =	vst v6;
	s12 =	smov.u32 s16  }
0x1c3: {  	v8 =	vld [tilespmem:s12+$0x20]  }
.Ltmp28:
0x1c4: {  	(pc) =	sbr.rel @p3 .LBB2_53-.Ltmp28, $3  }
0x1c5: {  	_ =	sdelay $0x1  }
0x1c6: {  	p2 =	slt.u32 s13, $0x10;
	s14 =	sadd.s32 $0x2, s14;
	s13 =	smov.u32 s17  }
0x1c7: {  	s16 =	sand.u32 $0x3C, s14;
	s17 =	sand.u32 $0x1, s13;
	v6 =	vmin.f32 v7, v8;
	v7 =	vmax.f32 v7, v8  }
.LBB2_54:
0x1c8: {  	p2 =	por !p2, !p1  }
0x1c9: {  	s14 =	sor.u32 s17, s16;
	v8 =	vpsel p2, v7, v6  }
0x1ca: {  	s14 =	sshll.u32 s14, $0x4;
	v6 =	vpsel p2, v6, v7;
	[tilespmem:s12+$0x0] =	vst @p1 v8  }
0x1cb: {  	v7 =	vld [tilespmem:s14+$0x0];
	[tilespmem:s12+$0x20] =	vst @p1 v6  }
0x1cc: {  	v6 =	vld [tilespmem:s14+$0x20];
	_ =	sdelay $0x4  }
0x1cd: {  	p6 =	slt.u32 s13, $0x10;
	v8 =	vmin.f32 v7, v6;
	v6 =	vmax.f32 v7, v6  }
.Ltmp29:
0x1ce: {  	v7 =	vpsel p6, v8, v6;
	(pc) =	sbr.rel @!p0 .LBB2_56-.Ltmp29, $4  }
0x1cf: {  	v6 =	vpsel p6, v6, v8;
	[tilespmem:s14+$0x0] =	vst v7  }
0x1d0: {  	s12 =	simm.s32 $0x10;
	[tilespmem:s14+$0x20] =	vst v6  }
0x1d1: {  	v6 =	vld [tilespmem:s12+$0xFFFFFFF0]  }
0x1d2: {  	s13 =	simm.s32 $0x10;
	v7 =	vld [tilespmem:s12+$0x0]  }
.LBB2_55:
0x1d3: {  	p0 =	sne.s32 s11, $0x1F;
	_ =	sdelay $0x2  }
.Ltmp30:
0x1d4: {  	(pc) =	sbr.rel @p0 .LBB2_55-.Ltmp30, $4  }
0x1d5: {  	p1 =	slt.u32 s10, $0x10;
	s10 =	smov.u32 s11;
	v8 =	vmin.f32 v6, v7;
	v6 =	vmax.f32 v6, v7  }
0x1d6: {  	s13 =	sadd.s32 $0x20, s13;
	v9 =	vpsel p1, v8, v6;
	v7 =	vpsel p1, v6, v8  }
0x1d7: {  	v6 =	vld [tilespmem:s13+$0xFFFFFFF0];
	[tilespmem:s12+$0x0] =	vst v7  }
0x1d8: {  	s11 =	sadd.s32 $0x1, s11;
	v7 =	vld [tilespmem:s13+$0x0];
	[tilespmem:s12+$0xFFFFFFF0] =	vst v9;
	s12 =	smov.u32 s13  }
.LBB2_56:
0x1d9: {  	_ =	sdelay $0x3  }
0x1da: {  	p0 =	slt.u32 s10, $0x10;
	v8 =	vmin.f32 v6, v7;
	v6 =	vmax.f32 v6, v7  }
0x1db: {  	v7 =	vpsel p0, v6, v8  }
0x1dc: {  	v6 =	vpsel p0, v8, v6;
	[tilespmem:s12+$0x0] =	vst v7  }
0x1dd: {  	s11 =	simm.s32 $0x0;
	[tilespmem:s12+$0xFFFFFFF0] =	vst v6  }
0x1de: {  	s10 =	simm.s32 $0x0;
	s12 =	simm.s32 $0x1;
	v6 =	vld [tilespmem:s11+$0x0]  }
.LBB2_57:
0x1df: {  	p0 =	sne.s32 s12, $0x3F;
	_ =	sdelay $0x1  }
0x1e0: {  	p1 =	slt.u32 s11, $0x20;
	s11 =	smov.u32 s12  }
0x1e1: {  	v7 =	vpsel !p1, $0xBF800000, v2  }
0x1e2: {  	v6 =	vmul.f32 v6, v7;
	_ =	sdelay $0x1  }
0x1e3: {  	(xrf1) =	vsort.ascd.msk.f32 $0xffff, v6, v6;
	_ =	sdelay $0xd  }
.Ltmp31:
0x1e4: {  	v6, _, _ =	vpop (xrf1);
	(pc) =	sbr.rel @p0 .LBB2_57-.Ltmp31, $3  }
0x1e5: {  	v6 =	vmul.f32 v6, v7;
	_ =	sdelay $0x1  }
0x1e6: {  	[tilespmem:s10+$0x0] =	vst v6;
	s10 =	sadd.s32 $0x10, s10  }
0x1e7: {  	s12 =	sadd.s32 $0x1, s12;
	v6 =	vld [tilespmem:s10+$0x0]  }
0x1e8: {  	_ =	sdelay $0x1  }
0x1e9: {  	p0 =	slt.u32 s11, $0x20  }
0x1ea: {  	v7 =	vpsel !p0, $0xBF800000, v2  }
0x1eb: {  	v6 =	vmul.f32 v6, v7;
	_ =	sdelay $0x1  }
0x1ec: {  	(xrf1) =	vsort.ascd.msk.f32 $0xffff, v6, v6;
	_ =	sdelay $0xd  }
0x1ed: {  	v6, _, _ =	vpop (xrf1)  }
0x1ee: {  	v6 =	vmul.f32 v6, v7;
	_ =	sdelay $0x1  }
0x1ef: {  	[tilespmem:s10+$0x0] =	vst v6;
	s10 =	simm.s32 $0x0  }
0x1f0: {  	v6 =	vld [tilespmem:s10+$0x0]  }
0x1f1: {  	s11 =	simm.s32 $0x40;
	v7 =	vld [tilespmem:s10+$0x200]  }
.LBB2_59:
0x1f2: {  	_ =	sdelay $0x1  }
0x1f3: {  	p0 =	sne.s32 s11, $0x7C0  }
.Ltmp32:
0x1f4: {  	_ = 	snop;
	(pc) =	sbr.rel @p0 .LBB2_59-.Ltmp32, $4  }
0x1f5: {  	s12 =	smov.u32 s11;
	v8 =	vmin.f32 v6, v7  }
0x1f6: {  	s12 =	sshra.s32 s12, $0x2;
	v7 =	vmax.f32 v6, v7;
	[tilespmem:s10+$0x0] =	vst v8  }
0x1f7: {  	v6 =	vld [tilespmem:s12+$0x0];
	[tilespmem:s10+$0x200] =	vst v7;
	s10 =	smov.u32 s12  }
0x1f8: {  	s11 =	sadd.s32 $0x40, s11;
	v7 =	vld [tilespmem:s10+$0x200]  }
0x1f9: {  	_ =	sdelay $0x2  }
0x1fa: {  	s11 =	simm.s32 $0x0  }
0x1fb: {  	s12 =	sand.u32 $0x20, s11;
	s13 =	sand.u32 $0xF, s11;
	v8 =	vmin.f32 v6, v7  }
0x1fc: {  	s12 =	sor.u32 s13, s12;
	v6 =	vmax.f32 v6, v7;
	[tilespmem:s10+$0x0] =	vst v8  }
0x1fd: {  	s12 =	sshll.u32 s12, $0x4;
	[tilespmem:s10+$0x200] =	vst v6  }
0x1fe: {  	v6 =	vld [tilespmem:s12+$0x0]  }
0x1ff: {  	v7 =	vld [tilespmem:s12+$0x100];
	_ =	sdelay $0x1  }
0x200: {  	s13 =	simm.s32 $0x2;
	s10 =	simm.s32 $0x1  }
0x201: {  	s14 =	simm.s32 $0x2;
	s15 =	sand.u32 $0x20, s13;
	s16 =	sand.u32 $0xF, s10  }
.LBB2_61:
0x202: {  	p0 =	sne.s32 s14, $0x1F  }
0x203: {  	s15 =	sor.u32 s16, s15;
	v8 =	vmin.f32 v6, v7;
	v7 =	vmax.f32 v6, v7;
	s16 =	smov.u32 s14;
	s14 =	sadd.s32 $0x1, s14  }
0x204: {  	s15 =	sshll.u32 s15, $0x4;
	[tilespmem:s12+$0x0] =	vst v8  }
0x205: {  	v6 =	vld [tilespmem:s15+$0x0];
	[tilespmem:s12+$0x100] =	vst v7;
	s12 =	smov.u32 s15  }
.Ltmp33:
0x206: {  	v7 =	vld [tilespmem:s12+$0x100];
	(pc) =	sbr.rel @p0 .LBB2_61-.Ltmp33, $3  }
0x207: {  	_ =	sdelay $0x1  }
0x208: {  	s13 =	sadd.s32 $0x2, s13  }
0x209: {  	s16 =	sand.u32 $0xF, s16;
	s15 =	sand.u32 $0x20, s13  }
0x20a: {  	s13 =	sor.u32 s16, s15;
	v8 =	vmin.f32 v6, v7  }
0x20b: {  	v6 =	vmax.f32 v6, v7;
	s13 =	sshll.u32 s13, $0x4;
	[tilespmem:s12+$0x0] =	vst v8  }
0x20c: {  	v7 =	vld [tilespmem:s13+$0x0];
	[tilespmem:s12+$0x100] =	vst v6  }
0x20d: {  	v6 =	vld [tilespmem:s13+$0x100];
	_ =	sdelay $0x4  }
0x20e: {  	s30 =	sand.u32 $0x30, s11;
	s31 =	sand.u32 $0x7, s11;
	v8 =	vmin.f32 v7, v6  }
0x20f: {  	s11 =	sor.u32 s31, s30;
	v6 =	vmax.f32 v7, v6;
	[tilespmem:s13+$0x0] =	vst v8  }
0x210: {  	s11 =	sshll.u32 s11, $0x4;
	[tilespmem:s13+$0x100] =	vst v6  }
0x211: {  	v6 =	vld [tilespmem:s11+$0x0]  }
0x212: {  	v7 =	vld [tilespmem:s11+$0x80];
	_ =	sdelay $0x1  }
0x213: {  	s12 =	simm.s32 $0x2  }
0x214: {  	s10 =	sand.u32 $0x7, s10;
	s14 =	sand.u32 $0x30, s12;
	s13 =	simm.s32 $0x2  }
.LBB2_63:
0x215: {  	p0 =	sne.s32 s13, $0x1F  }
0x216: {  	s10 =	sor.u32 s10, s14;
	v8 =	vmin.f32 v6, v7;
	v7 =	vmax.f32 v6, v7;
	s15 =	smov.u32 s13;
	s13 =	sadd.s32 $0x1, s13  }
0x217: {  	s10 =	sshll.u32 s10, $0x4;
	[tilespmem:s11+$0x0] =	vst v8  }
0x218: {  	v6 =	vld [tilespmem:s10+$0x0];
	[tilespmem:s11+$0x80] =	vst v7;
	s11 =	smov.u32 s10  }
.Ltmp34:
0x219: {  	v7 =	vld [tilespmem:s11+$0x80];
	(pc) =	sbr.rel @p0 .LBB2_63-.Ltmp34, $3  }
0x21a: {  	_ =	sdelay $0x1  }
0x21b: {  	s12 =	sadd.s32 $0x2, s12  }
0x21c: {  	s14 =	sand.u32 $0x30, s12;
	s10 =	sand.u32 $0x7, s15  }
0x21d: {  	s10 =	sor.u32 s10, s14;
	v8 =	vmin.f32 v6, v7  }
0x21e: {  	v6 =	vmax.f32 v6, v7;
	s12 =	sshll.u32 s10, $0x4;
	[tilespmem:s11+$0x0] =	vst v8  }
0x21f: {  	v7 =	vld [tilespmem:s12+$0x0];
	[tilespmem:s11+$0x80] =	vst v6  }
0x220: {  	v6 =	vld [tilespmem:s12+$0x80];
	_ =	sdelay $0x1  }
0x221: {  	p1 =	por $0x1, $0x1  }
.Ltmp35:
0x222: {  	_ = 	snop;
	(pc) =	sbr.rel @!p1 .LBB2_65-.Ltmp35, $4  }
0x223: {  	_ = 	snop  }
0x224: {  	v63 =	vmin.f32 v7, v6  }
0x225: {  	p0 =	por $0x0, $0x0;
	s11 =	simm.s32 $0x0;
	v6 =	vmax.f32 v7, v6;
	[tilespmem:s12+$0x0] =	vst v63  }
0x226: {  	s10 =	simm.s32 $0x1;
	s15 =	sand.u32 $0x38, s11;
	s16 =	sand.u32 $0x3, s11;
	[tilespmem:s12+$0x80] =	vst v6  }
0x227: {  	s12 =	sor.u32 s16, s15  }
0x228: {  	p3 =	por $0x1, $0x1;
	s12 =	sshll.u32 s12, $0x4  }
.Ltmp36:
0x229: {  	v6 =	vld [tilespmem:s12+$0x0];
	(pc) =	sbr.rel @!p3 .LBB2_68-.Ltmp36, $3  }
0x22a: {  	v7 =	vld [tilespmem:s12+$0x40];
	_ =	sdelay $0x1  }
0x22b: {  	s13 =	simm.s32 $0x2;
	s14 =	simm.s32 $0x2  }
0x22c: {  	s16 =	sand.u32 $0x3, s10;
	p2 =	por $0x1, $0x1;
	s15 =	sand.u32 $0x38, s14  }
.LBB2_67:
0x22d: {  	p3 =	sne.s32 s13, $0x1F  }
0x22e: {  	s15 =	sor.u32 s16, s15;
	v8 =	vmin.f32 v6, v7;
	v7 =	vmax.f32 v6, v7;
	s16 =	smov.u32 s13;
	s13 =	sadd.s32 $0x1, s13  }
0x22f: {  	s15 =	sshll.u32 s15, $0x4;
	[tilespmem:s12+$0x0] =	vst v8  }
0x230: {  	v6 =	vld [tilespmem:s15+$0x0];
	[tilespmem:s12+$0x40] =	vst v7;
	s12 =	smov.u32 s15  }
.Ltmp37:
0x231: {  	v7 =	vld [tilespmem:s12+$0x40];
	(pc) =	sbr.rel @p3 .LBB2_67-.Ltmp37, $3  }
0x232: {  	_ =	sdelay $0x1  }
0x233: {  	s14 =	sadd.s32 $0x2, s14  }
0x234: {  	s16 =	sand.u32 $0x3, s16;
	s15 =	sand.u32 $0x38, s14  }
.LBB2_68:
0x235: {  	_ = 	snop  }
0x236: {  	s13 =	sor.u32 s16, s15;
	v8 =	vmin.f32 @p2 v6, v7  }
0x237: {  	s13 =	sshll.u32 s13, $0x4;
	v6 =	vmax.f32 @p2 v6, v7;
	[tilespmem:s12+$0x0] =	vst @p2 v8  }
0x238: {  	v7 =	vld [tilespmem:s13+$0x0];
	[tilespmem:s12+$0x40] =	vst @p2 v6  }
0x239: {  	v6 =	vld [tilespmem:s13+$0x40];
	_ =	sdelay $0x2  }
.Ltmp38:
0x23a: {  	_ = 	snop;
	(pc) =	sbr.rel @!p1 .LBB2_69-.Ltmp38, $4  }
0x23b: {  	_ = 	snop  }
0x23c: {  	v63 =	vmin.f32 v7, v6  }
0x23d: {  	v6 =	vmax.f32 v7, v6;
	[tilespmem:s13+$0x0] =	vst v63  }
0x23e: {  	s14 =	sand.u32 $0x3C, s11;
	s15 =	sand.u32 $0x1, s11;
	[tilespmem:s13+$0x40] =	vst v6  }
0x23f: {  	s11 =	sor.u32 s15, s14  }
0x240: {  	p1 =	por $0x1, $0x1;
	s11 =	sshll.u32 s11, $0x4  }
.Ltmp39:
0x241: {  	v6 =	vld [tilespmem:s11+$0x0];
	(pc) =	sbr.rel @!p1 .LBB2_72-.Ltmp39, $3  }
0x242: {  	v7 =	vld [tilespmem:s11+$0x20];
	_ =	sdelay $0x1  }
0x243: {  	s12 =	simm.s32 $0x2;
	s13 =	simm.s32 $0x2  }
0x244: {  	s15 =	sand.u32 $0x1, s10;
	p0 =	por $0x1, $0x1;
	s14 =	sand.u32 $0x3C, s13  }
.LBB2_71:
0x245: {  	p1 =	sne.s32 s12, $0x1F  }
0x246: {  	s10 =	sor.u32 s15, s14;
	v8 =	vmin.f32 v6, v7;
	v7 =	vmax.f32 v6, v7;
	s15 =	smov.u32 s12;
	s12 =	sadd.s32 $0x1, s12  }
0x247: {  	s10 =	sshll.u32 s10, $0x4;
	[tilespmem:s11+$0x0] =	vst v8  }
0x248: {  	v6 =	vld [tilespmem:s10+$0x0];
	[tilespmem:s11+$0x20] =	vst v7;
	s11 =	smov.u32 s10  }
.Ltmp40:
0x249: {  	v7 =	vld [tilespmem:s11+$0x20];
	(pc) =	sbr.rel @p1 .LBB2_71-.Ltmp40, $3  }
0x24a: {  	_ =	sdelay $0x1  }
0x24b: {  	s13 =	sadd.s32 $0x2, s13  }
0x24c: {  	s14 =	sand.u32 $0x3C, s13;
	s15 =	sand.u32 $0x1, s15  }
.LBB2_72:
0x24d: {  	_ = 	snop  }
0x24e: {  	s10 =	sor.u32 s15, s14;
	v8 =	vmin.f32 @p0 v6, v7  }
0x24f: {  	s10 =	sshll.u32 s10, $0x4;
	v6 =	vmax.f32 @p0 v6, v7;
	[tilespmem:s11+$0x0] =	vst @p0 v8  }
0x250: {  	v7 =	vld [tilespmem:s10+$0x0];
	[tilespmem:s11+$0x20] =	vst @p0 v6  }
0x251: {  	v6 =	vld [tilespmem:s10+$0x20];
	_ =	sdelay $0x3  }
0x252: {  	p0 =	por $0x1, $0x1  }
.Ltmp41:
0x253: {  	v8 =	vmin.f32 v7, v6;
	(pc) =	sbr.rel @!p0 .LBB2_74-.Ltmp41, $4  }
0x254: {  	v6 =	vmax.f32 v7, v6;
	[tilespmem:s10+$0x0] =	vst v8  }
0x255: {  	[tilespmem:s10+$0x20] =	vst v6;
	s10 =	simm.s32 $0x0  }
0x256: {  	v6 =	vld [tilespmem:s10+$0x0]  }
0x257: {  	s11 =	simm.s32 $0x80;
	v7 =	vld [tilespmem:s10+$0x10]  }
.LBB2_73:
0x258: {  	_ =	sdelay $0x1  }
0x259: {  	p0 =	sne.s32 s11, $0xF80  }
.Ltmp42:
0x25a: {  	_ = 	snop;
	(pc) =	sbr.rel @p0 .LBB2_73-.Ltmp42, $4  }
0x25b: {  	s12 =	smov.u32 s11;
	v8 =	vmin.f32 v6, v7  }
0x25c: {  	s12 =	sshra.s32 s12, $0x2;
	v7 =	vmax.f32 v6, v7;
	[tilespmem:s10+$0x0] =	vst v8  }
0x25d: {  	v6 =	vld [tilespmem:s12+$0x0];
	[tilespmem:s10+$0x10] =	vst v7;
	s10 =	smov.u32 s12  }
0x25e: {  	s11 =	sadd.s32 $0x80, s11;
	v7 =	vld [tilespmem:s10+$0x10]  }
.LBB2_74:
0x25f: {  	_ = 	snop  }
0x260: {  	p0 =	por $0x1, $0x1  }
.Ltmp43:
0x261: {  	_ = 	snop;
	(pc) =	sbr.rel @!p0 .LBB2_76-.Ltmp43, $4  }
0x262: {  	_ = 	snop  }
0x263: {  	v8 =	vmin.f32 v6, v7  }
0x264: {  	v6 =	vmax.f32 v6, v7;
	[tilespmem:s10+$0x0] =	vst v8  }
0x265: {  	s11 =	simm.s32 $0x40;
	[tilespmem:s10+$0x10] =	vst v6;
	s10 =	simm.s32 $0x0  }
.LBB2_75:
0x266: {  	p0 =	sne.s32 s11, $0xFC0;
	v6 =	vld [tilespmem:s10+$0x0];
	_ =	sdelay $0x4  }
0x267: {  	(xrf1) =	vsort.ascd.msk.f32 $0xffff, v6, v6;
	_ =	sdelay $0xa  }
.Ltmp44:
0x268: {  	(pc) =	sbr.rel @p0 .LBB2_75-.Ltmp44, $3  }
0x269: {  	_ =	sdelay $0x1  }
0x26a: {  	v6, _, _ =	vpop (xrf1)  }
0x26b: {  	[tilespmem:s10+$0x0] =	vst v6;
	s10 =	sshra.s32 s11, $0x2;
	s11 =	sadd.s32 $0x40, s11  }
.LBB2_76:
0x26c: {  	v6 =	vld [tilespmem:s10+$0x0];
	_ =	sdelay $0x4  }
0x26d: {  	(xrf1) =	vsort.ascd.msk.f32 $0xffff, v6, v6;
	_ =	sdelay $0xd  }
0x26e: {  	v6, _, _ =	vpop (xrf1)  }
0x26f: {  	s11 =	simm.s32 $0x0;
	[tilespmem:s10+$0x0] =	vst v6  }
0x270: {  	v7 =	vimm.f32 $-Inf;
	v6 =	vimm.f32 $+Inf;
	s10 =	simm.s32 $0x40;
	v8 =	vld [tilespmem:s11+$0x640]  }
.LBB2_77:
0x271: {  	p0 =	sne.s32 s10, $0x8C0  }
.Ltmp45:
0x272: {  	_ = 	snop;
	(pc) =	sbr.rel @p0 .LBB2_77-.Ltmp45, $3  }
0x273: {  	_ =	sdelay $0x1  }
0x274: {  	s11 =	sshra.s32 s10, $0x2;
	s10 =	sadd.s32 $0x40, s10;
	v6 =	vmin.f32 v6, v8;
	v7 =	vmax.f32 v7, v8  }
0x275: {  	v8 =	vld [tilespmem:s11+$0x640]  }
0x276: {  	_ =	sdelay $0x1  }
0x277: {  	v9 =	vld [tilespmem:$0x0]  }
0x278: {  	v10 =	vld [tilespmem:$0x230]  }
0x279: {  	v6 =	vmin.f32 v6, v8  }
0x27a: {  	v7 =	vmax.f32 v7, v8;
	(xrf0) =	vmin.scan.msk.f32 $0xffff, v6  }
0x27b: {  	(xrf0) =	vmax.scan.msk.f32 $0xffff, v7  }
0x27c: {  	(xrf0) =	vmin.scan.msk.f32 $0xffff, v9  }
0x27d: {  	(xrf0) =	vmax.scan.msk.f32 $0xffff, v10;
	_ =	sdelay $0x2  }
0x27e: {  	v6, _, _ =	vpop (xrf0)  }
0x27f: {  	v7, _, _ =	vpop (xrf0)  }
0x280: {  	v6 =	vbroadcast v6, $0xF;
	v8, _, _ =	vpop (xrf0)  }
0x281: {  	v7 =	vbroadcast v7, $0xF;
	v8 =	vbroadcast v8, $0xF;
	v61, _, _ =	vpop (xrf0)  }
0x282: {  	v9 =	vbroadcast v61, $0xF  }
0x283: {  	v62 =	vmul.f32 v8, v6;
	v8 =	vmul.f32 v8, v7  }
0x284: {  	v6 =	vmul.f32 v9, v6;
	v7 =	vmul.f32 v9, v7;
	_ =	sdelay $0x1  }
0x285: {  	v63 =	vmin.f32 v62, v8;
	v11 =	vmin.f32 v6, v7  }
0x286: {  	v8 =	vmax.f32 v62, v8;
	v6 =	vmax.f32 v6, v7;
	v9 =	vmin.f32 v63, v11  }
0x287: {  	v6 =	vmax.f32 v8, v6;
	v7 =	vsub.s32 $0x80000000, v9;
	vm0 =	vlt.s32 v9, $0x0  }
0x288: {  	v8 =	vsub.s32 $0x80000000, v6;
	vm15 =	vlt.s32 v6, $0x0;
	v7 =	vsel vm0, v7, v9  }
0x289: {  	v6 =	vsel vm15, v8, v6;
	v7 =	vshra.s32 v7, $0x9  }
0x28a: {  	v6 =	vshra.s32 v6, $0x9;
	v7 =	vxor.u32 $0x80000000, v7  }
0x28b: {  	v6 =	vxor.u32 $0x80000000, v6;
	(xrf0) =	vmin.scan.msk.u32 $0xffff, v7  }
0x28c: {  	(xrf0) =	vmax.scan.msk.u32 $0xffff, v6;
	_ =	sdelay $0x4  }
0x28d: {  	v6, _, _ =	vpop (xrf0)  }
0x28e: {  	(v2sf) =	vpush v6, $0xF;
	v6, _, _ =	vpop (xrf0)  }
0x28f: {  	(v2sf) =	vpush v6, $0xF;
	_ =	sdelay $0xd  }
0x290: {  	s11 =	spop (v2sf)  }
0x291: {  	s10 =	simm.s32 $0x0;
	s13 =	spop (v2sf)  }
0x292: {  	v6 =	vld.idx.msk [tilespmem:v3+s10+$0x0], $0xffff;
	s12 =	sadd.s32 $0x7FFFFFFF, s11;
	s11 =	sxor.u32 $0x80000000, s13  }
.LBB2_79:
0x293: {  	s14 =	simm.s32 $0x0  }
0x294: {  	s13 =	sadd.s32 s12, s11;
	v10 =	vld [tilespmem:s14+$0x670]  }
0x295: {  	s13 =	sshra.s32 s13, $0x1;
	v11 =	vld [tilespmem:s14+$0x660]  }
0x296: {  	v9 =	vld [tilespmem:s14+$0x640];
	v7 =	vmov s13  }
0x297: {  	v8 =	vld [tilespmem:s14+$0x650];
	v12 =	vshll.u32 v7, $0x9  }
0x298: {  	v13 =	vor.u32 $0x1FF, v12;
	v14 =	vxor.u32 $0x7FFFFE01, v12;
	vm0 =	vlt.s32 v12, $0x0  }
0x299: {  	v12 =	vsel vm0, v14, v13;
	vm0 =	vgt.s32 v7, $0x3FBFFF  }
0x29a: {  	v7 =	vsel vm0, $0x7F800000, v12;
	vm0 =	vlt.f32 v10, $0.0e+00;
	v12 =	vmul.f32 v10, v6  }
0x29b: {  	v13 =	vmul.f32 v6, v9;
	vm1 =	vlt.f32 v11, $0.0e+00;
	v14 =	vmul.f32 v11, v6  }
0x29c: {  	vm2 =	vlt.f32 v9, $0.0e+00;
	vm3 =	vlt.f32 v8, $0.0e+00;
	vm4 =	vle.f32 v12, v7  }
0x29d: {  	v12 =	vmul.f32 v8, v6;
	vm5 =	vle.f32 v14, v7;
	vm4 =	vmxor vm0, vm4  }
0x29e: {  	vm6 =	vle.f32 v13, v7;
	vm5 =	vmxor vm1, vm5;
	v13 =	vsel vm4, $0x1B0, v5  }
0x29f: {  	vm6 =	vmxor vm2, vm6;
	vm7 =	vle.f32 v12, v7;
	v12 =	vsel vm5, $0x1B0, v5  }
0x2a0: {  	v14 =	vsel vm6, $0x1B0, v5;
	vm7 =	vmxor vm3, vm7  }
0x2a1: {  	v15 =	vsel vm7, $0x1B0, v5;
	_ =	sdelay $0x1  }
0x2a2: {  	v16 =	vld.idx.msk [tilespmem:v13+s2+$0x0], $0xffff  }
0x2a3: {  	v17 =	vld.idx.msk [tilespmem:v12+s2+$0x0], $0xffff  }
0x2a4: {  	vm1 =	vmmov vm1;
	v18 =	vld.idx.msk [tilespmem:v14+s2+$0x0], $0xffff  }
0x2a5: {  	vm2 =	vmmov vm2;
	v20 =	vsel vm5, $0x121, v4;
	v21 =	vsel vm4, $0x121, v4;
	v19 =	vld.idx.msk [tilespmem:v15+s2+$0x0], $0xffff  }
0x2a6: {  	v22 =	vsel vm6, $0x121, v4;
	v24 =	vsel vm4, $0x240, v3;
	v25 =	vsel vm6, $0x240, v3  }
0x2a7: {  	v27 =	vsel vm5, $0x240, v3;
	vm3 =	vmmov vm3;
	v28 =	vor.u32 $0x1, v12  }
0x2a8: {  	v29 =	vor.u32 $0x1, v13;
	v30 =	vor.u32 $0x1, v14;
	v17 =	vmul.f32 v17, v11  }
0x2a9: {  	v23 =	vsel vm7, $0x121, v4;
	v16 =	vmul.f32 v16, v10;
	v18 =	vmul.f32 v18, v9  }
0x2aa: {  	v26 =	vsel vm7, $0x240, v3;
	v19 =	vmul.f32 v19, v8;
	vm6 =	vle.f32 v17, v7  }
0x2ab: {  	vm4 =	vle.f32 v16, v7;
	vm5 =	vle.f32 v18, v7;
	vm6 =	vmxor vm1, vm6  }
0x2ac: {  	vm4 =	vmxor vm0, vm4;
	vm5 =	vmxor vm2, vm5;
	vm7 =	vle.f32 v19, v7  }
0x2ad: {  	v16 =	vsel vm6, v28, v20;
	v13 =	vsel vm4, v24, v13;
	v17 =	vsel vm4, v29, v21  }
0x2ae: {  	v18 =	vsel vm5, v30, v22;
	v12 =	vsel vm6, v27, v12;
	v14 =	vsel vm5, v25, v14  }
0x2af: {  	v25 =	vor.u32 $0x1, v15;
	v19 =	vadd.s32 $0xFFFFFFFF, v13;
	v21 =	vadd.s32 $0xFFFFFFFF, v12  }
0x2b0: {  	v22 =	vadd.s32 $0xFFFFFFFF, v14;
	vm4 =	vmxor vm3, vm7;
	v20 =	vxor.u32 v19, v17  }
0x2b1: {  	v19 =	vor.u32 v19, v17;
	v24 =	vor.u32 v21, v16;
	v21 =	vxor.u32 v21, v16  }
0x2b2: {  	v15 =	vsel vm4, v26, v15;
	v23 =	vsel vm4, v25, v23;
	v20 =	vshrl.u32 v20, $0x1  }
0x2b3: {  	v21 =	vshrl.u32 v21, $0x1;
	v25 =	vadd.s32 $0xFFFFFFFF, v15;
	v19 =	vsub.s32 v19, v20  }
0x2b4: {  	v20 =	vor.u32 v22, v18;
	v22 =	vxor.u32 v22, v18;
	v21 =	vsub.s32 v24, v21  }
0x2b5: {  	v24 =	vxor.u32 v25, v23;
	v22 =	vshrl.u32 v22, $0x1  }
0x2b6: {  	v25 =	vor.u32 v25, v23;
	v24 =	vshrl.u32 v24, $0x1;
	v20 =	vsub.s32 v20, v22  }
0x2b7: {  	v24 =	vsub.s32 v25, v24  }
0x2b8: {  	v22 =	vld.idx.msk [tilespmem:v19+s2+$0x0], $0xffff  }
0x2b9: {  	v25 =	vld.idx.msk [tilespmem:v21+s2+$0x0], $0xffff;
	_ =	sdelay $0x1  }
0x2ba: {  	v26 =	vld.idx.msk [tilespmem:v20+s2+$0x0], $0xffff  }
0x2bb: {  	v27 =	vld.idx.msk [tilespmem:v24+s2+$0x0], $0xffff  }
0x2bc: {  	v22 =	vmul.f32 v22, v10  }
0x2bd: {  	v25 =	vmul.f32 v25, v11  }
0x2be: {  	v28 =	vor.u32 $0x1, v19;
	v29 =	vor.u32 $0x1, v20;
	vm4 =	vle.f32 v22, v7  }
0x2bf: {  	v22 =	vor.u32 $0x1, v21;
	v26 =	vmul.f32 v26, v9;
	vm5 =	vle.f32 v25, v7  }
0x2c0: {  	v27 =	vmul.f32 v27, v8;
	vm4 =	vmxor vm0, vm4;
	vm5 =	vmxor vm1, vm5  }
0x2c1: {  	v17 =	vsel vm4, v28, v17;
	v13 =	vsel vm4, v13, v19;
	v19 =	vor.u32 $0x1, v24  }
0x2c2: {  	vm4 =	vle.f32 v26, v7;
	vm6 =	vle.f32 v27, v7;
	v16 =	vsel vm5, v22, v16  }
0x2c3: {  	v21 =	vsel vm5, v12, v21;
	v28 =	vxor.u32 v13, v17;
	v30 =	vand.u32 v13, v17  }
0x2c4: {  	vm4 =	vmxor vm2, vm4;
	vm6 =	vmxor vm3, vm6;
	v28 =	vshrl.u32 v28, $0x1  }
0x2c5: {  	v12 =	vsel vm4, v29, v18;
	v14 =	vsel vm4, v14, v20;
	v18 =	vsel vm6, v19, v23  }
0x2c6: {  	v15 =	vsel vm6, v15, v24;
	v24 =	vxor.u32 v21, v16;
	v28 =	vadd.s32 v28, v30  }
0x2c7: {  	v19 =	vand.u32 v14, v12;
	v20 =	vxor.u32 v14, v12;
	v22 =	vand.u32 v15, v18  }
0x2c8: {  	v23 =	vxor.u32 v15, v18;
	v24 =	vshrl.u32 v24, $0x1;
	v20 =	vshrl.u32 v20, $0x1  }
0x2c9: {  	v19 =	vadd.s32 v20, v19;
	v20 =	vshrl.u32 v23, $0x1;
	v23 =	vand.u32 v21, v16  }
0x2ca: {  	v20 =	vadd.s32 v20, v22;
	v22 =	vadd.s32 v24, v23;
	_ =	sdelay $0x2  }
0x2cb: {  	v23 =	vld.idx.msk [tilespmem:v28+s2+$0x0], $0xffff  }
0x2cc: {  	v24 =	vld.idx.msk [tilespmem:v19+s2+$0x0], $0xffff  }
0x2cd: {  	v26 =	vld.idx.msk [tilespmem:v22+s2+$0x0], $0xffff  }
0x2ce: {  	v25 =	vld.idx.msk [tilespmem:v20+s2+$0x0], $0xffff;
	_ =	sdelay $0x1  }
0x2cf: {  	v29 =	vadd.s32 $0x1, v28;
	v23 =	vmul.f32 v23, v10  }
0x2d0: {  	v30 =	vadd.s32 $0x1, v19;
	v27 =	vadd.s32 $0x1, v22;
	v24 =	vmul.f32 v24, v9  }
0x2d1: {  	v31 =	vadd.s32 $0x1, v20;
	vm4 =	vle.f32 v23, v7;
	v26 =	vmul.f32 v26, v11  }
0x2d2: {  	v25 =	vmul.f32 v25, v8;
	vm4 =	vmxor vm0, vm4;
	vm5 =	vle.f32 v24, v7  }
0x2d3: {  	v17 =	vsel vm4, v29, v17;
	v23 =	vsel vm4, v13, v28;
	vm7 =	vle.f32 v26, v7  }
0x2d4: {  	vm6 =	vle.f32 v25, v7;
	vm5 =	vmxor vm2, vm5;
	vm7 =	vmxor vm1, vm7  }
0x2d5: {  	vm6 =	vmxor vm3, vm6;
	v24 =	vsel vm5, v30, v12;
	v19 =	vsel vm5, v14, v19  }
0x2d6: {  	s31 =	simm.s32 $0x40;
	v14 =	vadd.s32 v23, v17;
	v16 =	vsel vm7, v27, v16;
	v21 =	vsel vm7, v21, v22  }
0x2d7: {  	v13 =	vld [tilespmem:s31+$0x660];
	v25 =	vshrl.u32 v14, $0x1;
	v26 =	vsel vm6, v15, v20;
	v20 =	vadd.s32 v19, v24  }
0x2d8: {  	v18 =	vsel vm6, v31, v18;
	v14 =	vld [tilespmem:s31+$0x640];
	v22 =	vadd.s32 v21, v16;
	v28 =	vshrl.u32 v20, $0x1  }
0x2d9: {  	v12 =	vld [tilespmem:s31+$0x670];
	v27 =	vadd.s32 v26, v18;
	v22 =	vshrl.u32 v22, $0x1  }
0x2da: {  	v15 =	vld [tilespmem:s31+$0x650];
	v27 =	vshrl.u32 v27, $0x1  }
0x2db: {  	vm0 =	vmmov vm0;
	v37 =	vadd.s32 $0x1, v25  }
0x2dc: {  	v31 =	vmul.f32 v13, v6;
	vm5 =	vlt.f32 v13, $0.0e+00;
	v38 =	vadd.s32 $0x1, v28;
	v29 =	vld.idx.msk [tilespmem:v25+s2+$0x0], $0xffff  }
0x2dd: {  	v36 =	vadd.s32 $0x1, v22;
	v39 =	vadd.s32 $0x1, v27;
	v30 =	vmul.f32 v6, v14;
	v34 =	vld.idx.msk [tilespmem:v28+s2+$0x0], $0xffff  }
0x2de: {  	v20 =	vmul.f32 v12, v6;
	vm4 =	vlt.f32 v12, $0.0e+00;
	vm8 =	vle.f32 v31, v7;
	v32 =	vld.idx.msk [tilespmem:v22+s2+$0x0], $0xffff  }
0x2df: {  	vm11 =	vlt.f32 v14, $0.0e+00;
	v33 =	vmul.f32 v15, v6;
	vm6 =	vle.f32 v30, v7;
	v30 =	vld.idx.msk [tilespmem:v27+s2+$0x0], $0xffff  }
0x2e0: {  	vm7 =	vlt.f32 v15, $0.0e+00;
	vm8 =	vmxor vm5, vm8;
	vm9 =	vle.f32 v20, v7  }
0x2e1: {  	v35 =	vsel vm8, $0x1B0, v5;
	vm10 =	vle.f32 v33, v7;
	vm12 =	vmxor vm4, vm9  }
0x2e2: {  	vm9 =	vmxor vm11, vm6;
	vm10 =	vmxor vm7, vm10;
	v29 =	vmul.f32 v29, v10  }
0x2e3: {  	v31 =	vsel vm12, $0x1B0, v5;
	v57 =	vsel vm9, $0x1B0, v5;
	v34 =	vmul.f32 v34, v9  }
0x2e4: {  	v32 =	vmul.f32 v32, v11;
	v30 =	vmul.f32 v30, v8;
	vm14 =	vle.f32 v29, v7  }
0x2e5: {  	v20 =	vsel vm10, $0x1B0, v5;
	vm6 =	vle.f32 v34, v7;
	vm14 =	vmxor vm0, vm14  }
0x2e6: {  	vm13 =	vle.f32 v32, v7;
	vm15 =	vle.f32 v30, v7;
	vm6 =	vmxor vm2, vm6  }
0x2e7: {  	v17 =	vsel vm14, v37, v17;
	vm13 =	vmxor vm1, vm13;
	vm15 =	vmxor vm3, vm15  }
0x2e8: {  	v19 =	vsel vm6, v19, v28;
	v21 =	vsel vm13, v21, v22;
	v22 =	vsel vm14, v23, v25  }
0x2e9: {  	v16 =	vsel vm13, v36, v16;
	v23 =	vsel vm6, v38, v24;
	v24 =	vadd.s32 v22, v17  }
0x2ea: {  	v18 =	vsel vm15, v39, v18;
	v25 =	vadd.s32 v21, v16;
	v24 =	vshrl.u32 v24, $0x1  }
0x2eb: {  	v58 =	vld.idx.msk [tilespmem:v57+s2+$0x0], $0xffff;
	v26 =	vsel vm15, v26, v27;
	v29 =	vadd.s32 v19, v23;
	v25 =	vshrl.u32 v25, $0x1  }
0x2ec: {  	v59 =	vld.idx.msk [tilespmem:v20+s2+$0x0], $0xffff;
	v30 =	vadd.s32 v26, v18;
	v29 =	vshrl.u32 v29, $0x1  }
0x2ed: {  	v28 =	vld.idx.msk [tilespmem:v31+s2+$0x0], $0xffff;
	v30 =	vshrl.u32 v30, $0x1  }
0x2ee: {  	v62 =	vsel vm8, $0x121, v4;
	v47 =	vsel vm8, $0x240, v3;
	v27 =	vld.idx.msk [tilespmem:v35+s2+$0x0], $0xffff  }
0x2ef: {  	v48 =	vor.u32 $0x1, v35;
	vm7 =	vmmov vm7;
	v63 =	vsel vm12, $0x121, v4;
	v60 =	vld.idx.msk [tilespmem:v24+s2+$0x0], $0xffff  }
0x2f0: {  	v42 =	vsel vm12, $0x240, v3;
	v41 =	vsel vm9, $0x121, v4;
	v43 =	vsel vm10, $0x121, v4;
	v61 =	vld.idx.msk [tilespmem:v25+s2+$0x0], $0xffff  }
0x2f1: {  	v45 =	vsel vm9, $0x240, v3;
	v46 =	vsel vm10, $0x240, v3;
	v49 =	vor.u32 $0x1, v31;
	v40 =	vld.idx.msk [tilespmem:v29+s2+$0x0], $0xffff  }
0x2f2: {  	v50 =	vor.u32 $0x1, v57;
	vm2 =	vmmov vm2;
	vm1 =	vmmov vm1;
	v44 =	vld.idx.msk [tilespmem:v30+s2+$0x0], $0xffff  }
0x2f3: {  	vm3 =	vmmov vm3;
	vm6 =	vmmov vm5;
	vm5 =	vmmov vm11  }
0x2f4: {  	v32 =	vmul.f32 v58, v14;
	v34 =	vmul.f32 v59, v15;
	v51 =	vadd.s32 $0x1, v24  }
0x2f5: {  	v52 =	vadd.s32 $0x1, v25;
	v28 =	vmul.f32 v28, v12;
	v27 =	vmul.f32 v27, v13  }
0x2f6: {  	v53 =	vadd.s32 $0x1, v29;
	v40 =	vmul.f32 v40, v9;
	v37 =	vmul.f32 v61, v11  }
0x2f7: {  	v54 =	vadd.s32 $0x1, v30;
	v36 =	vmul.f32 v60, v10;
	v44 =	vmul.f32 v44, v8  }
0x2f8: {  	vm13 =	vle.f32 v28, v7;
	vm8 =	vle.f32 v40, v7;
	vm14 =	vle.f32 v37, v7  }
0x2f9: {  	vm15 =	vle.f32 v36, v7;
	vm12 =	vle.f32 v44, v7;
	vm9 =	vmxor vm1, vm14  }
0x2fa: {  	vm10 =	vmxor vm0, vm15;
	vm8 =	vmxor vm2, vm8;
	vm11 =	vmxor vm3, vm12  }
0x2fb: {  	vm14 =	vle.f32 v32, v7;
	vm15 =	vle.f32 v27, v7;
	v17 =	vsel vm10, v51, v17  }
0x2fc: {  	v16 =	vsel vm9, v52, v16;
	v21 =	vsel vm9, v21, v25;
	v25 =	vsel vm10, v22, v24  }
0x2fd: {  	v36 =	vsel vm8, v53, v23;
	v19 =	vsel vm8, v19, v29;
	v18 =	vsel vm11, v54, v18  }
0x2fe: {  	v30 =	vsel vm11, v26, v30;
	vm8 =	vle.f32 v34, v7;
	v22 =	vadd.s32 v25, v17  }
0x2ff: {  	vm11 =	vmxor vm6, vm15;
	v23 =	vadd.s32 v21, v16;
	v53 =	vshrl.u32 v22, $0x1  }
0x300: {  	vm9 =	vmxor vm4, vm13;
	v22 =	vadd.s32 v19, v36;
	v24 =	vshrl.u32 v23, $0x1  }
0x301: {  	vm10 =	vmxor vm5, vm14;
	v26 =	vshrl.u32 v22, $0x1;
	v22 =	vadd.s32 v30, v18  }
0x302: {  	v27 =	vsel vm11, v48, v62;
	v38 =	vsel vm9, v49, v63;
	v32 =	vshrl.u32 v22, $0x1  }
0x303: {  	v28 =	vsel vm10, v50, v41;
	v29 =	vsel vm11, v47, v35;
	v39 =	vsel vm9, v42, v31  }
0x304: {  	v31 =	vsel vm10, v45, v57;
	vm8 =	vmxor vm7, vm8;
	v54 =	vadd.s32 $0xFFFFFFFF, v29;
	v22 =	vld.idx.msk [tilespmem:v53+s2+$0x0], $0xffff  }
0x305: {  	v55 =	vadd.s32 $0xFFFFFFFF, v39;
	v57 =	vadd.s32 $0xFFFFFFFF, v31;
	v42 =	vsel vm8, v46, v20;
	v23 =	vld.idx.msk [tilespmem:v24+s2+$0x0], $0xffff  }
0x306: {  	v58 =	vor.u32 v54, v27;
	v59 =	vor.u32 v55, v38;
	v61 =	vor.u32 v57, v28;
	v56 =	vld.idx.msk [tilespmem:v26+s2+$0x0], $0xffff  }
0x307: {  	v33 =	vxor.u32 v54, v27;
	v34 =	vxor.u32 v55, v38;
	v35 =	vxor.u32 v57, v28;
	v60 =	vld.idx.msk [tilespmem:v32+s2+$0x0], $0xffff  }
0x308: {  	v49 =	vadd.s32 $0x1, v53;
	v50 =	vadd.s32 $0x1, v24;
	v55 =	vor.u32 $0x1, v20  }
0x309: {  	v33 =	vshrl.u32 v33, $0x1;
	v34 =	vshrl.u32 v34, $0x1;
	v62 =	vshrl.u32 v35, $0x1  }
0x30a: {  	v51 =	vadd.s32 $0x1, v26;
	v63 =	vsub.s32 v59, v34;
	v22 =	vmul.f32 v22, v10  }
0x30b: {  	v35 =	vsub.s32 v58, v33;
	v23 =	vmul.f32 v23, v11;
	v40 =	vmul.f32 v56, v9  }
0x30c: {  	v34 =	vsub.s32 v61, v62;
	v52 =	vadd.s32 $0x1, v32;
	v44 =	vmul.f32 v60, v8  }
0x30d: {  	vm10 =	vle.f32 v23, v7;
	vm11 =	vle.f32 v22, v7;
	vm9 =	vle.f32 v40, v7  }
0x30e: {  	vm10 =	vmxor vm1, vm10;
	vm11 =	vmxor vm0, vm11;
	vm12 =	vle.f32 v44, v7  }
0x30f: {  	vm9 =	vmxor vm2, vm9;
	v22 =	vsel vm11, v49, v17;
	v24 =	vsel vm10, v21, v24;
	v21 =	vld.idx.msk [tilespmem:v63+s2+$0x0], $0xffff  }
0x310: {  	v23 =	vsel vm10, v50, v16;
	v25 =	vsel vm11, v25, v53;
	vm12 =	vmxor vm3, vm12  }
0x311: {  	v16 =	vsel vm9, v51, v36;
	v17 =	vsel vm9, v19, v26;
	v19 =	vadd.s32 v25, v22  }
0x312: {  	v53 =	vadd.s32 v24, v23;
	v18 =	vsel vm12, v52, v18;
	v26 =	vshrl.u32 v19, $0x1  }
0x313: {  	v54 =	vadd.s32 v17, v16;
	v19 =	vsel vm12, v30, v32;
	v30 =	vshrl.u32 v53, $0x1  }
0x314: {  	v20 =	vshrl.u32 v54, $0x1;
	v59 =	vmul.f32 v21, v12;
	v21 =	vadd.s32 v19, v18  }
0x315: {  	v43 =	vsel vm8, v55, v43;
	v57 =	vld.idx.msk [tilespmem:v35+s2+$0x0], $0xffff;
	v56 =	vadd.s32 $0xFFFFFFFF, v42;
	v21 =	vshrl.u32 v21, $0x1  }
0x316: {  	v58 =	vxor.u32 v56, v43;
	v60 =	vld.idx.msk [tilespmem:v34+s2+$0x0], $0xffff  }
0x317: {  	v37 =	vshrl.u32 v58, $0x1;
	v32 =	vor.u32 v56, v43;
	v61 =	vld.idx.msk [tilespmem:v26+s2+$0x0], $0xffff  }
0x318: {  	v44 =	vsub.s32 v32, v37;
	vm8 =	vle.f32 v59, v7;
	v37 =	vld.idx.msk [tilespmem:v30+s2+$0x0], $0xffff  }
0x319: {  	v45 =	vor.u32 $0x1, v35;
	v62 =	vor.u32 $0x1, v63;
	vm8 =	vmxor vm4, vm8;
	v40 =	vld.idx.msk [tilespmem:v20+s2+$0x0], $0xffff  }
0x31a: {  	v46 =	vor.u32 $0x1, v34;
	v32 =	vsel vm8, v62, v38;
	v33 =	vsel vm8, v39, v63;
	v39 =	vld.idx.msk [tilespmem:v21+s2+$0x0], $0xffff  }
0x31b: {  	v48 =	vmul.f32 v57, v13;
	v49 =	vmul.f32 v60, v14;
	v63 =	vxor.u32 v33, v32  }
0x31c: {  	v47 =	vor.u32 $0x1, v44;
	v38 =	vand.u32 v33, v32;
	v36 =	vshrl.u32 v63, $0x1  }
0x31d: {  	s15 =	simm.s32 $0x200;
	s14 =	simm.s32 $0x0;
	v36 =	vadd.s32 v36, v38;
	v41 =	vmul.f32 v61, v10;
	v38 =	vadd.s32 $0x1, v26  }
.LBB2_80:
0x31e: {  	p0 =	sne.s32 s15, $0x800;
	v40 =	vmul.f32 v40, v9;
	v37 =	vmul.f32 v37, v11;
	v50 =	vadd.s32 $0x1, v30  }
0x31f: {  	v51 =	vadd.s32 $0x1, v20;
	v39 =	vmul.f32 v39, v8;
	v52 =	vadd.s32 $0x1, v21  }
0x320: {  	vm10 =	vle.f32 v41, v7;
	vm8 =	vle.f32 v40, v7;
	vm9 =	vle.f32 v37, v7  }
0x321: {  	vm11 =	vle.f32 v39, v7;
	vm10 =	vmxor vm0, vm10;
	v37 =	vld.idx.msk [tilespmem:v44+s2+$0x0], $0xffff;
	vm9 =	vmxor vm1, vm9  }
0x322: {  	vm8 =	vmxor vm2, vm8;
	vm11 =	vmxor vm3, vm11;
	v22 =	vsel vm10, v38, v22  }
0x323: {  	v25 =	vsel vm10, v25, v26;
	v23 =	vsel vm9, v50, v23;
	v24 =	vsel vm9, v24, v30  }
0x324: {  	v16 =	vsel vm8, v51, v16;
	v17 =	vsel vm8, v17, v20;
	v20 =	vadd.s32 v25, v22  }
0x325: {  	v18 =	vsel vm11, v52, v18;
	v26 =	vadd.s32 v24, v23;
	v20 =	vshrl.u32 v20, $0x1  }
0x326: {  	v19 =	vsel vm11, v19, v21;
	v30 =	vadd.s32 v17, v16;
	v21 =	vshrl.u32 v26, $0x1  }
0x327: {  	v30 =	vshrl.u32 v30, $0x1;
	v26 =	vmul.f32 v37, v15;
	v37 =	vadd.s32 v19, v18  }
0x328: {  	vm8 =	vle.f32 v49, v7;
	vm9 =	vle.f32 v48, v7;
	v37 =	vshrl.u32 v37, $0x1  }
0x329: {  	vm8 =	vmxor vm5, vm8;
	vm9 =	vmxor vm6, vm9;
	vm10 =	vle.f32 v26, v7;
	v26 =	vld.idx.msk [tilespmem:v36+s2+$0x0], $0xffff  }
0x32a: {  	v27 =	vsel vm9, v45, v27;
	v29 =	vsel vm9, v29, v35;
	vm10 =	vmxor vm7, vm10;
	v35 =	vld.idx.msk [tilespmem:v20+s2+$0x0], $0xffff  }
0x32b: {  	v28 =	vsel vm8, v46, v28;
	v31 =	vsel vm8, v31, v34;
	v34 =	vsel vm10, v47, v43;
	v38 =	vld.idx.msk [tilespmem:v21+s2+$0x0], $0xffff  }
0x32c: {  	v39 =	vand.u32 v31, v28;
	v41 =	vand.u32 v29, v27;
	v40 =	vsel vm10, v42, v44;
	v42 =	vld.idx.msk [tilespmem:v30+s2+$0x0], $0xffff  }
0x32d: {  	v45 =	vxor.u32 v29, v27;
	v43 =	vxor.u32 v31, v28;
	v44 =	vand.u32 v40, v34;
	v46 =	vld.idx.msk [tilespmem:v37+s2+$0x0], $0xffff  }
0x32e: {  	v45 =	vshrl.u32 v45, $0x1;
	v43 =	vshrl.u32 v43, $0x1;
	v47 =	vxor.u32 v40, v34  }
0x32f: {  	v41 =	vadd.s32 v45, v41;
	v39 =	vadd.s32 v43, v39;
	v43 =	vshrl.u32 v47, $0x1  }
0x330: {  	v45 =	vadd.s32 $0x1, v36;
	v43 =	vadd.s32 v43, v44;
	v44 =	vadd.s32 $0x1, v41  }
0x331: {  	v47 =	vadd.s32 $0x1, v20;
	v26 =	vmul.f32 v26, v12;
	v35 =	vmul.f32 v35, v10  }
0x332: {  	v48 =	vadd.s32 $0x1, v21;
	v38 =	vmul.f32 v38, v11;
	v42 =	vmul.f32 v42, v9  }
0x333: {  	v49 =	vadd.s32 $0x1, v30;
	v50 =	vadd.s32 $0x1, v37;
	v46 =	vmul.f32 v46, v8  }
0x334: {  	vm10 =	vle.f32 v35, v7;
	vm9 =	vle.f32 v38, v7;
	vm8 =	vle.f32 v42, v7;
	v51 =	vld.idx.msk [tilespmem:v41+s2+$0x0], $0xffff  }
0x335: {  	vm10 =	vmxor vm0, vm10;
	vm9 =	vmxor vm1, vm9;
	vm11 =	vle.f32 v46, v7;
	v35 =	vld.idx.msk [tilespmem:v39+s2+$0x0], $0xffff  }
0x336: {  	v42 =	vsel vm10, v47, v22;
	vm8 =	vmxor vm2, vm8;
	vm11 =	vmxor vm3, vm11;
	v38 =	vld.idx.msk [tilespmem:v43+s2+$0x0], $0xffff  }
0x337: {  	v20 =	vsel vm10, v25, v20;
	v46 =	vsel vm9, v48, v23;
	v21 =	vsel vm9, v24, v21  }
0x338: {  	v20 =	vadd.s32 v20, v42;
	v16 =	vsel vm8, v49, v16;
	v17 =	vsel vm8, v17, v30  }
0x339: {  	v21 =	vadd.s32 v21, v46;
	v25 =	vshrl.u32 v20, $0x1;
	v18 =	vsel vm11, v50, v18  }
0x33a: {  	v17 =	vadd.s32 v17, v16;
	v19 =	vsel vm11, v19, v37;
	v21 =	vshrl.u32 v21, $0x1  }
0x33b: {  	v17 =	vshrl.u32 v17, $0x1;
	v19 =	vadd.s32 v19, v18;
	v20 =	vmul.f32 v51, v13  }
0x33c: {  	v30 =	vshrl.u32 v19, $0x1;
	v22 =	vmul.f32 v35, v14;
	v23 =	vmul.f32 v38, v15  }
0x33d: {  	vm8 =	vle.f32 v26, v7;
	v19 =	vadd.s32 $0x1, v39;
	v35 =	vadd.s32 $0x1, v43  }
0x33e: {  	vm11 =	vle.f32 v20, v7;
	vm9 =	vle.f32 v22, v7;
	vm10 =	vle.f32 v23, v7;
	v26 =	vld.idx.msk [tilespmem:v25+s2+$0x0], $0xffff  }
0x33f: {  	vm8 =	vmxor vm4, vm8;
	vm11 =	vmxor vm6, vm11;
	vm9 =	vmxor vm5, vm9;
	v37 =	vld.idx.msk [tilespmem:v21+s2+$0x0], $0xffff  }
0x340: {  	v24 =	vsel vm8, v45, v32;
	v20 =	vsel vm8, v33, v36;
	vm10 =	vmxor vm7, vm10;
	v32 =	vld.idx.msk [tilespmem:v17+s2+$0x0], $0xffff  }
0x341: {  	v27 =	vsel vm11, v44, v27;
	v22 =	vsel vm9, v19, v28;
	v28 =	vsel vm11, v29, v41;
	v29 =	vld.idx.msk [tilespmem:v30+s2+$0x0], $0xffff  }
0x342: {  	v31 =	vsel vm9, v31, v39;
	v23 =	vsel vm10, v35, v34;
	v19 =	vsel vm10, v40, v43  }
0x343: {  	v33 =	vadd.s32 v31, v22;
	v34 =	vadd.s32 v28, v27;
	v35 =	vadd.s32 v20, v24  }
0x344: {  	v36 =	vadd.s32 v19, v23;
	v34 =	vshrl.u32 v34, $0x1;
	v35 =	vshrl.u32 v35, $0x1  }
0x345: {  	v25 =	vadd.s32 $0x1, v25;
	v33 =	vshrl.u32 v33, $0x1;
	v36 =	vshrl.u32 v36, $0x1  }
0x346: {  	v21 =	vadd.s32 $0x1, v21;
	v26 =	vmul.f32 v26, v10;
	v10 =	vmovc v12;
	v37 =	vmul.f32 v37, v11;
	v11 =	vmovc v13  }
0x347: {  	v17 =	vadd.s32 $0x1, v17;
	v12 =	vmul.f32 v32, v9;
	v9 =	vmovc v14;
	v13 =	vmul.f32 v29, v8;
	v8 =	vmovc v15  }
0x348: {  	v14 =	vadd.s32 $0x1, v30;
	vm9 =	vle.f32 v26, v7;
	vm8 =	vle.f32 v37, v7  }
0x349: {  	s16 =	sshra.s32 s15, $0x2;
	vm9 =	vmxor vm0, vm9;
	vm10 =	vle.f32 v12, v7;
	vm11 =	vle.f32 v13, v7  }
0x34a: {  	vm8 =	vmxor vm1, vm8;
	vm10 =	vmxor vm2, vm10;
	vm11 =	vmxor vm3, vm11;
	v12 =	vld [tilespmem:s16+$0x670]  }
0x34b: {  	v16 =	vsel vm10, v17, v16;
	v17 =	vsel vm11, v14, v18;
	v18 =	vsel vm9, v25, v42;
	v13 =	vld [tilespmem:s16+$0x660]  }
0x34c: {  	v21 =	vsel vm8, v21, v46;
	v25 =	vsub.s32 $0x240, v16;
	v26 =	vsub.s32 $0x240, v17;
	v14 =	vld [tilespmem:s16+$0x640]  }
0x34d: {  	v16 =	vsel vm2, v25, v16;
	v25 =	vsub.s32 $0x240, v21;
	v17 =	vsel vm3, v26, v17;
	v15 =	vld [tilespmem:s16+$0x650]  }
0x34e: {  	v16 =	vadd.s32 v16, v17;
	v17 =	vsel vm1, v25, v21;
	v21 =	vsub.s32 $0x240, v18  }
0x34f: {  	v16 =	vadd.s32 v17, v16;
	v17 =	vsel vm0, v21, v18;
	vm0 =	vmmov vm4  }
0x350: {  	vm4 =	vlt.f32 v12, $0.0e+00;
	v18 =	vmul.f32 v12, v6;
	v16 =	vadd.s32 v17, v16;
	v25 =	vld.idx.msk [tilespmem:v35+s2+$0x0], $0xffff  }
0x351: {  	vm2 =	vlt.f32 v13, $0.0e+00;
	v21 =	vmul.f32 v13, v6;
	v17 =	vmul.f32 v6, v14;
	v26 =	vld.idx.msk [tilespmem:v34+s2+$0x0], $0xffff;
	(xrf0) =	vadd.scan.msk.s32 $0xffff, v16  }
0x352: {  	vm3 =	vlt.f32 v14, $0.0e+00;
	vm12 =	vlt.f32 v15, $0.0e+00;
	v16 =	vmul.f32 v15, v6;
	v29 =	vld.idx.msk [tilespmem:v33+s2+$0x0], $0xffff  }
0x353: {  	vm9 =	vle.f32 v18, v7;
	vm8 =	vle.f32 v21, v7;
	vm1 =	vle.f32 v17, v7;
	v30 =	vld.idx.msk [tilespmem:v36+s2+$0x0], $0xffff  }
0x354: {  	vm11 =	vmxor vm4, vm9;
	vm8 =	vmxor vm2, vm8;
	vm10 =	vle.f32 v16, v7  }
0x355: {  	v17 =	vsel vm11, $0x1B0, v5;
	vm9 =	vmxor vm3, vm1;
	vm10 =	vmxor vm12, vm10  }
0x356: {  	v18 =	vsel vm8, $0x1B0, v5;
	v16 =	vsel vm9, $0x1B0, v5;
	v21 =	vsel vm10, $0x1B0, v5  }
0x357: {  	v32 =	vadd.s32 $0x1, v34;
	v37 =	vadd.s32 $0x1, v35;
	v25 =	vmul.f32 v25, v10;
	v38, _, _ =	vpop (xrf0)  }
0x358: {  	v26 =	vmul.f32 v26, v11;
	v29 =	vmul.f32 v29, v9;
	(v2sf) =	vpush v38, $0xF  }
0x359: {  	v39 =	vadd.s32 $0x1, v36;
	v38 =	vadd.s32 $0x1, v33;
	v30 =	vmul.f32 v30, v8  }
0x35a: {  	vm14 =	vle.f32 v25, v7;
	vm13 =	vle.f32 v26, v7;
	vm1 =	vle.f32 v29, v7  }
0x35b: {  	vm14 =	vmxor vm0, vm14;
	vm13 =	vmxor vm6, vm13;
	vm15 =	vle.f32 v30, v7  }
0x35c: {  	v24 =	vsel vm14, v37, v24;
	vm1 =	vmxor vm5, vm1;
	vm15 =	vmxor vm7, vm15  }
0x35d: {  	v20 =	vsel vm14, v20, v35;
	v25 =	vsel vm13, v32, v27;
	v26 =	vsel vm13, v28, v34  }
0x35e: {  	v28 =	vadd.s32 v20, v24;
	v22 =	vsel vm1, v38, v22;
	v27 =	vsel vm1, v31, v33  }
0x35f: {  	v29 =	vadd.s32 v26, v25;
	v28 =	vshrl.u32 v28, $0x1;
	v23 =	vsel vm15, v39, v23  }
0x360: {  	v31 =	vadd.s32 v27, v22;
	v19 =	vsel vm15, v19, v36;
	v29 =	vshrl.u32 v29, $0x1;
	v30 =	vld.idx.msk [tilespmem:v17+s2+$0x0], $0xffff  }
0x361: {  	vm1 =	vmmov vm6;
	v31 =	vshrl.u32 v31, $0x1;
	v32 =	vadd.s32 v19, v23;
	v34 =	vld.idx.msk [tilespmem:v18+s2+$0x0], $0xffff  }
0x362: {  	vm6 =	vmmov vm2;
	vm2 =	vmmov vm5;
	v36 =	vshrl.u32 v32, $0x1;
	v35 =	vld.idx.msk [tilespmem:v16+s2+$0x0], $0xffff  }
0x363: {  	vm5 =	vmmov vm3;
	vm3 =	vmmov vm7;
	vm7 =	vmmov vm12;
	v37 =	vld.idx.msk [tilespmem:v21+s2+$0x0], $0xffff  }
0x364: {  	v38 =	vld.idx.msk [tilespmem:v28+s2+$0x0], $0xffff  }
0x365: {  	v39 =	vld.idx.msk [tilespmem:v29+s2+$0x0], $0xffff  }
0x366: {  	v41 =	vsel vm11, $0x121, v4;
	v40 =	vsel vm8, $0x121, v4;
	v42 =	vld.idx.msk [tilespmem:v31+s2+$0x0], $0xffff  }
0x367: {  	v44 =	vsel vm11, $0x240, v3;
	v43 =	vsel vm9, $0x121, v4;
	v32 =	vsel vm10, $0x121, v4;
	v45 =	vld.idx.msk [tilespmem:v36+s2+$0x0], $0xffff;
	s16 =	spop (v2sf)  }
0x368: {  	v47 =	vsel vm8, $0x240, v3;
	v46 =	vsel vm9, $0x240, v3;
	v33 =	vsel vm10, $0x240, v3;
	s14 =	sadd.s32 s14, s16  }
0x369: {  	v49 =	vor.u32 $0x1, v17;
	v48 =	vor.u32 $0x1, v18;
	v30 =	vmul.f32 v30, v12  }
0x36a: {  	v50 =	vor.u32 $0x1, v16;
	v34 =	vmul.f32 v34, v13;
	v35 =	vmul.f32 v35, v14  }
0x36b: {  	v51 =	vadd.s32 $0x1, v28;
	v37 =	vmul.f32 v37, v15;
	v38 =	vmul.f32 v38, v10  }
0x36c: {  	v52 =	vadd.s32 $0x1, v29;
	v39 =	vmul.f32 v39, v11;
	v42 =	vmul.f32 v42, v9  }
0x36d: {  	v53 =	vadd.s32 $0x1, v31;
	v54 =	vadd.s32 $0x1, v36;
	v45 =	vmul.f32 v45, v8  }
0x36e: {  	vm10 =	vle.f32 v38, v7;
	vm9 =	vle.f32 v39, v7;
	vm8 =	vle.f32 v42, v7  }
0x36f: {  	vm10 =	vmxor vm0, vm10;
	vm9 =	vmxor vm1, vm9;
	vm11 =	vle.f32 v45, v7  }
0x370: {  	v24 =	vsel vm10, v51, v24;
	vm8 =	vmxor vm2, vm8;
	vm11 =	vmxor vm3, vm11  }
0x371: {  	v20 =	vsel vm10, v20, v28;
	v25 =	vsel vm9, v52, v25;
	v26 =	vsel vm9, v26, v29  }
0x372: {  	v38 =	vsel vm8, v53, v22;
	v39 =	vsel vm8, v27, v31;
	v22 =	vadd.s32 v20, v24  }
0x373: {  	v42 =	vsel vm11, v54, v23;
	v23 =	vadd.s32 v26, v25;
	v45 =	vshrl.u32 v22, $0x1  }
0x374: {  	v22 =	vadd.s32 v39, v38;
	v19 =	vsel vm11, v19, v36;
	v36 =	vshrl.u32 v23, $0x1  }
0x375: {  	vm9 =	vle.f32 v30, v7;
	v30 =	vshrl.u32 v22, $0x1;
	v22 =	vadd.s32 v19, v42  }
0x376: {  	vm10 =	vle.f32 v35, v7;
	vm11 =	vle.f32 v34, v7;
	v51 =	vshrl.u32 v22, $0x1  }
0x377: {  	vm8 =	vle.f32 v37, v7;
	vm9 =	vmxor vm4, vm9;
	vm11 =	vmxor vm6, vm11  }
0x378: {  	vm10 =	vmxor vm5, vm10;
	v41 =	vsel vm9, v49, v41;
	v27 =	vsel vm11, v48, v40;
	v22 =	vld.idx.msk [tilespmem:v45+s2+$0x0], $0xffff  }
0x379: {  	v28 =	vsel vm10, v50, v43;
	v29 =	vsel vm11, v47, v18;
	v47 =	vsel vm9, v44, v17;
	v17 =	vld.idx.msk [tilespmem:v36+s2+$0x0], $0xffff  }
0x37a: {  	v31 =	vsel vm10, v46, v16;
	v16 =	vadd.s32 $0xFFFFFFFF, v29;
	v18 =	vadd.s32 $0xFFFFFFFF, v47;
	v23 =	vld.idx.msk [tilespmem:v30+s2+$0x0], $0xffff  }
0x37b: {  	v34 =	vadd.s32 $0xFFFFFFFF, v31;
	v35 =	vor.u32 v16, v27;
	v37 =	vor.u32 v18, v41;
	v40 =	vld.idx.msk [tilespmem:v51+s2+$0x0], $0xffff  }
0x37c: {  	v43 =	vor.u32 v34, v28;
	v16 =	vxor.u32 v16, v27;
	v18 =	vxor.u32 v18, v41  }
0x37d: {  	v34 =	vxor.u32 v34, v28;
	v16 =	vshrl.u32 v16, $0x1;
	v18 =	vshrl.u32 v18, $0x1  }
0x37e: {  	v34 =	vshrl.u32 v34, $0x1;
	v35 =	vsub.s32 v35, v16;
	v48 =	vsub.s32 v37, v18  }
0x37f: {  	v34 =	vsub.s32 v43, v34;
	v18 =	vadd.s32 $0x1, v45;
	v16 =	vmul.f32 v22, v10  }
0x380: {  	v17 =	vmul.f32 v17, v11;
	v22 =	vmul.f32 v23, v9;
	v23 =	vadd.s32 $0x1, v36  }
0x381: {  	v43 =	vadd.s32 $0x1, v51;
	v37 =	vadd.s32 $0x1, v30;
	v40 =	vmul.f32 v40, v8  }
0x382: {  	vm11 =	vle.f32 v16, v7;
	vm10 =	vle.f32 v17, v7;
	vm9 =	vle.f32 v22, v7  }
0x383: {  	vm11 =	vmxor vm0, vm11;
	vm10 =	vmxor vm1, vm10;
	vm12 =	vle.f32 v40, v7  }
0x384: {  	v22 =	vsel vm11, v18, v24;
	vm9 =	vmxor vm2, vm9;
	vm12 =	vmxor vm3, vm12  }
0x385: {  	v23 =	vsel vm10, v23, v25;
	v24 =	vsel vm10, v26, v36;
	v25 =	vsel vm11, v20, v45  }
0x386: {  	v16 =	vsel vm9, v37, v38;
	v17 =	vsel vm9, v39, v30;
	v20 =	vadd.s32 v25, v22;
	v36 =	vld.idx.msk [tilespmem:v48+s2+$0x0], $0xffff  }
0x387: {  	v30 =	vadd.s32 v24, v23;
	v18 =	vsel vm12, v43, v42;
	v26 =	vshrl.u32 v20, $0x1  }
0x388: {  	v20 =	vadd.s32 v17, v16;
	v19 =	vsel vm12, v19, v51;
	v30 =	vshrl.u32 v30, $0x1  }
0x389: {  	vm8 =	vmxor vm7, vm8;
	v20 =	vshrl.u32 v20, $0x1;
	v37 =	vadd.s32 v19, v18  }
0x38a: {  	v38 =	vor.u32 $0x1, v21;
	v42 =	vsel vm8, v33, v21;
	v21 =	vshrl.u32 v37, $0x1;
	v49 =	vld.idx.msk [tilespmem:v35+s2+$0x0], $0xffff  }
0x38b: {  	v43 =	vsel vm8, v38, v32;
	v32 =	vadd.s32 $0xFFFFFFFF, v42;
	v50 =	vld.idx.msk [tilespmem:v34+s2+$0x0], $0xffff  }
0x38c: {  	v33 =	vxor.u32 v32, v43;
	v36 =	vmul.f32 v36, v12;
	v38 =	vld.idx.msk [tilespmem:v26+s2+$0x0], $0xffff  }
0x38d: {  	v32 =	vor.u32 v32, v43;
	v33 =	vshrl.u32 v33, $0x1;
	v37 =	vld.idx.msk [tilespmem:v30+s2+$0x0], $0xffff  }
0x38e: {  	v44 =	vsub.s32 v32, v33;
	vm8 =	vle.f32 v36, v7;
	v40 =	vld.idx.msk [tilespmem:v20+s2+$0x0], $0xffff  }
.Ltmp46:
0x38f: {  	v45 =	vor.u32 $0x1, v35;
	v32 =	vor.u32 $0x1, v48;
	vm8 =	vmxor vm4, vm8;
	v39 =	vld.idx.msk [tilespmem:v21+s2+$0x0], $0xffff;
	(pc) =	sbr.rel @p0 .LBB2_80-.Ltmp46, $4  }
0x390: {  	v46 =	vor.u32 $0x1, v34;
	v32 =	vsel vm8, v32, v41;
	v33 =	vsel vm8, v47, v48  }
0x391: {  	v47 =	vor.u32 $0x1, v44;
	v48 =	vmul.f32 v49, v13;
	v36 =	vxor.u32 v33, v32  }
0x392: {  	v49 =	vmul.f32 v50, v14;
	v41 =	vand.u32 v33, v32;
	v36 =	vshrl.u32 v36, $0x1  }
0x393: {  	s15 =	sadd.s32 $0x100, s15;
	v36 =	vadd.s32 v36, v41;
	v41 =	vmul.f32 v38, v10;
	v38 =	vadd.s32 $0x1, v26  }
0x394: {  	_ =	sdelay $0x3  }
0x395: {  	v50 =	vld.idx.msk [tilespmem:v44+s2+$0x0], $0xffff  }
0x396: {  	vm9 =	vle.f32 v48, v7  }
0x397: {  	vm8 =	vle.f32 v49, v7;
	vm9 =	vmxor vm6, vm9  }
0x398: {  	vm8 =	vmxor vm5, vm8;
	v27 =	vsel vm9, v45, v27;
	v29 =	vsel vm9, v29, v35  }
0x399: {  	v28 =	vsel vm8, v46, v28;
	v54 =	vxor.u32 v29, v27  }
0x39a: {  	v56 =	vand.u32 v29, v27;
	v46 =	vshrl.u32 v54, $0x1;
	v50 =	vmul.f32 v50, v15  }
0x39b: {  	v57 =	vadd.s32 v46, v56  }
0x39c: {  	vm10 =	vle.f32 v50, v7  }
0x39d: {  	v31 =	vsel vm8, v31, v34;
	vm10 =	vmxor vm7, vm10  }
0x39e: {  	v52 =	vxor.u32 v31, v28;
	v34 =	vsel vm10, v47, v43;
	v42 =	vsel vm10, v42, v44  }
0x39f: {  	v51 =	vand.u32 v31, v28;
	v43 =	vshrl.u32 v52, $0x1;
	v53 =	vxor.u32 v42, v34  }
0x3a0: {  	v44 =	vand.u32 v42, v34;
	v35 =	vadd.s32 v43, v51;
	v61 =	vld.idx.msk [tilespmem:v57+s2+$0x0], $0xffff;
	v55 =	vshrl.u32 v53, $0x1  }
0x3a1: {  	v43 =	vadd.s32 v55, v44  }
0x3a2: {  	v58 =	vld.idx.msk [tilespmem:v36+s2+$0x0], $0xffff;
	_ =	sdelay $0x2  }
0x3a3: {  	v59 =	vld.idx.msk [tilespmem:v35+s2+$0x0], $0xffff;
	v48 =	vmul.f32 v61, v13  }
0x3a4: {  	v60 =	vld.idx.msk [tilespmem:v43+s2+$0x0], $0xffff  }
0x3a5: {  	v45 =	vmul.f32 v58, v12;
	vm11 =	vle.f32 v48, v7  }
0x3a6: {  	v63 =	vadd.s32 $0x1, v36;
	v62 =	vadd.s32 $0x1, v57;
	vm11 =	vmxor vm6, vm11  }
0x3a7: {  	vm13 =	vle.f32 v45, v7;
	v27 =	vsel vm11, v62, v27;
	v29 =	vsel vm11, v29, v57  }
0x3a8: {  	vm8 =	vmxor vm4, vm13;
	v46 =	vmul.f32 v59, v14;
	v53 =	vadd.s32 v29, v27  }
0x3a9: {  	v33 =	vsel vm8, v33, v36;
	v36 =	vshrl.u32 v53, $0x1;
	v47 =	vmul.f32 v60, v15  }
0x3aa: {  	v32 =	vsel vm8, v63, v32;
	v51 =	vadd.s32 $0x1, v35;
	vm14 =	vle.f32 v46, v7  }
0x3ab: {  	v52 =	vadd.s32 $0x1, v43;
	vm9 =	vmxor vm5, vm14;
	vm15 =	vle.f32 v47, v7  }
0x3ac: {  	v28 =	vsel vm9, v51, v28;
	v31 =	vsel vm9, v31, v35;
	v51 =	vadd.s32 v33, v32  }
0x3ad: {  	vm10 =	vmxor vm7, vm15;
	v35 =	vshrl.u32 v51, $0x1;
	v54 =	vadd.s32 v31, v28  }
0x3ae: {  	v34 =	vsel vm10, v52, v34;
	v42 =	vsel vm10, v42, v43;
	v43 =	vshrl.u32 v54, $0x1;
	v57 =	vld.idx.msk [tilespmem:v36+s2+$0x0], $0xffff  }
0x3af: {  	v55 =	vadd.s32 v42, v34  }
0x3b0: {  	v44 =	vshrl.u32 v55, $0x1;
	_ =	sdelay $0x1  }
0x3b1: {  	v56 =	vld.idx.msk [tilespmem:v35+s2+$0x0], $0xffff  }
0x3b2: {  	v58 =	vld.idx.msk [tilespmem:v43+s2+$0x0], $0xffff;
	v46 =	vmul.f32 v57, v13;
	_ =	sdelay $0x1  }
0x3b3: {  	v59 =	vld.idx.msk [tilespmem:v44+s2+$0x0], $0xffff;
	vm13 =	vle.f32 v46, v7  }
0x3b4: {  	vm4 =	vmmov vm4;
	v60 =	vadd.s32 $0x1, v36;
	vm9 =	vmxor vm6, vm13  }
0x3b5: {  	v45 =	vmul.f32 v56, v12;
	v27 =	vsel vm9, v60, v27;
	v29 =	vsel vm9, v29, v36  }
0x3b6: {  	v61 =	vadd.s32 $0x1, v35;
	v47 =	vmul.f32 v58, v14;
	v36 =	vadd.s32 v29, v27  }
0x3b7: {  	v62 =	vadd.s32 $0x1, v43;
	vm14 =	vle.f32 v45, v7;
	v36 =	vshrl.u32 v36, $0x1  }
0x3b8: {  	v48 =	vmul.f32 v59, v15;
	vm12 =	vle.f32 v47, v7;
	vm10 =	vmxor vm4, vm14  }
0x3b9: {  	vm8 =	vmxor vm5, vm12;
	v32 =	vsel vm10, v61, v32;
	v33 =	vsel vm10, v33, v35  }
0x3ba: {  	v28 =	vsel vm8, v62, v28;
	v31 =	vsel vm8, v31, v43;
	v35 =	vadd.s32 v33, v32  }
0x3bb: {  	vm15 =	vle.f32 v48, v7;
	v35 =	vshrl.u32 v35, $0x1;
	v43 =	vadd.s32 v31, v28  }
0x3bc: {  	v63 =	vadd.s32 $0x1, v44;
	vm11 =	vmxor vm7, vm15;
	v43 =	vshrl.u32 v43, $0x1  }
0x3bd: {  	v34 =	vsel vm11, v63, v34;
	v42 =	vsel vm11, v42, v44  }
0x3be: {  	v53 =	vld.idx.msk [tilespmem:v36+s2+$0x0], $0xffff;
	v44 =	vadd.s32 v42, v34  }
0x3bf: {  	v44 =	vshrl.u32 v44, $0x1  }
0x3c0: {  	v52 =	vld.idx.msk [tilespmem:v35+s2+$0x0], $0xffff  }
0x3c1: {  	v54 =	vld.idx.msk [tilespmem:v43+s2+$0x0], $0xffff  }
0x3c2: {  	v40 =	vmul.f32 v40, v9;
	v37 =	vmul.f32 v37, v11  }
0x3c3: {  	v39 =	vmul.f32 v39, v8;
	vm6 =	vmmov vm6;
	v46 =	vmul.f32 v53, v13  }
0x3c4: {  	v57 =	vadd.s32 $0x1, v36;
	vm5 =	vmmov vm5;
	vm7 =	vmmov vm7;
	v55 =	vld.idx.msk [tilespmem:v44+s2+$0x0], $0xffff  }
0x3c5: {  	v56 =	vadd.s32 $0x1, v35;
	v58 =	vadd.s32 $0x1, v43;
	vm13 =	vle.f32 v46, v7  }
0x3c6: {  	vm9 =	vmxor vm6, vm13;
	v45 =	vmul.f32 v52, v12;
	v47 =	vmul.f32 v54, v14  }
0x3c7: {  	v59 =	vadd.s32 $0x1, v44;
	v27 =	vsel vm9, v57, v27;
	v29 =	vsel vm9, v29, v36  }
0x3c8: {  	v60 =	vadd.s32 v29, v27;
	vm14 =	vle.f32 v45, v7;
	vm12 =	vle.f32 v47, v7  }
0x3c9: {  	v48 =	vmul.f32 v55, v15;
	vm10 =	vmxor vm4, vm14;
	vm8 =	vmxor vm5, vm12  }
0x3ca: {  	v32 =	vsel vm10, v56, v32;
	v33 =	vsel vm10, v33, v35;
	v35 =	vshrl.u32 v60, $0x1  }
0x3cb: {  	vm15 =	vle.f32 v48, v7;
	v28 =	vsel vm8, v58, v28;
	v61 =	vadd.s32 v33, v32  }
0x3cc: {  	v31 =	vsel vm8, v31, v43;
	vm12 =	vmxor vm7, vm15;
	v36 =	vshrl.u32 v61, $0x1  }
0x3cd: {  	v43 =	vadd.s32 v31, v28;
	v34 =	vsel vm12, v59, v34;
	v42 =	vsel vm12, v42, v44  }
0x3ce: {  	vm13 =	vle.f32 v40, v7;
	v43 =	vshrl.u32 v43, $0x1;
	v44 =	vadd.s32 v42, v34  }
0x3cf: {  	v46 =	vadd.s32 $0x1, v20;
	vm9 =	vmxor vm2, vm13;
	v44 =	vshrl.u32 v44, $0x1;
	v63 =	vld.idx.msk [tilespmem:v35+s2+$0x0], $0xffff  }
0x3d0: {  	v16 =	vsel vm9, v46, v16;
	v17 =	vsel vm9, v17, v20;
	vm14 =	vle.f32 v41, v7  }
0x3d1: {  	v62 =	vadd.s32 $0x1, v30;
	v49 =	vadd.s32 v17, v16;
	vm10 =	vmxor vm0, vm14;
	v51 =	vld.idx.msk [tilespmem:v36+s2+$0x0], $0xffff  }
0x3d2: {  	v22 =	vsel vm10, v38, v22;
	v25 =	vsel vm10, v25, v26;
	vm15 =	vle.f32 v37, v7  }
0x3d3: {  	v58 =	vadd.s32 $0x1, v35;
	v54 =	vadd.s32 v25, v22;
	vm11 =	vmxor vm1, vm15;
	v52 =	vld.idx.msk [tilespmem:v43+s2+$0x0], $0xffff  }
0x3d4: {  	v57 =	vadd.s32 $0x1, v36;
	v23 =	vsel vm11, v62, v23;
	v53 =	vld.idx.msk [tilespmem:v44+s2+$0x0], $0xffff;
	v56 =	vmul.f32 v63, v13  }
0x3d5: {  	v24 =	vsel vm11, v24, v30;
	v30 =	vshrl.u32 v54, $0x1;
	v59 =	vadd.s32 $0x1, v43  }
0x3d6: {  	v55 =	vadd.s32 v24, v23;
	v40 =	vmul.f32 v51, v12;
	vm12 =	vle.f32 v56, v7  }
0x3d7: {  	v38 =	vshrl.u32 v55, $0x1;
	v60 =	vadd.s32 $0x1, v44;
	vm10 =	vmxor vm6, vm12  }
0x3d8: {  	v37 =	vmul.f32 v52, v14;
	vm13 =	vle.f32 v40, v7;
	v27 =	vsel vm10, v58, v27  }
0x3d9: {  	v29 =	vsel vm10, v29, v35;
	v26 =	vmul.f32 v53, v15;
	vm11 =	vmxor vm4, vm13  }
0x3da: {  	vm14 =	vle.f32 v37, v7;
	v63 =	vadd.s32 v29, v27;
	v32 =	vsel vm11, v57, v32  }
0x3db: {  	v33 =	vsel vm11, v33, v36;
	vm10 =	vmxor vm5, vm14;
	vm15 =	vle.f32 v26, v7  }
0x3dc: {  	v61 =	vld.idx.msk [tilespmem:v30+s2+$0x0], $0xffff;
	v28 =	vsel vm10, v59, v28;
	v31 =	vsel vm10, v31, v43;
	v36 =	vadd.s32 v33, v32  }
0x3dd: {  	v62 =	vld.idx.msk [tilespmem:v38+s2+$0x0], $0xffff;
	vm11 =	vmxor vm7, vm15;
	v36 =	vshrl.u32 v36, $0x1;
	v45 =	vadd.s32 v31, v28  }
0x3de: {  	v26 =	vsel vm11, v60, v34;
	v40 =	vsel vm11, v42, v44;
	v34 =	vshrl.u32 v63, $0x1  }
0x3df: {  	vm8 =	vle.f32 v39, v7;
	v39 =	vshrl.u32 v45, $0x1;
	v47 =	vadd.s32 v40, v26  }
0x3e0: {  	v48 =	vadd.s32 $0x1, v21;
	vm8 =	vmxor vm3, vm8;
	v20 =	vshrl.u32 v47, $0x1  }
0x3e1: {  	v18 =	vsel vm8, v48, v18;
	v19 =	vsel vm8, v19, v21;
	v35 =	vmul.f32 v61, v10  }
0x3e2: {  	v21 =	vshrl.u32 v49, $0x1;
	v54 =	vadd.s32 $0x1, v38;
	v37 =	vmul.f32 v62, v11;
	v50 =	vld.idx.msk [tilespmem:v36+s2+$0x0], $0xffff  }
0x3e3: {  	v51 =	vadd.s32 v19, v18;
	v52 =	vadd.s32 $0x1, v30;
	vm12 =	vle.f32 v35, v7;
	v53 =	vld.idx.msk [tilespmem:v34+s2+$0x0], $0xffff  }
0x3e4: {  	v57 =	vshrl.u32 v51, $0x1;
	vm8 =	vmxor vm0, vm12;
	vm13 =	vle.f32 v37, v7;
	v55 =	vld.idx.msk [tilespmem:v39+s2+$0x0], $0xffff  }
0x3e5: {  	v22 =	vsel vm8, v52, v22;
	v25 =	vsel vm8, v25, v30;
	vm9 =	vmxor vm1, vm13;
	v56 =	vld.idx.msk [tilespmem:v20+s2+$0x0], $0xffff  }
0x3e6: {  	v25 =	vadd.s32 v25, v22;
	v58 =	vadd.s32 $0x1, v36;
	v23 =	vsel vm9, v54, v23  }
0x3e7: {  	v24 =	vsel vm9, v24, v38;
	v25 =	vshrl.u32 v25, $0x1;
	v59 =	vadd.s32 $0x1, v34  }
0x3e8: {  	v60 =	vadd.s32 $0x1, v39;
	v24 =	vadd.s32 v24, v23;
	v41 =	vmul.f32 v50, v12  }
0x3e9: {  	v24 =	vshrl.u32 v24, $0x1;
	v37 =	vmul.f32 v55, v14;
	v35 =	vmul.f32 v53, v13  }
0x3ea: {  	v61 =	vadd.s32 $0x1, v20;
	vm12 =	vle.f32 v41, v7;
	v30 =	vmul.f32 v56, v15  }
0x3eb: {  	vm14 =	vle.f32 v37, v7;
	vm15 =	vle.f32 v35, v7;
	vm10 =	vmxor vm4, vm12  }
0x3ec: {  	vm9 =	vmxor vm6, vm15;
	vm8 =	vmxor vm5, vm14;
	v32 =	vsel vm10, v58, v32  }
0x3ed: {  	v33 =	vsel vm10, v33, v36;
	vm13 =	vle.f32 v30, v7;
	v27 =	vsel vm9, v59, v27  }
0x3ee: {  	v63 =	vld.idx.msk [tilespmem:v57+s2+$0x0], $0xffff;
	v29 =	vsel vm9, v29, v34;
	v28 =	vsel vm8, v60, v28;
	v42 =	vadd.s32 v33, v32  }
0x3ef: {  	v62 =	vld.idx.msk [tilespmem:v21+s2+$0x0], $0xffff;
	v31 =	vsel vm8, v31, v39;
	v43 =	vadd.s32 v29, v27;
	v34 =	vshrl.u32 v42, $0x1  }
0x3f0: {  	v46 =	vld.idx.msk [tilespmem:v25+s2+$0x0], $0xffff;
	vm11 =	vmxor vm7, vm13;
	v44 =	vadd.s32 v31, v28;
	v36 =	vshrl.u32 v43, $0x1  }
0x3f1: {  	v47 =	vld.idx.msk [tilespmem:v24+s2+$0x0], $0xffff;
	v26 =	vsel vm11, v61, v26;
	v20 =	vsel vm11, v40, v20;
	v37 =	vshrl.u32 v44, $0x1  }
0x3f2: {  	v45 =	vadd.s32 v20, v26  }
0x3f3: {  	v35 =	vmul.f32 v63, v8;
	v39 =	vshrl.u32 v45, $0x1  }
0x3f4: {  	v48 =	vadd.s32 $0x1, v21;
	v25 =	vadd.s32 $0x1, v25;
	v24 =	vadd.s32 $0x1, v24;
	v49 =	vld.idx.msk [tilespmem:v34+s2+$0x0], $0xffff  }
0x3f5: {  	v50 =	vadd.s32 $0x1, v57;
	v30 =	vmul.f32 v62, v9;
	vm15 =	vle.f32 v35, v7;
	v51 =	vld.idx.msk [tilespmem:v36+s2+$0x0], $0xffff  }
0x3f6: {  	v55 =	vmul.f32 v46, v10;
	v54 =	vmul.f32 v47, v11;
	vm9 =	vmxor vm3, vm15;
	v52 =	vld.idx.msk [tilespmem:v37+s2+$0x0], $0xffff  }
0x3f7: {  	vm14 =	vle.f32 v30, v7;
	v18 =	vsel vm9, v50, v18;
	v19 =	vsel vm9, v19, v57  }
0x3f8: {  	v57 =	vadd.s32 $0x1, v34;
	vm8 =	vmxor vm2, vm14;
	v19 =	vadd.s32 v19, v18;
	v53 =	vld.idx.msk [tilespmem:v39+s2+$0x0], $0xffff  }
0x3f9: {  	v59 =	vadd.s32 $0x1, v36;
	v60 =	vadd.s32 $0x1, v37;
	v16 =	vsel vm8, v48, v16  }
0x3fa: {  	v17 =	vsel vm8, v17, v21;
	v19 =	vshrl.u32 v19, $0x1;
	v56 =	vmul.f32 v49, v12  }
0x3fb: {  	v17 =	vadd.s32 v17, v16;
	v21 =	vmul.f32 v52, v14;
	v58 =	vmul.f32 v51, v13  }
0x3fc: {  	v61 =	vadd.s32 $0x1, v39;
	v17 =	vshrl.u32 v17, $0x1;
	vm14 =	vle.f32 v56, v7  }
0x3fd: {  	v38 =	vmul.f32 v53, v15;
	vm12 =	vle.f32 v21, v7;
	vm13 =	vle.f32 v58, v7  }
0x3fe: {  	vm10 =	vmxor vm4, vm14;
	vm9 =	vmxor vm6, vm13;
	vm8 =	vmxor vm5, vm12  }
0x3ff: {  	v63 =	vsel vm10, v57, v32;
	v33 =	vsel vm10, v33, v34;
	vm15 =	vle.f32 v38, v7  }
0x400: {  	v38 =	vld.idx.msk [tilespmem:v19+s2+$0x0], $0xffff;
	v27 =	vsel vm9, v59, v27;
	v29 =	vsel vm9, v29, v36;
	v28 =	vsel vm8, v60, v28  }
0x401: {  	v31 =	vsel vm8, v31, v37;
	v33 =	vadd.s32 v33, v63;
	vm11 =	vmxor vm7, vm15  }
0x402: {  	v62 =	vld.idx.msk [tilespmem:v17+s2+$0x0], $0xffff;
	v29 =	vadd.s32 v29, v27;
	v33 =	vshrl.u32 v33, $0x1;
	v31 =	vadd.s32 v31, v28  }
0x403: {  	v26 =	vsel vm11, v61, v26;
	v20 =	vsel vm11, v20, v39;
	v29 =	vshrl.u32 v29, $0x1  }
0x404: {  	vm12 =	vle.f32 v54, v7;
	v40 =	vshrl.u32 v31, $0x1;
	v20 =	vadd.s32 v20, v26  }
0x405: {  	vm13 =	vle.f32 v55, v7;
	v20 =	vshrl.u32 v20, $0x1;
	v8 =	vmul.f32 v38, v8  }
0x406: {  	v17 =	vadd.s32 $0x1, v17;
	vm9 =	vmxor vm0, vm13;
	vm8 =	vmxor vm1, vm12  }
0x407: {  	v47 =	vsel vm8, v24, v23;
	v39 =	vmul.f32 v62, v9;
	vm15 =	vle.f32 v8, v7;
	v8 =	vld.idx.msk [tilespmem:v33+s2+$0x0], $0xffff  }
0x408: {  	v19 =	vadd.s32 $0x1, v19;
	v44 =	vsel vm9, v25, v22;
	v49 =	vsub.s32 $0x240, v47;
	v41 =	vld.idx.msk [tilespmem:v29+s2+$0x0], $0xffff  }
0x409: {  	v51 =	vsub.s32 $0x240, v44;
	v53 =	vadd.s32 $0x1, v33;
	vm14 =	vle.f32 v39, v7;
	v45 =	vld.idx.msk [tilespmem:v40+s2+$0x0], $0xffff  }
0x40a: {  	v50 =	vsel vm1, v49, v47;
	v52 =	vsel vm0, v51, v44;
	vm10 =	vmxor vm2, vm14;
	v48 =	vld.idx.msk [tilespmem:v20+s2+$0x0], $0xffff  }
0x40b: {  	v54 =	vadd.s32 $0x1, v29;
	v42 =	vsel vm10, v17, v16;
	vm11 =	vmxor vm3, vm15  }
0x40c: {  	v56 =	vadd.s32 $0x1, v40;
	v46 =	vsub.s32 $0x240, v42;
	v43 =	vsel vm11, v19, v18  }
0x40d: {  	v58 =	vadd.s32 $0x1, v20;
	v10 =	vsel vm2, v46, v42;
	v19 =	vsub.s32 $0x240, v43  }
0x40e: {  	v11 =	vsel vm3, v19, v43;
	v9 =	vmul.f32 v41, v13;
	v8 =	vmul.f32 v8, v12  }
0x40f: {  	v10 =	vadd.s32 v10, v11;
	v55 =	vmul.f32 v45, v14;
	v57 =	vmul.f32 v48, v15  }
0x410: {  	v10 =	vadd.s32 v50, v10;
	vm12 =	vle.f32 v9, v7;
	vm13 =	vle.f32 v8, v7  }
0x411: {  	vm14 =	vle.f32 v55, v7;
	vm1 =	vmxor vm4, vm13;
	vm15 =	vle.f32 v57, v7  }
0x412: {  	vm2 =	vmxor vm5, vm14;
	vm0 =	vmxor vm6, vm12;
	vm3 =	vmxor vm7, vm15  }
0x413: {  	v7 =	vsel vm2, v56, v28;
	v59 =	vsel vm1, v53, v63;
	v8 =	vsel vm3, v58, v26  }
0x414: {  	v13 =	vsel vm0, v54, v27;
	v60 =	vsub.s32 $0x240, v7;
	v61 =	vsub.s32 $0x240, v8  }
0x415: {  	v62 =	vsub.s32 $0x240, v13;
	v7 =	vsel vm5, v60, v7;
	v8 =	vsel vm7, v61, v8  }
0x416: {  	v63 =	vsub.s32 $0x240, v59;
	v7 =	vadd.s32 v7, v8;
	v8 =	vsel vm6, v62, v13  }
0x417: {  	v10 =	vadd.s32 v52, v10;
	v7 =	vadd.s32 v8, v7;
	v8 =	vsel vm4, v63, v59  }
0x418: {  	(xrf0) =	vadd.scan.msk.s32 $0xffff, v10;
	v7 =	vadd.s32 v8, v7  }
0x419: {  	(xrf0) =	vadd.scan.msk.s32 $0xffff, v7;
	_ =	sdelay $0x4  }
0x41a: {  	v7, _, _ =	vpop (xrf0)  }
0x41b: {  	(v2sf) =	vpush v7, $0xF;
	v7, _, _ =	vpop (xrf0)  }
0x41c: {  	(v2sf) =	vpush v7, $0xF;
	_ =	sdelay $0xc  }
0x41d: {  	s10 =	sadd.s32 $0x1, s10  }
0x41e: {  	p1 =	sne.s32 s10, $0x17;
	s15 =	spop (v2sf)  }
.Ltmp47:
0x41f: {  	s14 =	sadd.s32 s14, s15;
	s31 =	spop (v2sf);
	(pc) =	sbr.rel @p1 .LBB2_79-.Ltmp47, $4  }
0x420: {  	s14 =	sadd.s32 s14, s31  }
0x421: {  	p0 =	sgt.s32 s14, $0x184CC;
	s14 =	smov.u32 s13  }
0x422: {  	s14 =	smov.u32 @p0 s12  }
0x423: {  	s11 =	smov.u32 @p0 s13;
	s12 =	smov.u32 s14  }
0x424: {  	v6 =	vmov s11  }
0x425: {  	v6 =	vshll.u32 v6, $0x9  }
0x426: {  	v6 =	vbroadcast v6, $0x0;
	_ =	sdelay $0x1  }
0x427: {  	v7 =	vor.u32 $0x1FF, v6  }
0x428: {  	v8 =	vsub.s32 $0x80000000, v6;
	vm0 =	vlt.s32 v6, $0x0;
	v9 =	vxor.u32 $0x7FFFFE01, v6  }
0x429: {  	v6 =	vsel vm0, v8, v6;
	v7 =	vsel vm0, v9, v7  }
0x42a: {  	s9 =	sadd.s32 $0x1, s9;
	v6 =	vmin.f32 v6, v7  }
0x42b: {  	p0 =	sne.s32 s9, s5;
	[tilespmem:$0x880] =	vst v6  }
0x42c: {  	[hbm4b:s4+s2] =	stream.linear.scatter [tilespmem:s8], [sflag:$0x1], $0x10, $0x38;
	[tilespmem:$0x890] =	vst v63  }
.Ltmp48:
0x42d: {  	_ = 	snop;
	(pc) =	sbr.rel @p0 .LBB2_1-.Ltmp48, $4  }
.Ltmp49:
0x42e: {  	_ = 	snop;
	(pc) =	sbr.rel @!p0 .LBB2_83-.Ltmp49, $4  }
0x42f: {  	_ =	swait.ge [sflag:s7], $0x10  }
0x430: {  	[sflag:s7] =	ssyncset.done $0x0  }
0x431: {  	[sflag:s7] =	ssyncadd.s32 $0xFFFFFFF0  }
0x432: {  	_ = 	snop  }
.LBB2_28:
.Ltmp50:
0x433: {  	(pc) =	sbr.rel .LBB2_32-.Ltmp50, $2  }
0x434: {  	_ =	sdelay $0x2  }
0x435: {  	s13 =	simm.s32 $0x0  }
.LBB2_39:
.Ltmp51:
0x436: {  	(pc) =	sbr.rel .LBB2_43-.Ltmp51, $2  }
0x437: {  	_ =	sdelay $0x2  }
0x438: {  	s13 =	simm.s32 $0x0;
	p2 =	por $0x0, $0x0  }
.LBB2_44:
.Ltmp52:
0x439: {  	(pc) =	sbr.rel .LBB2_49-.Ltmp52, $2  }
0x43a: {  	_ =	sdelay $0x2  }
0x43b: {  	_ = 	snop  }
.LBB2_50:
.Ltmp53:
0x43c: {  	(pc) =	sbr.rel .LBB2_54-.Ltmp53, $2  }
0x43d: {  	_ =	sdelay $0x2  }
0x43e: {  	s13 =	simm.s32 $0x0  }
.LBB2_65:
.Ltmp54:
0x43f: {  	(pc) =	sbr.rel .LBB2_68-.Ltmp54, $2  }
0x440: {  	_ =	sdelay $0x2  }
0x441: {  	p2 =	por $0x0, $0x0  }
.LBB2_69:
.Ltmp55:
0x442: {  	(pc) =	sbr.rel .LBB2_72-.Ltmp55, $2  }
0x443: {  	_ =	sdelay $0x2  }
0x444: {  	_ = 	snop  }
.LBB2_30:
.Ltmp56:
0x445: {  	(pc) =	sbr.rel .LBB2_32-.Ltmp56, $2  }
0x446: {  	_ =	sdelay $0x2  }
0x447: {  	s13 =	simm.s32 $0x1  }
.LBB2_41:
.Ltmp57:
0x448: {  	(pc) =	sbr.rel .LBB2_43-.Ltmp57, $2  }
0x449: {  	_ =	sdelay $0x2  }
0x44a: {  	s13 =	simm.s32 $0x1  }
.LBB2_46:
.Ltmp58:
0x44b: {  	(pc) =	sbr.rel .LBB2_49-.Ltmp58, $2  }
0x44c: {  	_ =	sdelay $0x2  }
0x44d: {  	s11 =	simm.s32 $0x1  }
.LBB2_52:
.Ltmp59:
0x44e: {  	(pc) =	sbr.rel .LBB2_54-.Ltmp59, $2  }
0x44f: {  	_ =	sdelay $0x2  }
0x450: {  	s13 =	simm.s32 $0x1  }
.LBB2_83:
0x451: {  	_ =	sfence.sel $0x180000  }
0x452: {  	[bflag:$0x0] =	sbarrier.arrive $0xFFFF  }
0x453: {  	p0 =	sne.s32 s0, $0x0;
	_ =	strace $0x90000047  }
0x454: {  	s0 =	sadd.s32 @!p0 $0x100000, s1;
	[bflag:$0x2] =	sbarrier.arrive $0xFFFF  }
0x455: {  	[sflag:s0] =	ssyncadd.tile.s32 @!p0 $0x1;
	_ =	shalt  }
.Lfunc_end2:
_tile_overlayer_lowered:
.L_overlay_start_2:
0x456: {  	(tag) =	ssettag $0x2  }
0x457: {  	s0 =	rddreg [dreg:$0x0];
	s2 =	stileid.u32  }
0x458: {  	s1 =	rddreg [dreg:$0x1];
	p0 =	sne.s32 s2, $0x0  }
0x459: {  	s3 =	rddreg [dreg:$0x2];
	[bflag:$0x3] =	sbarrier.arrive $0xFFFF;
	s2 =	simm.s32 @!p0 $0x1C01  }
0x45a: {  	[timem:s3], [sflag:s2] =	dma.local @!p0 [hbm:s0], s1  }
0x45b: {  	s0 =	simm.s32 @!p0 $0x1  }
0x45c: {  	_ =	swait.ge @!p0 [sflag:s0], s1  }
0x45d: {  	s1 =	ssub.s32 @!p0 $0x0, s1;
	[sflag:s0] =	ssyncset.done @!p0 $0x0  }
0x45e: {  	[sflag:s0] =	ssyncadd.s32 @!p0 s1  }
0x45f: {  	[bflag:$0x3] =	sbarrier.arrive $0xFFFF  }
0x460: {  	_ =	shalt  }

</sc_bundles>
